<compile_context>
chip_gen: v7x
topology: tpu7x:2x2x1
jax: 0.10.2.dev20260603
libtpu: 0.0.44.dev20260713+nightly
codegen_flags: <defaults>
</compile_context>

<pallas_src>
import functools
import jax
import jax.numpy as jnp
from jax import lax
from jax.experimental import pallas as pl
from jax.experimental.pallas import tpu as pltpu
from jax.experimental.pallas import tpu_sc as plsc

_B, _T, _C = 32, 196, 384
_F = _T * _C
_H = _F // 2
_NPAIR = _T // 2
_NBT = _B // 8
_NUNIT = _NPAIR * _NBT
_NW = 32
_KFULL = _NUNIT // _NW
_NTAIL = _NUNIT - _KFULL * _NW
_NVROW = _C // 16


def _make_split():
  info = plsc.get_sparse_core_info()
  num_cores = info.num_cores

  mesh = plsc.VectorSubcoreMesh(core_axis_name="c", subcore_axis_name="s")

  @functools.partial(
      pl.kernel,
      mesh=mesh,
      out_type=jax.ShapeDtypeStruct((_B, 2, _H), jnp.float32),
      scratch_types=[
          pltpu.VMEM((2, 8, _C), jnp.float32),
          pltpu.VMEM((2, 8, _C), jnp.float32),
          pltpu.VMEM((2, 8, _C), jnp.float32),
          pltpu.VMEM((8, 2, _C), jnp.float32),
          pltpu.VMEM((8, 2, _C), jnp.float32),
          pltpu.SemaphoreType.DMA,
          pltpu.SemaphoreType.DMA,
          pltpu.SemaphoreType.DMA,
          pltpu.SemaphoreType.DMA,
          pltpu.SemaphoreType.DMA,
      ],
      compiler_params=pltpu.CompilerParams(
          needs_layout_passes=False,
          disable_bounds_checks=True,
          disable_semaphore_checks=True,
      ),
  )
  def split_kernel(
      xt_hbm, out_hbm, bin0, bin1, btl, bst0, bst1,
      sin0, sin1, stl, sout0, sout1,
  ):
    wid = lax.axis_index("s") * num_cores + lax.axis_index("c")
    lane = lax.iota(jnp.int32, 16)
    p_idx = lane & 1
    c0 = lane >> 1
    bins = (bin0, bin1)
    bsts = (bst0, bst1)
    sin = (sin0, sin1)
    sout = (sout0, sout1)

    def in_copy(u, b):
      j = u >> 2
      bt = u & 3
      return pltpu.make_async_copy(
          xt_hbm.at[pl.ds(2 * j, 2), pl.ds(8 * bt, 8), :], bins[b], sin[b]
      )

    def out_copy(u, b):
      j = u >> 2
      bt = u & 3
      return pltpu.make_async_copy(
          bsts[b],
          out_hbm.at[pl.ds(8 * bt, 8), :, pl.ds(384 * j, 384)],
          sout[b],
      )

    def compute_unit(bin_c, bst_c):
      @plsc.parallel_loop(0, 16, 1, unroll=4)
      def row_body(q):
        dt = q >> 3
        br = q & 7
        bvec = jnp.full((16,), 0, jnp.int32) + br
        cb = 192 * dt
        for m in range(_NVROW):
          v = bin_c[dt, br, pl.ds(16 * m, 16)]
          plsc.store_scatter(bst_c, [bvec, p_idx, c0 + (cb + 8 * m)], v)

    tail_u = _NW * _KFULL + wid

    def tail_in():
      return pltpu.make_async_copy(
          xt_hbm.at[
              pl.ds(2 * (tail_u >> 2), 2), pl.ds(8 * (tail_u & 3), 8), :
          ],
          btl,
          stl,
      )

    def tail_out():
      return pltpu.make_async_copy(
          bst0,
          out_hbm.at[
              pl.ds(8 * (tail_u & 3), 8), :, pl.ds(384 * (tail_u >> 2), 384)
          ],
          sout0,
      )

    in_copy(wid, 0).start()
    in_copy(wid + _NW, 1).start()

    @pl.when(wid < _NTAIL)
    def _():
      tail_in().start()

    def body(k2, carry):
      for b in range(2):
        u = wid + _NW * (2 * k2 + b)
        in_copy(u, b).wait()

        @pl.when(k2 >= 1)
        def _():
          out_copy(u - 2 * _NW, b).wait()

        compute_unit(bins[b], bsts[b])

        @pl.when(k2 < _KFULL // 2 - 1)
        def _():
          in_copy(u + 2 * _NW, b).start()

        out_copy(u, b).start()
      return carry

    lax.fori_loop(0, _KFULL // 2, body, 0)

    for b in range(2):
      out_copy(wid + _NW * (_KFULL - 2 + b), b).wait()

    @pl.when(wid < _NTAIL)
    def _():
      tail_in().wait()
      compute_unit(btl, bst0)
      tail_out().start()
      tail_out().wait()

  return split_kernel


_split = _make_split()


def kernel(input_tensor):
  xt = jnp.transpose(input_tensor, (1, 0, 2))
  return _split(xt)

# --- scband reference (transcript-rebuilt; emitter-appended) ---
"""Pipeline reference for scband-split-layer-3977139716330 (READ-ONLY COPY).

The authoritative reference and input builder live on the scoring server;
editing this copy changes nothing except your own understanding.
"""

import jax, jax.numpy as jnp
import numpy as np

B, T, C = 32, 196, 384
F = T * C

def _build_mask():
    mask = np.zeros(F, dtype=np.int32)
    mask[::2] = 1
    idx1 = np.nonzero(mask == 1)[0].astype(np.int32)
    idx2 = np.nonzero(mask == 0)[0].astype(np.int32)
    return jnp.asarray(idx1), jnp.asarray(idx2)

IDX1, IDX2 = _build_mask()

def setup_inputs(seed: int = 0) -> dict:
    key = jax.random.key(seed)
    x = jax.random.normal(key, (B, T, C), dtype=jnp.float32)
    return {"input_tensor": x}

def reference(input_tensor):
    # Flatten (keras Flatten keeps batch dim)
    flat = input_tensor.reshape(input_tensor.shape[0], -1)
    # boolean_mask with alternating mask -> static gather of even/odd positions
    t1 = jnp.take(flat, IDX1, axis=1)
    t2 = jnp.take(flat, IDX2, axis=1)
    out = jnp.stack([t1, t2], axis=1)  # [B, 2, F//2]
    return out

if __name__ == "__main__":
    import jax
    _d = setup_inputs()
    print(jax.jit(kernel)(*tuple(_d.values())))

</pallas_src>

<mosaic_0001>
#map = affine_map<(d0, d1) -> (0, 0, 0)>
module attributes {stable_mosaic.version = 14 : i64} {
  func.func @split_kernel(%arg0: i32, %arg1: i32, %arg2: memref<196x32x384xf32, #tpu.memory_space<hbm>>, %arg3: memref<32x2x37632xf32, #tpu.memory_space<hbm>>, %arg4: memref<2x8x384xf32, #tpu.memory_space<vmem>>, %arg5: memref<2x8x384xf32, #tpu.memory_space<vmem>>, %arg6: memref<2x8x384xf32, #tpu.memory_space<vmem>>, %arg7: memref<8x2x384xf32, #tpu.memory_space<vmem>>, %arg8: memref<8x2x384xf32, #tpu.memory_space<vmem>>, %arg9: memref<!tpu.dma_semaphore, #tpu.memory_space<semaphore_mem>>, %arg10: memref<!tpu.dma_semaphore, #tpu.memory_space<semaphore_mem>>, %arg11: memref<!tpu.dma_semaphore, #tpu.memory_space<semaphore_mem>>, %arg12: memref<!tpu.dma_semaphore, #tpu.memory_space<semaphore_mem>>, %arg13: memref<!tpu.dma_semaphore, #tpu.memory_space<semaphore_mem>>) attributes {dimension_semantics = [#tpu.dimension_semantics<core_parallel>, #tpu.dimension_semantics<subcore_parallel>], iteration_bounds = array<i64: 2, 16>, scalar_prefetch = 0 : i64, scratch_operands = 10 : i64, tpu.core_type = #tpu.core_type<sc_vector_subcore>, window_params = [{transform_indices = #map}, {transform_indices = #map}]} {
    %mul3A = arith.constant 2 : i32
    %mul3A_0 = arith.muli %arg1, %mul3A : i32
    %add3A = arith.addi %mul3A_0, %arg0 : i32
    %iota3A = tpu.iota {dimensions = array<i32: 0>} : vector<16xi32>
    %and3A = arith.constant 1 : i32
    %and3A_1 = vector.broadcast %and3A : i32 to vector<16xi32>
    %and3A_2 = arith.andi %iota3A, %and3A_1 : vector<16xi32>
    %shift_right_arithmetic3A = arith.constant 1 : i32
    %shift_right_arithmetic3A_3 = vector.broadcast %shift_right_arithmetic3A : i32 to vector<16xi32>
    %shift_right_arithmetic3A_4 = arith.shrsi %iota3A, %shift_right_arithmetic3A_3 : vector<16xi32>
    %add3A_5 = arith.constant 384 : i32
    %add3A_6 = arith.addi %add3A_5, %add3A : i32
    %shift_right_arithmetic3A_7 = arith.constant 2 : i32
    %shift_right_arithmetic3A_8 = arith.shrsi %add3A, %shift_right_arithmetic3A_7 : i32
    %and3A_9 = arith.constant 3 : i32
    %and3A_10 = arith.andi %add3A, %and3A_9 : i32
    %mul3A_11 = arith.constant 2 : i32
    %mul3A_12 = arith.muli %mul3A_11, %shift_right_arithmetic3A_8 : i32
    %mul3A_13 = arith.constant 8 : i32
    %mul3A_14 = arith.muli %mul3A_13, %and3A_10 : i32
    %dma_start3A = arith.constant 0 : i32
    %dma_start3A_15 = tpu.memref_slice %arg2[%mul3A_12, %mul3A_14, %dma_start3A] : memref<196x32x384xf32, #tpu.memory_space<hbm>> -> memref<2x8x384xf32, #tpu.memory_space<hbm>>
    %dma_start3A_16 = arith.constant 0 : i32
    %dma_start3A_17 = tpu.memref_slice %arg2[%mul3A_12, %mul3A_14, %dma_start3A_16] : memref<196x32x384xf32, #tpu.memory_space<hbm>> -> memref<2x8x384xf32, #tpu.memory_space<hbm>>
    tpu.enqueue_dma source(%dma_start3A_17 : memref<2x8x384xf32, #tpu.memory_space<hbm>>) target(%arg4 : memref<2x8x384xf32, #tpu.memory_space<vmem>>) target_semaphore(%arg9 : memref<!tpu.dma_semaphore, #tpu.memory_space<semaphore_mem>>)
    %add3A_18 = arith.constant 32 : i32
    %add3A_19 = arith.addi %add3A, %add3A_18 : i32
    %shift_right_arithmetic3A_20 = arith.constant 2 : i32
    %shift_right_arithmetic3A_21 = arith.shrsi %add3A_19, %shift_right_arithmetic3A_20 : i32
    %and3A_22 = arith.constant 3 : i32
    %and3A_23 = arith.andi %add3A_19, %and3A_22 : i32
    %mul3A_24 = arith.constant 2 : i32
    %mul3A_25 = arith.muli %mul3A_24, %shift_right_arithmetic3A_21 : i32
    %mul3A_26 = arith.constant 8 : i32
    %mul3A_27 = arith.muli %mul3A_26, %and3A_23 : i32
    %dma_start3A_28 = arith.constant 0 : i32
    %dma_start3A_29 = tpu.memref_slice %arg2[%mul3A_25, %mul3A_27, %dma_start3A_28] : memref<196x32x384xf32, #tpu.memory_space<hbm>> -> memref<2x8x384xf32, #tpu.memory_space<hbm>>
    %dma_start3A_30 = arith.constant 0 : i32
    %dma_start3A_31 = tpu.memref_slice %arg2[%mul3A_25, %mul3A_27, %dma_start3A_30] : memref<196x32x384xf32, #tpu.memory_space<hbm>> -> memref<2x8x384xf32, #tpu.memory_space<hbm>>
    tpu.enqueue_dma source(%dma_start3A_31 : memref<2x8x384xf32, #tpu.memory_space<hbm>>) target(%arg5 : memref<2x8x384xf32, #tpu.memory_space<vmem>>) target_semaphore(%arg10 : memref<!tpu.dma_semaphore, #tpu.memory_space<semaphore_mem>>)
    %lt3A = arith.constant 8 : i32
    %lt3A_32 = arith.cmpi slt, %add3A, %lt3A : i32
    %convert_element_type3A = arith.extui %lt3A_32 : i1 to i32
    %cond3A = arith.constant 0 : i32
    %cond3A_33 = arith.cmpi ne, %convert_element_type3A, %cond3A : i32
    scf.if %cond3A_33 {
      %shift_right_arithmetic3A_71 = arith.constant 2 : i32
      %shift_right_arithmetic3A_72 = arith.shrsi %add3A_6, %shift_right_arithmetic3A_71 : i32
      %mul3A_73 = arith.constant 2 : i32
      %mul3A_74 = arith.muli %mul3A_73, %shift_right_arithmetic3A_72 : i32
      %and3A_75 = arith.constant 3 : i32
      %and3A_76 = arith.andi %add3A_6, %and3A_75 : i32
      %mul3A_77 = arith.constant 8 : i32
      %mul3A_78 = arith.muli %mul3A_77, %and3A_76 : i32
      %dma_start3A_79 = arith.constant 0 : i32
      %dma_start3A_80 = tpu.memref_slice %arg2[%mul3A_74, %mul3A_78, %dma_start3A_79] : memref<196x32x384xf32, #tpu.memory_space<hbm>> -> memref<2x8x384xf32, #tpu.memory_space<hbm>>
      %dma_start3A_81 = arith.constant 0 : i32
      %dma_start3A_82 = tpu.memref_slice %arg2[%mul3A_74, %mul3A_78, %dma_start3A_81] : memref<196x32x384xf32, #tpu.memory_space<hbm>> -> memref<2x8x384xf32, #tpu.memory_space<hbm>>
      tpu.enqueue_dma source(%dma_start3A_82 : memref<2x8x384xf32, #tpu.memory_space<hbm>>) target(%arg6 : memref<2x8x384xf32, #tpu.memory_space<vmem>>) target_semaphore(%arg11 : memref<!tpu.dma_semaphore, #tpu.memory_space<semaphore_mem>>)
    } else {
    }
    %scan3A = arith.constant 0 : i32
    %scan3A_34 = arith.constant 0 : i32
    %scan3A_35 = arith.constant 6 : i32
    %scan3A_36 = arith.addi %scan3A_34, %scan3A_35 : i32
    %scan3A_37 = arith.constant 1 : i32
    scf.for %scan3A_71 = %scan3A_34 to %scan3A_36 step %scan3A_37  : i32 {
      %mul3A_72 = arith.constant 2 : i32
      %mul3A_73 = arith.muli %mul3A_72, %scan3A_71 : i32
      %add3A_74 = arith.constant 0 : i32
      %add3A_75 = arith.addi %mul3A_73, %add3A_74 : i32
      %mul3A_76 = arith.constant 32 : i32
      %mul3A_77 = arith.muli %mul3A_76, %add3A_75 : i32
      %add3A_78 = arith.addi %add3A, %mul3A_77 : i32
      %shift_right_arithmetic3A_79 = arith.constant 2 : i32
      %shift_right_arithmetic3A_80 = arith.shrsi %add3A_78, %shift_right_arithmetic3A_79 : i32
      %and3A_81 = arith.constant 3 : i32
      %and3A_82 = arith.andi %add3A_78, %and3A_81 : i32
      %mul3A_83 = arith.constant 2 : i32
      %mul3A_84 = arith.muli %mul3A_83, %shift_right_arithmetic3A_80 : i32
      %mul3A_85 = arith.constant 8 : i32
      %mul3A_86 = arith.muli %mul3A_85, %and3A_82 : i32
      %dma_wait3A_87 = arith.constant 0 : i32
      %dma_wait3A_88 = tpu.memref_slice %arg2[%mul3A_84, %mul3A_86, %dma_wait3A_87] : memref<196x32x384xf32, #tpu.memory_space<hbm>> -> memref<2x8x384xf32, #tpu.memory_space<hbm>>
      %dma_wait3A_89 = arith.constant 0 : i32
      %dma_wait3A_90 = tpu.memref_slice %arg2[%mul3A_84, %mul3A_86, %dma_wait3A_89] : memref<196x32x384xf32, #tpu.memory_space<hbm>> -> memref<2x8x384xf32, #tpu.memory_space<hbm>>
      tpu.wait_dma2 semaphore(%arg9 : memref<!tpu.dma_semaphore, #tpu.memory_space<semaphore_mem>>) src(%dma_wait3A_90 : memref<2x8x384xf32, #tpu.memory_space<hbm>>) dst(%arg4 : memref<2x8x384xf32, #tpu.memory_space<vmem>>)
      %ge3A = arith.constant 1 : i32
      %ge3A_91 = arith.cmpi sge, %scan3A_71, %ge3A : i32
      %convert_element_type3A_92 = arith.extui %ge3A_91 : i1 to i32
      %cond3A_93 = arith.constant 0 : i32
      %cond3A_94 = arith.cmpi ne, %convert_element_type3A_92, %cond3A_93 : i32
      scf.if %cond3A_94 {
        %sub3A = arith.constant 64 : i32
        %sub3A_158 = arith.subi %add3A_78, %sub3A : i32
        %shift_right_arithmetic3A_159 = arith.constant 2 : i32
        %shift_right_arithmetic3A_160 = arith.shrsi %sub3A_158, %shift_right_arithmetic3A_159 : i32
        %and3A_161 = arith.constant 3 : i32
        %and3A_162 = arith.andi %sub3A_158, %and3A_161 : i32
        %mul3A_163 = arith.constant 8 : i32
        %mul3A_164 = arith.muli %mul3A_163, %and3A_162 : i32
        %mul3A_165 = arith.constant 384 : i32
        %mul3A_166 = arith.muli %mul3A_165, %shift_right_arithmetic3A_160 : i32
        %dma_wait3A_167 = arith.constant 0 : i32
        %dma_wait3A_168 = tpu.memref_slice %arg3[%mul3A_164, %dma_wait3A_167, %mul3A_166] : memref<32x2x37632xf32, #tpu.memory_space<hbm>> -> memref<8x2x384xf32, #tpu.memory_space<hbm>>
        %dma_wait3A_169 = arith.constant 0 : i32
        %dma_wait3A_170 = tpu.memref_slice %arg3[%mul3A_164, %dma_wait3A_169, %mul3A_166] : memref<32x2x37632xf32, #tpu.memory_space<hbm>> -> memref<8x2x384xf32, #tpu.memory_space<hbm>>
        tpu.wait_dma2 semaphore(%arg12 : memref<!tpu.dma_semaphore, #tpu.memory_space<semaphore_mem>>) src(%arg7 : memref<8x2x384xf32, #tpu.memory_space<vmem>>) dst(%dma_wait3A_170 : memref<8x2x384xf32, #tpu.memory_space<hbm>>)
      } else {
      }
      %parallel_loop3A = arith.constant 0 : i32
      %parallel_loop3A_95 = arith.constant 16 : i32
      %parallel_loop3A_96 = arith.constant 1 : i32
      scf.for %parallel_loop3A_158 = %parallel_loop3A to %parallel_loop3A_95 step %parallel_loop3A_96  : i32 {
        %parallel_loop3A_159 = arith.constant 3 : i32
        %parallel_loop3A_160 = arith.shrsi %parallel_loop3A_158, %parallel_loop3A_159 : i32
        %parallel_loop3A_161 = arith.constant 7 : i32
        %parallel_loop3A_162 = arith.andi %parallel_loop3A_158, %parallel_loop3A_161 : i32
        %parallel_loop3A_163 = arith.constant 0 : i32
        %parallel_loop3A_164 = vector.broadcast %parallel_loop3A_163 : i32 to vector<16xi32>
        %parallel_loop3A_165 = vector.broadcast %parallel_loop3A_162 : i32 to vector<16xi32>
        %parallel_loop3A_166 = arith.addi %parallel_loop3A_164, %parallel_loop3A_165 : vector<16xi32>
        %parallel_loop3A_167 = arith.constant 192 : i32
        %parallel_loop3A_168 = arith.muli %parallel_loop3A_167, %parallel_loop3A_160 : i32
        %parallel_loop3A_169 = arith.index_cast %parallel_loop3A_160 : i32 to index
        %parallel_loop3A_170 = arith.index_cast %parallel_loop3A_162 : i32 to index
        %parallel_loop3A_171 = arith.constant 0 : index
        %parallel_loop3A_172 = tpu.vector_load %arg4[%parallel_loop3A_169, %parallel_loop3A_170, %parallel_loop3A_171] {strides = array<i32>} : memref<2x8x384xf32, #tpu.memory_space<vmem>>, vector<16xf32>,
        %parallel_loop3A_173 = arith.constant 0 : i32
        %parallel_loop3A_174 = arith.addi %parallel_loop3A_168, %parallel_loop3A_173 : i32
        %parallel_loop3A_175 = vector.broadcast %parallel_loop3A_174 : i32 to vector<16xi32>
        %parallel_loop3A_176 = arith.addi %shift_right_arithmetic3A_4, %parallel_loop3A_175 : vector<16xi32>
        tpu.vector_store_idx %arg7[%parallel_loop3A_166, %and3A_2, %parallel_loop3A_176], %parallel_loop3A_172 : memref<8x2x384xf32, #tpu.memory_space<vmem>>[vector<16xi32>, vector<16xi32>, vector<16xi32>], vector<16xf32>,
        %parallel_loop3A_177 = arith.index_cast %parallel_loop3A_160 : i32 to index
        %parallel_loop3A_178 = arith.index_cast %parallel_loop3A_162 : i32 to index
        %parallel_loop3A_179 = arith.constant 16 : index
        %parallel_loop3A_180 = tpu.vector_load %arg4[%parallel_loop3A_177, %parallel_loop3A_178, %parallel_loop3A_179] {strides = array<i32>} : memref<2x8x384xf32, #tpu.memory_space<vmem>>, vector<16xf32>,
        %parallel_loop3A_181 = arith.constant 8 : i32
        %parallel_loop3A_182 = arith.addi %parallel_loop3A_168, %parallel_loop3A_181 : i32
        %parallel_loop3A_183 = vector.broadcast %parallel_loop3A_182 : i32 to vector<16xi32>
        %parallel_loop3A_184 = arith.addi %shift_right_arithmetic3A_4, %parallel_loop3A_183 : vector<16xi32>
        tpu.vector_store_idx %arg7[%parallel_loop3A_166, %and3A_2, %parallel_loop3A_184], %parallel_loop3A_180 : memref<8x2x384xf32, #tpu.memory_space<vmem>>[vector<16xi32>, vector<16xi32>, vector<16xi32>], vector<16xf32>,
        %parallel_loop3A_185 = arith.index_cast %parallel_loop3A_160 : i32 to index
        %parallel_loop3A_186 = arith.index_cast %parallel_loop3A_162 : i32 to index
        %parallel_loop3A_187 = arith.constant 32 : index
        %parallel_loop3A_188 = tpu.vector_load %arg4[%parallel_loop3A_185, %parallel_loop3A_186, %parallel_loop3A_187] {strides = array<i32>} : memref<2x8x384xf32, #tpu.memory_space<vmem>>, vector<16xf32>,
        %parallel_loop3A_189 = arith.constant 16 : i32
        %parallel_loop3A_190 = arith.addi %parallel_loop3A_168, %parallel_loop3A_189 : i32
        %parallel_loop3A_191 = vector.broadcast %parallel_loop3A_190 : i32 to vector<16xi32>
        %parallel_loop3A_192 = arith.addi %shift_right_arithmetic3A_4, %parallel_loop3A_191 : vector<16xi32>
        tpu.vector_store_idx %arg7[%parallel_loop3A_166, %and3A_2, %parallel_loop3A_192], %parallel_loop3A_188 : memref<8x2x384xf32, #tpu.memory_space<vmem>>[vector<16xi32>, vector<16xi32>, vector<16xi32>], vector<16xf32>,
        %parallel_loop3A_193 = arith.index_cast %parallel_loop3A_160 : i32 to index
        %parallel_loop3A_194 = arith.index_cast %parallel_loop3A_162 : i32 to index
        %parallel_loop3A_195 = arith.constant 48 : index
        %parallel_loop3A_196 = tpu.vector_load %arg4[%parallel_loop3A_193, %parallel_loop3A_194, %parallel_loop3A_195] {strides = array<i32>} : memref<2x8x384xf32, #tpu.memory_space<vmem>>, vector<16xf32>,
        %parallel_loop3A_197 = arith.constant 24 : i32
        %parallel_loop3A_198 = arith.addi %parallel_loop3A_168, %parallel_loop3A_197 : i32
        %parallel_loop3A_199 = vector.broadcast %parallel_loop3A_198 : i32 to vector<16xi32>
        %parallel_loop3A_200 = arith.addi %shift_right_arithmetic3A_4, %parallel_loop3A_199 : vector<16xi32>
        tpu.vector_store_idx %arg7[%parallel_loop3A_166, %and3A_2, %parallel_loop3A_200], %parallel_loop3A_196 : memref<8x2x384xf32, #tpu.memory_space<vmem>>[vector<16xi32>, vector<16xi32>, vector<16xi32>], vector<16xf32>,
        %parallel_loop3A_201 = arith.index_cast %parallel_loop3A_160 : i32 to index
        %parallel_loop3A_202 = arith.index_cast %parallel_loop3A_162 : i32 to index
        %parallel_loop3A_203 = arith.constant 64 : index
        %parallel_loop3A_204 = tpu.vector_load %arg4[%parallel_loop3A_201, %parallel_loop3A_202, %parallel_loop3A_203] {strides = array<i32>} : memref<2x8x384xf32, #tpu.memory_space<vmem>>, vector<16xf32>,
        %parallel_loop3A_205 = arith.constant 32 : i32
        %parallel_loop3A_206 = arith.addi %parallel_loop3A_168, %parallel_loop3A_205 : i32
        %parallel_loop3A_207 = vector.broadcast %parallel_loop3A_206 : i32 to vector<16xi32>
        %parallel_loop3A_208 = arith.addi %shift_right_arithmetic3A_4, %parallel_loop3A_207 : vector<16xi32>
        tpu.vector_store_idx %arg7[%parallel_loop3A_166, %and3A_2, %parallel_loop3A_208], %parallel_loop3A_204 : memref<8x2x384xf32, #tpu.memory_space<vmem>>[vector<16xi32>, vector<16xi32>, vector<16xi32>], vector<16xf32>,
        %parallel_loop3A_209 = arith.index_cast %parallel_loop3A_160 : i32 to index
        %parallel_loop3A_210 = arith.index_cast %parallel_loop3A_162 : i32 to index
        %parallel_loop3A_211 = arith.constant 80 : index
        %parallel_loop3A_212 = tpu.vector_load %arg4[%parallel_loop3A_209, %parallel_loop3A_210, %parallel_loop3A_211] {strides = array<i32>} : memref<2x8x384xf32, #tpu.memory_space<vmem>>, vector<16xf32>,
        %parallel_loop3A_213 = arith.constant 40 : i32
        %parallel_loop3A_214 = arith.addi %parallel_loop3A_168, %parallel_loop3A_213 : i32
        %parallel_loop3A_215 = vector.broadcast %parallel_loop3A_214 : i32 to vector<16xi32>
        %parallel_loop3A_216 = arith.addi %shift_right_arithmetic3A_4, %parallel_loop3A_215 : vector<16xi32>
        tpu.vector_store_idx %arg7[%parallel_loop3A_166, %and3A_2, %parallel_loop3A_216], %parallel_loop3A_212 : memref<8x2x384xf32, #tpu.memory_space<vmem>>[vector<16xi32>, vector<16xi32>, vector<16xi32>], vector<16xf32>,
        %parallel_loop3A_217 = arith.index_cast %parallel_loop3A_160 : i32 to index
        %parallel_loop3A_218 = arith.index_cast %parallel_loop3A_162 : i32 to index
        %parallel_loop3A_219 = arith.constant 96 : index
        %parallel_loop3A_220 = tpu.vector_load %arg4[%parallel_loop3A_217, %parallel_loop3A_218, %parallel_loop3A_219] {strides = array<i32>} : memref<2x8x384xf32, #tpu.memory_space<vmem>>, vector<16xf32>,
        %parallel_loop3A_221 = arith.constant 48 : i32
        %parallel_loop3A_222 = arith.addi %parallel_loop3A_168, %parallel_loop3A_221 : i32
        %parallel_loop3A_223 = vector.broadcast %parallel_loop3A_222 : i32 to vector<16xi32>
        %parallel_loop3A_224 = arith.addi %shift_right_arithmetic3A_4, %parallel_loop3A_223 : vector<16xi32>
        tpu.vector_store_idx %arg7[%parallel_loop3A_166, %and3A_2, %parallel_loop3A_224], %parallel_loop3A_220 : memref<8x2x384xf32, #tpu.memory_space<vmem>>[vector<16xi32>, vector<16xi32>, vector<16xi32>], vector<16xf32>,
        %parallel_loop3A_225 = arith.index_cast %parallel_loop3A_160 : i32 to index
        %parallel_loop3A_226 = arith.index_cast %parallel_loop3A_162 : i32 to index
        %parallel_loop3A_227 = arith.constant 112 : index
        %parallel_loop3A_228 = tpu.vector_load %arg4[%parallel_loop3A_225, %parallel_loop3A_226, %parallel_loop3A_227] {strides = array<i32>} : memref<2x8x384xf32, #tpu.memory_space<vmem>>, vector<16xf32>,
        %parallel_loop3A_229 = arith.constant 56 : i32
        %parallel_loop3A_230 = arith.addi %parallel_loop3A_168, %parallel_loop3A_229 : i32
        %parallel_loop3A_231 = vector.broadcast %parallel_loop3A_230 : i32 to vector<16xi32>
        %parallel_loop3A_232 = arith.addi %shift_right_arithmetic3A_4, %parallel_loop3A_231 : vector<16xi32>
        tpu.vector_store_idx %arg7[%parallel_loop3A_166, %and3A_2, %parallel_loop3A_232], %parallel_loop3A_228 : memref<8x2x384xf32, #tpu.memory_space<vmem>>[vector<16xi32>, vector<16xi32>, vector<16xi32>], vector<16xf32>,
        %parallel_loop3A_233 = arith.index_cast %parallel_loop3A_160 : i32 to index
        %parallel_loop3A_234 = arith.index_cast %parallel_loop3A_162 : i32 to index
        %parallel_loop3A_235 = arith.constant 128 : index
        %parallel_loop3A_236 = tpu.vector_load %arg4[%parallel_loop3A_233, %parallel_loop3A_234, %parallel_loop3A_235] {strides = array<i32>} : memref<2x8x384xf32, #tpu.memory_space<vmem>>, vector<16xf32>,
        %parallel_loop3A_237 = arith.constant 64 : i32
        %parallel_loop3A_238 = arith.addi %parallel_loop3A_168, %parallel_loop3A_237 : i32
        %parallel_loop3A_239 = vector.broadcast %parallel_loop3A_238 : i32 to vector<16xi32>
        %parallel_loop3A_240 = arith.addi %shift_right_arithmetic3A_4, %parallel_loop3A_239 : vector<16xi32>
        tpu.vector_store_idx %arg7[%parallel_loop3A_166, %and3A_2, %parallel_loop3A_240], %parallel_loop3A_236 : memref<8x2x384xf32, #tpu.memory_space<vmem>>[vector<16xi32>, vector<16xi32>, vector<16xi32>], vector<16xf32>,
        %parallel_loop3A_241 = arith.index_cast %parallel_loop3A_160 : i32 to index
        %parallel_loop3A_242 = arith.index_cast %parallel_loop3A_162 : i32 to index
        %parallel_loop3A_243 = arith.constant 144 : index
        %parallel_loop3A_244 = tpu.vector_load %arg4[%parallel_loop3A_241, %parallel_loop3A_242, %parallel_loop3A_243] {strides = array<i32>} : memref<2x8x384xf32, #tpu.memory_space<vmem>>, vector<16xf32>,
        %parallel_loop3A_245 = arith.constant 72 : i32
        %parallel_loop3A_246 = arith.addi %parallel_loop3A_168, %parallel_loop3A_245 : i32
        %parallel_loop3A_247 = vector.broadcast %parallel_loop3A_246 : i32 to vector<16xi32>
        %parallel_loop3A_248 = arith.addi %shift_right_arithmetic3A_4, %parallel_loop3A_247 : vector<16xi32>
        tpu.vector_store_idx %arg7[%parallel_loop3A_166, %and3A_2, %parallel_loop3A_248], %parallel_loop3A_244 : memref<8x2x384xf32, #tpu.memory_space<vmem>>[vector<16xi32>, vector<16xi32>, vector<16xi32>], vector<16xf32>,
        %parallel_loop3A_249 = arith.index_cast %parallel_loop3A_160 : i32 to index
        %parallel_loop3A_250 = arith.index_cast %parallel_loop3A_162 : i32 to index
        %parallel_loop3A_251 = arith.constant 160 : index
        %parallel_loop3A_252 = tpu.vector_load %arg4[%parallel_loop3A_249, %parallel_loop3A_250, %parallel_loop3A_251] {strides = array<i32>} : memref<2x8x384xf32, #tpu.memory_space<vmem>>, vector<16xf32>,
        %parallel_loop3A_253 = arith.constant 80 : i32
        %parallel_loop3A_254 = arith.addi %parallel_loop3A_168, %parallel_loop3A_253 : i32
        %parallel_loop3A_255 = vector.broadcast %parallel_loop3A_254 : i32 to vector<16xi32>
        %parallel_loop3A_256 = arith.addi %shift_right_arithmetic3A_4, %parallel_loop3A_255 : vector<16xi32>
        tpu.vector_store_idx %arg7[%parallel_loop3A_166, %and3A_2, %parallel_loop3A_256], %parallel_loop3A_252 : memref<8x2x384xf32, #tpu.memory_space<vmem>>[vector<16xi32>, vector<16xi32>, vector<16xi32>], vector<16xf32>,
        %parallel_loop3A_257 = arith.index_cast %parallel_loop3A_160 : i32 to index
        %parallel_loop3A_258 = arith.index_cast %parallel_loop3A_162 : i32 to index
        %parallel_loop3A_259 = arith.constant 176 : index
        %parallel_loop3A_260 = tpu.vector_load %arg4[%parallel_loop3A_257, %parallel_loop3A_258, %parallel_loop3A_259] {strides = array<i32>} : memref<2x8x384xf32, #tpu.memory_space<vmem>>, vector<16xf32>,
        %parallel_loop3A_261 = arith.constant 88 : i32
        %parallel_loop3A_262 = arith.addi %parallel_loop3A_168, %parallel_loop3A_261 : i32
        %parallel_loop3A_263 = vector.broadcast %parallel_loop3A_262 : i32 to vector<16xi32>
        %parallel_loop3A_264 = arith.addi %shift_right_arithmetic3A_4, %parallel_loop3A_263 : vector<16xi32>
        tpu.vector_store_idx %arg7[%parallel_loop3A_166, %and3A_2, %parallel_loop3A_264], %parallel_loop3A_260 : memref<8x2x384xf32, #tpu.memory_space<vmem>>[vector<16xi32>, vector<16xi32>, vector<16xi32>], vector<16xf32>,
        %parallel_loop3A_265 = arith.index_cast %parallel_loop3A_160 : i32 to index
        %parallel_loop3A_266 = arith.index_cast %parallel_loop3A_162 : i32 to index
        %parallel_loop3A_267 = arith.constant 192 : index
        %parallel_loop3A_268 = tpu.vector_load %arg4[%parallel_loop3A_265, %parallel_loop3A_266, %parallel_loop3A_267] {strides = array<i32>} : memref<2x8x384xf32, #tpu.memory_space<vmem>>, vector<16xf32>,
        %parallel_loop3A_269 = arith.constant 96 : i32
        %parallel_loop3A_270 = arith.addi %parallel_loop3A_168, %parallel_loop3A_269 : i32
        %parallel_loop3A_271 = vector.broadcast %parallel_loop3A_270 : i32 to vector<16xi32>
        %parallel_loop3A_272 = arith.addi %shift_right_arithmetic3A_4, %parallel_loop3A_271 : vector<16xi32>
        tpu.vector_store_idx %arg7[%parallel_loop3A_166, %and3A_2, %parallel_loop3A_272], %parallel_loop3A_268 : memref<8x2x384xf32, #tpu.memory_space<vmem>>[vector<16xi32>, vector<16xi32>, vector<16xi32>], vector<16xf32>,
        %parallel_loop3A_273 = arith.index_cast %parallel_loop3A_160 : i32 to index
        %parallel_loop3A_274 = arith.index_cast %parallel_loop3A_162 : i32 to index
        %parallel_loop3A_275 = arith.constant 208 : index
        %parallel_loop3A_276 = tpu.vector_load %arg4[%parallel_loop3A_273, %parallel_loop3A_274, %parallel_loop3A_275] {strides = array<i32>} : memref<2x8x384xf32, #tpu.memory_space<vmem>>, vector<16xf32>,
        %parallel_loop3A_277 = arith.constant 104 : i32
        %parallel_loop3A_278 = arith.addi %parallel_loop3A_168, %parallel_loop3A_277 : i32
        %parallel_loop3A_279 = vector.broadcast %parallel_loop3A_278 : i32 to vector<16xi32>
        %parallel_loop3A_280 = arith.addi %shift_right_arithmetic3A_4, %parallel_loop3A_279 : vector<16xi32>
        tpu.vector_store_idx %arg7[%parallel_loop3A_166, %and3A_2, %parallel_loop3A_280], %parallel_loop3A_276 : memref<8x2x384xf32, #tpu.memory_space<vmem>>[vector<16xi32>, vector<16xi32>, vector<16xi32>], vector<16xf32>,
        %parallel_loop3A_281 = arith.index_cast %parallel_loop3A_160 : i32 to index
        %parallel_loop3A_282 = arith.index_cast %parallel_loop3A_162 : i32 to index
        %parallel_loop3A_283 = arith.constant 224 : index
        %parallel_loop3A_284 = tpu.vector_load %arg4[%parallel_loop3A_281, %parallel_loop3A_282, %parallel_loop3A_283] {strides = array<i32>} : memref<2x8x384xf32, #tpu.memory_space<vmem>>, vector<16xf32>,
        %parallel_loop3A_285 = arith.constant 112 : i32
        %parallel_loop3A_286 = arith.addi %parallel_loop3A_168, %parallel_loop3A_285 : i32
        %parallel_loop3A_287 = vector.broadcast %parallel_loop3A_286 : i32 to vector<16xi32>
        %parallel_loop3A_288 = arith.addi %shift_right_arithmetic3A_4, %parallel_loop3A_287 : vector<16xi32>
        tpu.vector_store_idx %arg7[%parallel_loop3A_166, %and3A_2, %parallel_loop3A_288], %parallel_loop3A_284 : memref<8x2x384xf32, #tpu.memory_space<vmem>>[vector<16xi32>, vector<16xi32>, vector<16xi32>], vector<16xf32>,
        %parallel_loop3A_289 = arith.index_cast %parallel_loop3A_160 : i32 to index
        %parallel_loop3A_290 = arith.index_cast %parallel_loop3A_162 : i32 to index
        %parallel_loop3A_291 = arith.constant 240 : index
        %parallel_loop3A_292 = tpu.vector_load %arg4[%parallel_loop3A_289, %parallel_loop3A_290, %parallel_loop3A_291] {strides = array<i32>} : memref<2x8x384xf32, #tpu.memory_space<vmem>>, vector<16xf32>,
        %parallel_loop3A_293 = arith.constant 120 : i32
        %parallel_loop3A_294 = arith.addi %parallel_loop3A_168, %parallel_loop3A_293 : i32
        %parallel_loop3A_295 = vector.broadcast %parallel_loop3A_294 : i32 to vector<16xi32>
        %parallel_loop3A_296 = arith.addi %shift_right_arithmetic3A_4, %parallel_loop3A_295 : vector<16xi32>
        tpu.vector_store_idx %arg7[%parallel_loop3A_166, %and3A_2, %parallel_loop3A_296], %parallel_loop3A_292 : memref<8x2x384xf32, #tpu.memory_space<vmem>>[vector<16xi32>, vector<16xi32>, vector<16xi32>], vector<16xf32>,
        %parallel_loop3A_297 = arith.index_cast %parallel_loop3A_160 : i32 to index
        %parallel_loop3A_298 = arith.index_cast %parallel_loop3A_162 : i32 to index
        %parallel_loop3A_299 = arith.constant 256 : index
        %parallel_loop3A_300 = tpu.vector_load %arg4[%parallel_loop3A_297, %parallel_loop3A_298, %parallel_loop3A_299] {strides = array<i32>} : memref<2x8x384xf32, #tpu.memory_space<vmem>>, vector<16xf32>,
        %parallel_loop3A_301 = arith.constant 128 : i32
        %parallel_loop3A_302 = arith.addi %parallel_loop3A_168, %parallel_loop3A_301 : i32
        %parallel_loop3A_303 = vector.broadcast %parallel_loop3A_302 : i32 to vector<16xi32>
        %parallel_loop3A_304 = arith.addi %shift_right_arithmetic3A_4, %parallel_loop3A_303 : vector<16xi32>
        tpu.vector_store_idx %arg7[%parallel_loop3A_166, %and3A_2, %parallel_loop3A_304], %parallel_loop3A_300 : memref<8x2x384xf32, #tpu.memory_space<vmem>>[vector<16xi32>, vector<16xi32>, vector<16xi32>], vector<16xf32>,
        %parallel_loop3A_305 = arith.index_cast %parallel_loop3A_160 : i32 to index
        %parallel_loop3A_306 = arith.index_cast %parallel_loop3A_162 : i32 to index
        %parallel_loop3A_307 = arith.constant 272 : index
        %parallel_loop3A_308 = tpu.vector_load %arg4[%parallel_loop3A_305, %parallel_loop3A_306, %parallel_loop3A_307] {strides = array<i32>} : memref<2x8x384xf32, #tpu.memory_space<vmem>>, vector<16xf32>,
        %parallel_loop3A_309 = arith.constant 136 : i32
        %parallel_loop3A_310 = arith.addi %parallel_loop3A_168, %parallel_loop3A_309 : i32
        %parallel_loop3A_311 = vector.broadcast %parallel_loop3A_310 : i32 to vector<16xi32>
        %parallel_loop3A_312 = arith.addi %shift_right_arithmetic3A_4, %parallel_loop3A_311 : vector<16xi32>
        tpu.vector_store_idx %arg7[%parallel_loop3A_166, %and3A_2, %parallel_loop3A_312], %parallel_loop3A_308 : memref<8x2x384xf32, #tpu.memory_space<vmem>>[vector<16xi32>, vector<16xi32>, vector<16xi32>], vector<16xf32>,
        %parallel_loop3A_313 = arith.index_cast %parallel_loop3A_160 : i32 to index
        %parallel_loop3A_314 = arith.index_cast %parallel_loop3A_162 : i32 to index
        %parallel_loop3A_315 = arith.constant 288 : index
        %parallel_loop3A_316 = tpu.vector_load %arg4[%parallel_loop3A_313, %parallel_loop3A_314, %parallel_loop3A_315] {strides = array<i32>} : memref<2x8x384xf32, #tpu.memory_space<vmem>>, vector<16xf32>,
        %parallel_loop3A_317 = arith.constant 144 : i32
        %parallel_loop3A_318 = arith.addi %parallel_loop3A_168, %parallel_loop3A_317 : i32
        %parallel_loop3A_319 = vector.broadcast %parallel_loop3A_318 : i32 to vector<16xi32>
        %parallel_loop3A_320 = arith.addi %shift_right_arithmetic3A_4, %parallel_loop3A_319 : vector<16xi32>
        tpu.vector_store_idx %arg7[%parallel_loop3A_166, %and3A_2, %parallel_loop3A_320], %parallel_loop3A_316 : memref<8x2x384xf32, #tpu.memory_space<vmem>>[vector<16xi32>, vector<16xi32>, vector<16xi32>], vector<16xf32>,
        %parallel_loop3A_321 = arith.index_cast %parallel_loop3A_160 : i32 to index
        %parallel_loop3A_322 = arith.index_cast %parallel_loop3A_162 : i32 to index
        %parallel_loop3A_323 = arith.constant 304 : index
        %parallel_loop3A_324 = tpu.vector_load %arg4[%parallel_loop3A_321, %parallel_loop3A_322, %parallel_loop3A_323] {strides = array<i32>} : memref<2x8x384xf32, #tpu.memory_space<vmem>>, vector<16xf32>,
        %parallel_loop3A_325 = arith.constant 152 : i32
        %parallel_loop3A_326 = arith.addi %parallel_loop3A_168, %parallel_loop3A_325 : i32
        %parallel_loop3A_327 = vector.broadcast %parallel_loop3A_326 : i32 to vector<16xi32>
        %parallel_loop3A_328 = arith.addi %shift_right_arithmetic3A_4, %parallel_loop3A_327 : vector<16xi32>
        tpu.vector_store_idx %arg7[%parallel_loop3A_166, %and3A_2, %parallel_loop3A_328], %parallel_loop3A_324 : memref<8x2x384xf32, #tpu.memory_space<vmem>>[vector<16xi32>, vector<16xi32>, vector<16xi32>], vector<16xf32>,
        %parallel_loop3A_329 = arith.index_cast %parallel_loop3A_160 : i32 to index
        %parallel_loop3A_330 = arith.index_cast %parallel_loop3A_162 : i32 to index
        %parallel_loop3A_331 = arith.constant 320 : index
        %parallel_loop3A_332 = tpu.vector_load %arg4[%parallel_loop3A_329, %parallel_loop3A_330, %parallel_loop3A_331] {strides = array<i32>} : memref<2x8x384xf32, #tpu.memory_space<vmem>>, vector<16xf32>,
        %parallel_loop3A_333 = arith.constant 160 : i32
        %parallel_loop3A_334 = arith.addi %parallel_loop3A_168, %parallel_loop3A_333 : i32
        %parallel_loop3A_335 = vector.broadcast %parallel_loop3A_334 : i32 to vector<16xi32>
        %parallel_loop3A_336 = arith.addi %shift_right_arithmetic3A_4, %parallel_loop3A_335 : vector<16xi32>
        tpu.vector_store_idx %arg7[%parallel_loop3A_166, %and3A_2, %parallel_loop3A_336], %parallel_loop3A_332 : memref<8x2x384xf32, #tpu.memory_space<vmem>>[vector<16xi32>, vector<16xi32>, vector<16xi32>], vector<16xf32>,
        %parallel_loop3A_337 = arith.index_cast %parallel_loop3A_160 : i32 to index
        %parallel_loop3A_338 = arith.index_cast %parallel_loop3A_162 : i32 to index
        %parallel_loop3A_339 = arith.constant 336 : index
        %parallel_loop3A_340 = tpu.vector_load %arg4[%parallel_loop3A_337, %parallel_loop3A_338, %parallel_loop3A_339] {strides = array<i32>} : memref<2x8x384xf32, #tpu.memory_space<vmem>>, vector<16xf32>,
        %parallel_loop3A_341 = arith.constant 168 : i32
        %parallel_loop3A_342 = arith.addi %parallel_loop3A_168, %parallel_loop3A_341 : i32
        %parallel_loop3A_343 = vector.broadcast %parallel_loop3A_342 : i32 to vector<16xi32>
        %parallel_loop3A_344 = arith.addi %shift_right_arithmetic3A_4, %parallel_loop3A_343 : vector<16xi32>
        tpu.vector_store_idx %arg7[%parallel_loop3A_166, %and3A_2, %parallel_loop3A_344], %parallel_loop3A_340 : memref<8x2x384xf32, #tpu.memory_space<vmem>>[vector<16xi32>, vector<16xi32>, vector<16xi32>], vector<16xf32>,
        %parallel_loop3A_345 = arith.index_cast %parallel_loop3A_160 : i32 to index
        %parallel_loop3A_346 = arith.index_cast %parallel_loop3A_162 : i32 to index
        %parallel_loop3A_347 = arith.constant 352 : index
        %parallel_loop3A_348 = tpu.vector_load %arg4[%parallel_loop3A_345, %parallel_loop3A_346, %parallel_loop3A_347] {strides = array<i32>} : memref<2x8x384xf32, #tpu.memory_space<vmem>>, vector<16xf32>,
        %parallel_loop3A_349 = arith.constant 176 : i32
        %parallel_loop3A_350 = arith.addi %parallel_loop3A_168, %parallel_loop3A_349 : i32
        %parallel_loop3A_351 = vector.broadcast %parallel_loop3A_350 : i32 to vector<16xi32>
        %parallel_loop3A_352 = arith.addi %shift_right_arithmetic3A_4, %parallel_loop3A_351 : vector<16xi32>
        tpu.vector_store_idx %arg7[%parallel_loop3A_166, %and3A_2, %parallel_loop3A_352], %parallel_loop3A_348 : memref<8x2x384xf32, #tpu.memory_space<vmem>>[vector<16xi32>, vector<16xi32>, vector<16xi32>], vector<16xf32>,
        %parallel_loop3A_353 = arith.index_cast %parallel_loop3A_160 : i32 to index
        %parallel_loop3A_354 = arith.index_cast %parallel_loop3A_162 : i32 to index
        %parallel_loop3A_355 = arith.constant 368 : index
        %parallel_loop3A_356 = tpu.vector_load %arg4[%parallel_loop3A_353, %parallel_loop3A_354, %parallel_loop3A_355] {strides = array<i32>} : memref<2x8x384xf32, #tpu.memory_space<vmem>>, vector<16xf32>,
        %parallel_loop3A_357 = arith.constant 184 : i32
        %parallel_loop3A_358 = arith.addi %parallel_loop3A_168, %parallel_loop3A_357 : i32
        %parallel_loop3A_359 = vector.broadcast %parallel_loop3A_358 : i32 to vector<16xi32>
        %parallel_loop3A_360 = arith.addi %shift_right_arithmetic3A_4, %parallel_loop3A_359 : vector<16xi32>
        tpu.vector_store_idx %arg7[%parallel_loop3A_166, %and3A_2, %parallel_loop3A_360], %parallel_loop3A_356 : memref<8x2x384xf32, #tpu.memory_space<vmem>>[vector<16xi32>, vector<16xi32>, vector<16xi32>], vector<16xf32>,
      } {sc.loop_unroll_factor = 4 : i64, sc.parallel_access}
      %lt3A_97 = arith.constant 5 : i32
      %lt3A_98 = arith.cmpi slt, %scan3A_71, %lt3A_97 : i32
      %convert_element_type3A_99 = arith.extui %lt3A_98 : i1 to i32
      %cond3A_100 = arith.constant 0 : i32
      %cond3A_101 = arith.cmpi ne, %convert_element_type3A_99, %cond3A_100 : i32
      scf.if %cond3A_101 {
        %add3A_158 = arith.constant 64 : i32
        %add3A_159 = arith.addi %add3A_78, %add3A_158 : i32
        %shift_right_arithmetic3A_160 = arith.constant 2 : i32
        %shift_right_arithmetic3A_161 = arith.shrsi %add3A_159, %shift_right_arithmetic3A_160 : i32
        %and3A_162 = arith.constant 3 : i32
        %and3A_163 = arith.andi %add3A_159, %and3A_162 : i32
        %mul3A_164 = arith.constant 2 : i32
        %mul3A_165 = arith.muli %mul3A_164, %shift_right_arithmetic3A_161 : i32
        %mul3A_166 = arith.constant 8 : i32
        %mul3A_167 = arith.muli %mul3A_166, %and3A_163 : i32
        %dma_start3A_168 = arith.constant 0 : i32
        %dma_start3A_169 = tpu.memref_slice %arg2[%mul3A_165, %mul3A_167, %dma_start3A_168] : memref<196x32x384xf32, #tpu.memory_space<hbm>> -> memref<2x8x384xf32, #tpu.memory_space<hbm>>
        %dma_start3A_170 = arith.constant 0 : i32
        %dma_start3A_171 = tpu.memref_slice %arg2[%mul3A_165, %mul3A_167, %dma_start3A_170] : memref<196x32x384xf32, #tpu.memory_space<hbm>> -> memref<2x8x384xf32, #tpu.memory_space<hbm>>
        tpu.enqueue_dma source(%dma_start3A_171 : memref<2x8x384xf32, #tpu.memory_space<hbm>>) target(%arg4 : memref<2x8x384xf32, #tpu.memory_space<vmem>>) target_semaphore(%arg9 : memref<!tpu.dma_semaphore, #tpu.memory_space<semaphore_mem>>)
      } else {
      }
      %shift_right_arithmetic3A_102 = arith.constant 2 : i32
      %shift_right_arithmetic3A_103 = arith.shrsi %add3A_78, %shift_right_arithmetic3A_102 : i32
      %and3A_104 = arith.constant 3 : i32
      %and3A_105 = arith.andi %add3A_78, %and3A_104 : i32
      %mul3A_106 = arith.constant 8 : i32
      %mul3A_107 = arith.muli %mul3A_106, %and3A_105 : i32
      %mul3A_108 = arith.constant 384 : i32
      %mul3A_109 = arith.muli %mul3A_108, %shift_right_arithmetic3A_103 : i32
      %dma_start3A_110 = arith.constant 0 : i32
      %dma_start3A_111 = tpu.memref_slice %arg3[%mul3A_107, %dma_start3A_110, %mul3A_109] : memref<32x2x37632xf32, #tpu.memory_space<hbm>> -> memref<8x2x384xf32, #tpu.memory_space<hbm>>
      %dma_start3A_112 = arith.constant 0 : i32
      %dma_start3A_113 = tpu.memref_slice %arg3[%mul3A_107, %dma_start3A_112, %mul3A_109] : memref<32x2x37632xf32, #tpu.memory_space<hbm>> -> memref<8x2x384xf32, #tpu.memory_space<hbm>>
      tpu.enqueue_dma source(%arg7 : memref<8x2x384xf32, #tpu.memory_space<vmem>>) target(%dma_start3A_113 : memref<8x2x384xf32, #tpu.memory_space<hbm>>) target_semaphore(%arg12 : memref<!tpu.dma_semaphore, #tpu.memory_space<semaphore_mem>>)
      %mul3A_114 = arith.constant 2 : i32
      %mul3A_115 = arith.muli %mul3A_114, %scan3A_71 : i32
      %add3A_116 = arith.constant 1 : i32
      %add3A_117 = arith.addi %mul3A_115, %add3A_116 : i32
      %mul3A_118 = arith.constant 32 : i32
      %mul3A_119 = arith.muli %mul3A_118, %add3A_117 : i32
      %add3A_120 = arith.addi %add3A, %mul3A_119 : i32
      %shift_right_arithmetic3A_121 = arith.constant 2 : i32
      %shift_right_arithmetic3A_122 = arith.shrsi %add3A_120, %shift_right_arithmetic3A_121 : i32
      %and3A_123 = arith.constant 3 : i32
      %and3A_124 = arith.andi %add3A_120, %and3A_123 : i32
      %mul3A_125 = arith.constant 2 : i32
      %mul3A_126 = arith.muli %mul3A_125, %shift_right_arithmetic3A_122 : i32
      %mul3A_127 = arith.constant 8 : i32
      %mul3A_128 = arith.muli %mul3A_127, %and3A_124 : i32
      %dma_wait3A_129 = arith.constant 0 : i32
      %dma_wait3A_130 = tpu.memref_slice %arg2[%mul3A_126, %mul3A_128, %dma_wait3A_129] : memref<196x32x384xf32, #tpu.memory_space<hbm>> -> memref<2x8x384xf32, #tpu.memory_space<hbm>>
      %dma_wait3A_131 = arith.constant 0 : i32
      %dma_wait3A_132 = tpu.memref_slice %arg2[%mul3A_126, %mul3A_128, %dma_wait3A_131] : memref<196x32x384xf32, #tpu.memory_space<hbm>> -> memref<2x8x384xf32, #tpu.memory_space<hbm>>
      tpu.wait_dma2 semaphore(%arg10 : memref<!tpu.dma_semaphore, #tpu.memory_space<semaphore_mem>>) src(%dma_wait3A_132 : memref<2x8x384xf32, #tpu.memory_space<hbm>>) dst(%arg5 : memref<2x8x384xf32, #tpu.memory_space<vmem>>)
      %ge3A_133 = arith.constant 1 : i32
      %ge3A_134 = arith.cmpi sge, %scan3A_71, %ge3A_133 : i32
      %convert_element_type3A_135 = arith.extui %ge3A_134 : i1 to i32
      %cond3A_136 = arith.constant 0 : i32
      %cond3A_137 = arith.cmpi ne, %convert_element_type3A_135, %cond3A_136 : i32
      scf.if %cond3A_137 {
        %sub3A = arith.constant 64 : i32
        %sub3A_158 = arith.subi %add3A_120, %sub3A : i32
        %shift_right_arithmetic3A_159 = arith.constant 2 : i32
        %shift_right_arithmetic3A_160 = arith.shrsi %sub3A_158, %shift_right_arithmetic3A_159 : i32
        %and3A_161 = arith.constant 3 : i32
        %and3A_162 = arith.andi %sub3A_158, %and3A_161 : i32
        %mul3A_163 = arith.constant 8 : i32
        %mul3A_164 = arith.muli %mul3A_163, %and3A_162 : i32
        %mul3A_165 = arith.constant 384 : i32
        %mul3A_166 = arith.muli %mul3A_165, %shift_right_arithmetic3A_160 : i32
        %dma_wait3A_167 = arith.constant 0 : i32
        %dma_wait3A_168 = tpu.memref_slice %arg3[%mul3A_164, %dma_wait3A_167, %mul3A_166] : memref<32x2x37632xf32, #tpu.memory_space<hbm>> -> memref<8x2x384xf32, #tpu.memory_space<hbm>>
        %dma_wait3A_169 = arith.constant 0 : i32
        %dma_wait3A_170 = tpu.memref_slice %arg3[%mul3A_164, %dma_wait3A_169, %mul3A_166] : memref<32x2x37632xf32, #tpu.memory_space<hbm>> -> memref<8x2x384xf32, #tpu.memory_space<hbm>>
        tpu.wait_dma2 semaphore(%arg13 : memref<!tpu.dma_semaphore, #tpu.memory_space<semaphore_mem>>) src(%arg8 : memref<8x2x384xf32, #tpu.memory_space<vmem>>) dst(%dma_wait3A_170 : memref<8x2x384xf32, #tpu.memory_space<hbm>>)
      } else {
      }
      %parallel_loop3A_138 = arith.constant 0 : i32
      %parallel_loop3A_139 = arith.constant 16 : i32
      %parallel_loop3A_140 = arith.constant 1 : i32
      scf.for %parallel_loop3A_158 = %parallel_loop3A_138 to %parallel_loop3A_139 step %parallel_loop3A_140  : i32 {
        %parallel_loop3A_159 = arith.constant 3 : i32
        %parallel_loop3A_160 = arith.shrsi %parallel_loop3A_158, %parallel_loop3A_159 : i32
        %parallel_loop3A_161 = arith.constant 7 : i32
        %parallel_loop3A_162 = arith.andi %parallel_loop3A_158, %parallel_loop3A_161 : i32
        %parallel_loop3A_163 = arith.constant 0 : i32
        %parallel_loop3A_164 = vector.broadcast %parallel_loop3A_163 : i32 to vector<16xi32>
        %parallel_loop3A_165 = vector.broadcast %parallel_loop3A_162 : i32 to vector<16xi32>
        %parallel_loop3A_166 = arith.addi %parallel_loop3A_164, %parallel_loop3A_165 : vector<16xi32>
        %parallel_loop3A_167 = arith.constant 192 : i32
        %parallel_loop3A_168 = arith.muli %parallel_loop3A_167, %parallel_loop3A_160 : i32
        %parallel_loop3A_169 = arith.index_cast %parallel_loop3A_160 : i32 to index
        %parallel_loop3A_170 = arith.index_cast %parallel_loop3A_162 : i32 to index
        %parallel_loop3A_171 = arith.constant 0 : index
        %parallel_loop3A_172 = tpu.vector_load %arg5[%parallel_loop3A_169, %parallel_loop3A_170, %parallel_loop3A_171] {strides = array<i32>} : memref<2x8x384xf32, #tpu.memory_space<vmem>>, vector<16xf32>,
        %parallel_loop3A_173 = arith.constant 0 : i32
        %parallel_loop3A_174 = arith.addi %parallel_loop3A_168, %parallel_loop3A_173 : i32
        %parallel_loop3A_175 = vector.broadcast %parallel_loop3A_174 : i32 to vector<16xi32>
        %parallel_loop3A_176 = arith.addi %shift_right_arithmetic3A_4, %parallel_loop3A_175 : vector<16xi32>
        tpu.vector_store_idx %arg8[%parallel_loop3A_166, %and3A_2, %parallel_loop3A_176], %parallel_loop3A_172 : memref<8x2x384xf32, #tpu.memory_space<vmem>>[vector<16xi32>, vector<16xi32>, vector<16xi32>], vector<16xf32>,
        %parallel_loop3A_177 = arith.index_cast %parallel_loop3A_160 : i32 to index
        %parallel_loop3A_178 = arith.index_cast %parallel_loop3A_162 : i32 to index
        %parallel_loop3A_179 = arith.constant 16 : index
        %parallel_loop3A_180 = tpu.vector_load %arg5[%parallel_loop3A_177, %parallel_loop3A_178, %parallel_loop3A_179] {strides = array<i32>} : memref<2x8x384xf32, #tpu.memory_space<vmem>>, vector<16xf32>,
        %parallel_loop3A_181 = arith.constant 8 : i32
        %parallel_loop3A_182 = arith.addi %parallel_loop3A_168, %parallel_loop3A_181 : i32
        %parallel_loop3A_183 = vector.broadcast %parallel_loop3A_182 : i32 to vector<16xi32>
        %parallel_loop3A_184 = arith.addi %shift_right_arithmetic3A_4, %parallel_loop3A_183 : vector<16xi32>
        tpu.vector_store_idx %arg8[%parallel_loop3A_166, %and3A_2, %parallel_loop3A_184], %parallel_loop3A_180 : memref<8x2x384xf32, #tpu.memory_space<vmem>>[vector<16xi32>, vector<16xi32>, vector<16xi32>], vector<16xf32>,
        %parallel_loop3A_185 = arith.index_cast %parallel_loop3A_160 : i32 to index
        %parallel_loop3A_186 = arith.index_cast %parallel_loop3A_162 : i32 to index
        %parallel_loop3A_187 = arith.constant 32 : index
        %parallel_loop3A_188 = tpu.vector_load %arg5[%parallel_loop3A_185, %parallel_loop3A_186, %parallel_loop3A_187] {strides = array<i32>} : memref<2x8x384xf32, #tpu.memory_space<vmem>>, vector<16xf32>,
        %parallel_loop3A_189 = arith.constant 16 : i32
        %parallel_loop3A_190 = arith.addi %parallel_loop3A_168, %parallel_loop3A_189 : i32
        %parallel_loop3A_191 = vector.broadcast %parallel_loop3A_190 : i32 to vector<16xi32>
        %parallel_loop3A_192 = arith.addi %shift_right_arithmetic3A_4, %parallel_loop3A_191 : vector<16xi32>
        tpu.vector_store_idx %arg8[%parallel_loop3A_166, %and3A_2, %parallel_loop3A_192], %parallel_loop3A_188 : memref<8x2x384xf32, #tpu.memory_space<vmem>>[vector<16xi32>, vector<16xi32>, vector<16xi32>], vector<16xf32>,
        %parallel_loop3A_193 = arith.index_cast %parallel_loop3A_160 : i32 to index
        %parallel_loop3A_194 = arith.index_cast %parallel_loop3A_162 : i32 to index
        %parallel_loop3A_195 = arith.constant 48 : index
        %parallel_loop3A_196 = tpu.vector_load %arg5[%parallel_loop3A_193, %parallel_loop3A_194, %parallel_loop3A_195] {strides = array<i32>} : memref<2x8x384xf32, #tpu.memory_space<vmem>>, vector<16xf32>,
        %parallel_loop3A_197 = arith.constant 24 : i32
        %parallel_loop3A_198 = arith.addi %parallel_loop3A_168, %parallel_loop3A_197 : i32
        %parallel_loop3A_199 = vector.broadcast %parallel_loop3A_198 : i32 to vector<16xi32>
        %parallel_loop3A_200 = arith.addi %shift_right_arithmetic3A_4, %parallel_loop3A_199 : vector<16xi32>
        tpu.vector_store_idx %arg8[%parallel_loop3A_166, %and3A_2, %parallel_loop3A_200], %parallel_loop3A_196 : memref<8x2x384xf32, #tpu.memory_space<vmem>>[vector<16xi32>, vector<16xi32>, vector<16xi32>], vector<16xf32>,
        %parallel_loop3A_201 = arith.index_cast %parallel_loop3A_160 : i32 to index
        %parallel_loop3A_202 = arith.index_cast %parallel_loop3A_162 : i32 to index
        %parallel_loop3A_203 = arith.constant 64 : index
        %parallel_loop3A_204 = tpu.vector_load %arg5[%parallel_loop3A_201, %parallel_loop3A_202, %parallel_loop3A_203] {strides = array<i32>} : memref<2x8x384xf32, #tpu.memory_space<vmem>>, vector<16xf32>,
        %parallel_loop3A_205 = arith.constant 32 : i32
        %parallel_loop3A_206 = arith.addi %parallel_loop3A_168, %parallel_loop3A_205 : i32
        %parallel_loop3A_207 = vector.broadcast %parallel_loop3A_206 : i32 to vector<16xi32>
        %parallel_loop3A_208 = arith.addi %shift_right_arithmetic3A_4, %parallel_loop3A_207 : vector<16xi32>
        tpu.vector_store_idx %arg8[%parallel_loop3A_166, %and3A_2, %parallel_loop3A_208], %parallel_loop3A_204 : memref<8x2x384xf32, #tpu.memory_space<vmem>>[vector<16xi32>, vector<16xi32>, vector<16xi32>], vector<16xf32>,
        %parallel_loop3A_209 = arith.index_cast %parallel_loop3A_160 : i32 to index
        %parallel_loop3A_210 = arith.index_cast %parallel_loop3A_162 : i32 to index
        %parallel_loop3A_211 = arith.constant 80 : index
        %parallel_loop3A_212 = tpu.vector_load %arg5[%parallel_loop3A_209, %parallel_loop3A_210, %parallel_loop3A_211] {strides = array<i32>} : memref<2x8x384xf32, #tpu.memory_space<vmem>>, vector<16xf32>,
        %parallel_loop3A_213 = arith.constant 40 : i32
        %parallel_loop3A_214 = arith.addi %parallel_loop3A_168, %parallel_loop3A_213 : i32
        %parallel_loop3A_215 = vector.broadcast %parallel_loop3A_214 : i32 to vector<16xi32>
        %parallel_loop3A_216 = arith.addi %shift_right_arithmetic3A_4, %parallel_loop3A_215 : vector<16xi32>
        tpu.vector_store_idx %arg8[%parallel_loop3A_166, %and3A_2, %parallel_loop3A_216], %parallel_loop3A_212 : memref<8x2x384xf32, #tpu.memory_space<vmem>>[vector<16xi32>, vector<16xi32>, vector<16xi32>], vector<16xf32>,
        %parallel_loop3A_217 = arith.index_cast %parallel_loop3A_160 : i32 to index
        %parallel_loop3A_218 = arith.index_cast %parallel_loop3A_162 : i32 to index
        %parallel_loop3A_219 = arith.constant 96 : index
        %parallel_loop3A_220 = tpu.vector_load %arg5[%parallel_loop3A_217, %parallel_loop3A_218, %parallel_loop3A_219] {strides = array<i32>} : memref<2x8x384xf32, #tpu.memory_space<vmem>>, vector<16xf32>,
        %parallel_loop3A_221 = arith.constant 48 : i32
        %parallel_loop3A_222 = arith.addi %parallel_loop3A_168, %parallel_loop3A_221 : i32
        %parallel_loop3A_223 = vector.broadcast %parallel_loop3A_222 : i32 to vector<16xi32>
        %parallel_loop3A_224 = arith.addi %shift_right_arithmetic3A_4, %parallel_loop3A_223 : vector<16xi32>
        tpu.vector_store_idx %arg8[%parallel_loop3A_166, %and3A_2, %parallel_loop3A_224], %parallel_loop3A_220 : memref<8x2x384xf32, #tpu.memory_space<vmem>>[vector<16xi32>, vector<16xi32>, vector<16xi32>], vector<16xf32>,
        %parallel_loop3A_225 = arith.index_cast %parallel_loop3A_160 : i32 to index
        %parallel_loop3A_226 = arith.index_cast %parallel_loop3A_162 : i32 to index
        %parallel_loop3A_227 = arith.constant 112 : index
        %parallel_loop3A_228 = tpu.vector_load %arg5[%parallel_loop3A_225, %parallel_loop3A_226, %parallel_loop3A_227] {strides = array<i32>} : memref<2x8x384xf32, #tpu.memory_space<vmem>>, vector<16xf32>,
        %parallel_loop3A_229 = arith.constant 56 : i32
        %parallel_loop3A_230 = arith.addi %parallel_loop3A_168, %parallel_loop3A_229 : i32
        %parallel_loop3A_231 = vector.broadcast %parallel_loop3A_230 : i32 to vector<16xi32>
        %parallel_loop3A_232 = arith.addi %shift_right_arithmetic3A_4, %parallel_loop3A_231 : vector<16xi32>
        tpu.vector_store_idx %arg8[%parallel_loop3A_166, %and3A_2, %parallel_loop3A_232], %parallel_loop3A_228 : memref<8x2x384xf32, #tpu.memory_space<vmem>>[vector<16xi32>, vector<16xi32>, vector<16xi32>], vector<16xf32>,
        %parallel_loop3A_233 = arith.index_cast %parallel_loop3A_160 : i32 to index
        %parallel_loop3A_234 = arith.index_cast %parallel_loop3A_162 : i32 to index
        %parallel_loop3A_235 = arith.constant 128 : index
        %parallel_loop3A_236 = tpu.vector_load %arg5[%parallel_loop3A_233, %parallel_loop3A_234, %parallel_loop3A_235] {strides = array<i32>} : memref<2x8x384xf32, #tpu.memory_space<vmem>>, vector<16xf32>,
        %parallel_loop3A_237 = arith.constant 64 : i32
        %parallel_loop3A_238 = arith.addi %parallel_loop3A_168, %parallel_loop3A_237 : i32
        %parallel_loop3A_239 = vector.broadcast %parallel_loop3A_238 : i32 to vector<16xi32>
        %parallel_loop3A_240 = arith.addi %shift_right_arithmetic3A_4, %parallel_loop3A_239 : vector<16xi32>
        tpu.vector_store_idx %arg8[%parallel_loop3A_166, %and3A_2, %parallel_loop3A_240], %parallel_loop3A_236 : memref<8x2x384xf32, #tpu.memory_space<vmem>>[vector<16xi32>, vector<16xi32>, vector<16xi32>], vector<16xf32>,
        %parallel_loop3A_241 = arith.index_cast %parallel_loop3A_160 : i32 to index
        %parallel_loop3A_242 = arith.index_cast %parallel_loop3A_162 : i32 to index
        %parallel_loop3A_243 = arith.constant 144 : index
        %parallel_loop3A_244 = tpu.vector_load %arg5[%parallel_loop3A_241, %parallel_loop3A_242, %parallel_loop3A_243] {strides = array<i32>} : memref<2x8x384xf32, #tpu.memory_space<vmem>>, vector<16xf32>,
        %parallel_loop3A_245 = arith.constant 72 : i32
        %parallel_loop3A_246 = arith.addi %parallel_loop3A_168, %parallel_loop3A_245 : i32
        %parallel_loop3A_247 = vector.broadcast %parallel_loop3A_246 : i32 to vector<16xi32>
        %parallel_loop3A_248 = arith.addi %shift_right_arithmetic3A_4, %parallel_loop3A_247 : vector<16xi32>
        tpu.vector_store_idx %arg8[%parallel_loop3A_166, %and3A_2, %parallel_loop3A_248], %parallel_loop3A_244 : memref<8x2x384xf32, #tpu.memory_space<vmem>>[vector<16xi32>, vector<16xi32>, vector<16xi32>], vector<16xf32>,
        %parallel_loop3A_249 = arith.index_cast %parallel_loop3A_160 : i32 to index
        %parallel_loop3A_250 = arith.index_cast %parallel_loop3A_162 : i32 to index
        %parallel_loop3A_251 = arith.constant 160 : index
        %parallel_loop3A_252 = tpu.vector_load %arg5[%parallel_loop3A_249, %parallel_loop3A_250, %parallel_loop3A_251] {strides = array<i32>} : memref<2x8x384xf32, #tpu.memory_space<vmem>>, vector<16xf32>,
        %parallel_loop3A_253 = arith.constant 80 : i32
        %parallel_loop3A_254 = arith.addi %parallel_loop3A_168, %parallel_loop3A_253 : i32
        %parallel_loop3A_255 = vector.broadcast %parallel_loop3A_254 : i32 to vector<16xi32>
        %parallel_loop3A_256 = arith.addi %shift_right_arithmetic3A_4, %parallel_loop3A_255 : vector<16xi32>
        tpu.vector_store_idx %arg8[%parallel_loop3A_166, %and3A_2, %parallel_loop3A_256], %parallel_loop3A_252 : memref<8x2x384xf32, #tpu.memory_space<vmem>>[vector<16xi32>, vector<16xi32>, vector<16xi32>], vector<16xf32>,
        %parallel_loop3A_257 = arith.index_cast %parallel_loop3A_160 : i32 to index
        %parallel_loop3A_258 = arith.index_cast %parallel_loop3A_162 : i32 to index
        %parallel_loop3A_259 = arith.constant 176 : index
        %parallel_loop3A_260 = tpu.vector_load %arg5[%parallel_loop3A_257, %parallel_loop3A_258, %parallel_loop3A_259] {strides = array<i32>} : memref<2x8x384xf32, #tpu.memory_space<vmem>>, vector<16xf32>,
        %parallel_loop3A_261 = arith.constant 88 : i32
        %parallel_loop3A_262 = arith.addi %parallel_loop3A_168, %parallel_loop3A_261 : i32
        %parallel_loop3A_263 = vector.broadcast %parallel_loop3A_262 : i32 to vector<16xi32>
        %parallel_loop3A_264 = arith.addi %shift_right_arithmetic3A_4, %parallel_loop3A_263 : vector<16xi32>
        tpu.vector_store_idx %arg8[%parallel_loop3A_166, %and3A_2, %parallel_loop3A_264], %parallel_loop3A_260 : memref<8x2x384xf32, #tpu.memory_space<vmem>>[vector<16xi32>, vector<16xi32>, vector<16xi32>], vector<16xf32>,
        %parallel_loop3A_265 = arith.index_cast %parallel_loop3A_160 : i32 to index
        %parallel_loop3A_266 = arith.index_cast %parallel_loop3A_162 : i32 to index
        %parallel_loop3A_267 = arith.constant 192 : index
        %parallel_loop3A_268 = tpu.vector_load %arg5[%parallel_loop3A_265, %parallel_loop3A_266, %parallel_loop3A_267] {strides = array<i32>} : memref<2x8x384xf32, #tpu.memory_space<vmem>>, vector<16xf32>,
        %parallel_loop3A_269 = arith.constant 96 : i32
        %parallel_loop3A_270 = arith.addi %parallel_loop3A_168, %parallel_loop3A_269 : i32
        %parallel_loop3A_271 = vector.broadcast %parallel_loop3A_270 : i32 to vector<16xi32>
        %parallel_loop3A_272 = arith.addi %shift_right_arithmetic3A_4, %parallel_loop3A_271 : vector<16xi32>
        tpu.vector_store_idx %arg8[%parallel_loop3A_166, %and3A_2, %parallel_loop3A_272], %parallel_loop3A_268 : memref<8x2x384xf32, #tpu.memory_space<vmem>>[vector<16xi32>, vector<16xi32>, vector<16xi32>], vector<16xf32>,
        %parallel_loop3A_273 = arith.index_cast %parallel_loop3A_160 : i32 to index
        %parallel_loop3A_274 = arith.index_cast %parallel_loop3A_162 : i32 to index
        %parallel_loop3A_275 = arith.constant 208 : index
        %parallel_loop3A_276 = tpu.vector_load %arg5[%parallel_loop3A_273, %parallel_loop3A_274, %parallel_loop3A_275] {strides = array<i32>} : memref<2x8x384xf32, #tpu.memory_space<vmem>>, vector<16xf32>,
        %parallel_loop3A_277 = arith.constant 104 : i32
        %parallel_loop3A_278 = arith.addi %parallel_loop3A_168, %parallel_loop3A_277 : i32
        %parallel_loop3A_279 = vector.broadcast %parallel_loop3A_278 : i32 to vector<16xi32>
        %parallel_loop3A_280 = arith.addi %shift_right_arithmetic3A_4, %parallel_loop3A_279 : vector<16xi32>
        tpu.vector_store_idx %arg8[%parallel_loop3A_166, %and3A_2, %parallel_loop3A_280], %parallel_loop3A_276 : memref<8x2x384xf32, #tpu.memory_space<vmem>>[vector<16xi32>, vector<16xi32>, vector<16xi32>], vector<16xf32>,
        %parallel_loop3A_281 = arith.index_cast %parallel_loop3A_160 : i32 to index
        %parallel_loop3A_282 = arith.index_cast %parallel_loop3A_162 : i32 to index
        %parallel_loop3A_283 = arith.constant 224 : index
        %parallel_loop3A_284 = tpu.vector_load %arg5[%parallel_loop3A_281, %parallel_loop3A_282, %parallel_loop3A_283] {strides = array<i32>} : memref<2x8x384xf32, #tpu.memory_space<vmem>>, vector<16xf32>,
        %parallel_loop3A_285 = arith.constant 112 : i32
        %parallel_loop3A_286 = arith.addi %parallel_loop3A_168, %parallel_loop3A_285 : i32
        %parallel_loop3A_287 = vector.broadcast %parallel_loop3A_286 : i32 to vector<16xi32>
        %parallel_loop3A_288 = arith.addi %shift_right_arithmetic3A_4, %parallel_loop3A_287 : vector<16xi32>
        tpu.vector_store_idx %arg8[%parallel_loop3A_166, %and3A_2, %parallel_loop3A_288], %parallel_loop3A_284 : memref<8x2x384xf32, #tpu.memory_space<vmem>>[vector<16xi32>, vector<16xi32>, vector<16xi32>], vector<16xf32>,
        %parallel_loop3A_289 = arith.index_cast %parallel_loop3A_160 : i32 to index
        %parallel_loop3A_290 = arith.index_cast %parallel_loop3A_162 : i32 to index
        %parallel_loop3A_291 = arith.constant 240 : index
        %parallel_loop3A_292 = tpu.vector_load %arg5[%parallel_loop3A_289, %parallel_loop3A_290, %parallel_loop3A_291] {strides = array<i32>} : memref<2x8x384xf32, #tpu.memory_space<vmem>>, vector<16xf32>,
        %parallel_loop3A_293 = arith.constant 120 : i32
        %parallel_loop3A_294 = arith.addi %parallel_loop3A_168, %parallel_loop3A_293 : i32
        %parallel_loop3A_295 = vector.broadcast %parallel_loop3A_294 : i32 to vector<16xi32>
        %parallel_loop3A_296 = arith.addi %shift_right_arithmetic3A_4, %parallel_loop3A_295 : vector<16xi32>
        tpu.vector_store_idx %arg8[%parallel_loop3A_166, %and3A_2, %parallel_loop3A_296], %parallel_loop3A_292 : memref<8x2x384xf32, #tpu.memory_space<vmem>>[vector<16xi32>, vector<16xi32>, vector<16xi32>], vector<16xf32>,
        %parallel_loop3A_297 = arith.index_cast %parallel_loop3A_160 : i32 to index
        %parallel_loop3A_298 = arith.index_cast %parallel_loop3A_162 : i32 to index
        %parallel_loop3A_299 = arith.constant 256 : index
        %parallel_loop3A_300 = tpu.vector_load %arg5[%parallel_loop3A_297, %parallel_loop3A_298, %parallel_loop3A_299] {strides = array<i32>} : memref<2x8x384xf32, #tpu.memory_space<vmem>>, vector<16xf32>,
        %parallel_loop3A_301 = arith.constant 128 : i32
        %parallel_loop3A_302 = arith.addi %parallel_loop3A_168, %parallel_loop3A_301 : i32
        %parallel_loop3A_303 = vector.broadcast %parallel_loop3A_302 : i32 to vector<16xi32>
        %parallel_loop3A_304 = arith.addi %shift_right_arithmetic3A_4, %parallel_loop3A_303 : vector<16xi32>
        tpu.vector_store_idx %arg8[%parallel_loop3A_166, %and3A_2, %parallel_loop3A_304], %parallel_loop3A_300 : memref<8x2x384xf32, #tpu.memory_space<vmem>>[vector<16xi32>, vector<16xi32>, vector<16xi32>], vector<16xf32>,
        %parallel_loop3A_305 = arith.index_cast %parallel_loop3A_160 : i32 to index
        %parallel_loop3A_306 = arith.index_cast %parallel_loop3A_162 : i32 to index
        %parallel_loop3A_307 = arith.constant 272 : index
        %parallel_loop3A_308 = tpu.vector_load %arg5[%parallel_loop3A_305, %parallel_loop3A_306, %parallel_loop3A_307] {strides = array<i32>} : memref<2x8x384xf32, #tpu.memory_space<vmem>>, vector<16xf32>,
        %parallel_loop3A_309 = arith.constant 136 : i32
        %parallel_loop3A_310 = arith.addi %parallel_loop3A_168, %parallel_loop3A_309 : i32
        %parallel_loop3A_311 = vector.broadcast %parallel_loop3A_310 : i32 to vector<16xi32>
        %parallel_loop3A_312 = arith.addi %shift_right_arithmetic3A_4, %parallel_loop3A_311 : vector<16xi32>
        tpu.vector_store_idx %arg8[%parallel_loop3A_166, %and3A_2, %parallel_loop3A_312], %parallel_loop3A_308 : memref<8x2x384xf32, #tpu.memory_space<vmem>>[vector<16xi32>, vector<16xi32>, vector<16xi32>], vector<16xf32>,
        %parallel_loop3A_313 = arith.index_cast %parallel_loop3A_160 : i32 to index
        %parallel_loop3A_314 = arith.index_cast %parallel_loop3A_162 : i32 to index
        %parallel_loop3A_315 = arith.constant 288 : index
        %parallel_loop3A_316 = tpu.vector_load %arg5[%parallel_loop3A_313, %parallel_loop3A_314, %parallel_loop3A_315] {strides = array<i32>} : memref<2x8x384xf32, #tpu.memory_space<vmem>>, vector<16xf32>,
        %parallel_loop3A_317 = arith.constant 144 : i32
        %parallel_loop3A_318 = arith.addi %parallel_loop3A_168, %parallel_loop3A_317 : i32
        %parallel_loop3A_319 = vector.broadcast %parallel_loop3A_318 : i32 to vector<16xi32>
        %parallel_loop3A_320 = arith.addi %shift_right_arithmetic3A_4, %parallel_loop3A_319 : vector<16xi32>
        tpu.vector_store_idx %arg8[%parallel_loop3A_166, %and3A_2, %parallel_loop3A_320], %parallel_loop3A_316 : memref<8x2x384xf32, #tpu.memory_space<vmem>>[vector<16xi32>, vector<16xi32>, vector<16xi32>], vector<16xf32>,
        %parallel_loop3A_321 = arith.index_cast %parallel_loop3A_160 : i32 to index
        %parallel_loop3A_322 = arith.index_cast %parallel_loop3A_162 : i32 to index
        %parallel_loop3A_323 = arith.constant 304 : index
        %parallel_loop3A_324 = tpu.vector_load %arg5[%parallel_loop3A_321, %parallel_loop3A_322, %parallel_loop3A_323] {strides = array<i32>} : memref<2x8x384xf32, #tpu.memory_space<vmem>>, vector<16xf32>,
        %parallel_loop3A_325 = arith.constant 152 : i32
        %parallel_loop3A_326 = arith.addi %parallel_loop3A_168, %parallel_loop3A_325 : i32
        %parallel_loop3A_327 = vector.broadcast %parallel_loop3A_326 : i32 to vector<16xi32>
        %parallel_loop3A_328 = arith.addi %shift_right_arithmetic3A_4, %parallel_loop3A_327 : vector<16xi32>
        tpu.vector_store_idx %arg8[%parallel_loop3A_166, %and3A_2, %parallel_loop3A_328], %parallel_loop3A_324 : memref<8x2x384xf32, #tpu.memory_space<vmem>>[vector<16xi32>, vector<16xi32>, vector<16xi32>], vector<16xf32>,
        %parallel_loop3A_329 = arith.index_cast %parallel_loop3A_160 : i32 to index
        %parallel_loop3A_330 = arith.index_cast %parallel_loop3A_162 : i32 to index
        %parallel_loop3A_331 = arith.constant 320 : index
        %parallel_loop3A_332 = tpu.vector_load %arg5[%parallel_loop3A_329, %parallel_loop3A_330, %parallel_loop3A_331] {strides = array<i32>} : memref<2x8x384xf32, #tpu.memory_space<vmem>>, vector<16xf32>,
        %parallel_loop3A_333 = arith.constant 160 : i32
        %parallel_loop3A_334 = arith.addi %parallel_loop3A_168, %parallel_loop3A_333 : i32
        %parallel_loop3A_335 = vector.broadcast %parallel_loop3A_334 : i32 to vector<16xi32>
        %parallel_loop3A_336 = arith.addi %shift_right_arithmetic3A_4, %parallel_loop3A_335 : vector<16xi32>
        tpu.vector_store_idx %arg8[%parallel_loop3A_166, %and3A_2, %parallel_loop3A_336], %parallel_loop3A_332 : memref<8x2x384xf32, #tpu.memory_space<vmem>>[vector<16xi32>, vector<16xi32>, vector<16xi32>], vector<16xf32>,
        %parallel_loop3A_337 = arith.index_cast %parallel_loop3A_160 : i32 to index
        %parallel_loop3A_338 = arith.index_cast %parallel_loop3A_162 : i32 to index
        %parallel_loop3A_339 = arith.constant 336 : index
        %parallel_loop3A_340 = tpu.vector_load %arg5[%parallel_loop3A_337, %parallel_loop3A_338, %parallel_loop3A_339] {strides = array<i32>} : memref<2x8x384xf32, #tpu.memory_space<vmem>>, vector<16xf32>,
        %parallel_loop3A_341 = arith.constant 168 : i32
        %parallel_loop3A_342 = arith.addi %parallel_loop3A_168, %parallel_loop3A_341 : i32
        %parallel_loop3A_343 = vector.broadcast %parallel_loop3A_342 : i32 to vector<16xi32>
        %parallel_loop3A_344 = arith.addi %shift_right_arithmetic3A_4, %parallel_loop3A_343 : vector<16xi32>
        tpu.vector_store_idx %arg8[%parallel_loop3A_166, %and3A_2, %parallel_loop3A_344], %parallel_loop3A_340 : memref<8x2x384xf32, #tpu.memory_space<vmem>>[vector<16xi32>, vector<16xi32>, vector<16xi32>], vector<16xf32>,
        %parallel_loop3A_345 = arith.index_cast %parallel_loop3A_160 : i32 to index
        %parallel_loop3A_346 = arith.index_cast %parallel_loop3A_162 : i32 to index
        %parallel_loop3A_347 = arith.constant 352 : index
        %parallel_loop3A_348 = tpu.vector_load %arg5[%parallel_loop3A_345, %parallel_loop3A_346, %parallel_loop3A_347] {strides = array<i32>} : memref<2x8x384xf32, #tpu.memory_space<vmem>>, vector<16xf32>,
        %parallel_loop3A_349 = arith.constant 176 : i32
        %parallel_loop3A_350 = arith.addi %parallel_loop3A_168, %parallel_loop3A_349 : i32
        %parallel_loop3A_351 = vector.broadcast %parallel_loop3A_350 : i32 to vector<16xi32>
        %parallel_loop3A_352 = arith.addi %shift_right_arithmetic3A_4, %parallel_loop3A_351 : vector<16xi32>
        tpu.vector_store_idx %arg8[%parallel_loop3A_166, %and3A_2, %parallel_loop3A_352], %parallel_loop3A_348 : memref<8x2x384xf32, #tpu.memory_space<vmem>>[vector<16xi32>, vector<16xi32>, vector<16xi32>], vector<16xf32>,
        %parallel_loop3A_353 = arith.index_cast %parallel_loop3A_160 : i32 to index
        %parallel_loop3A_354 = arith.index_cast %parallel_loop3A_162 : i32 to index
        %parallel_loop3A_355 = arith.constant 368 : index
        %parallel_loop3A_356 = tpu.vector_load %arg5[%parallel_loop3A_353, %parallel_loop3A_354, %parallel_loop3A_355] {strides = array<i32>} : memref<2x8x384xf32, #tpu.memory_space<vmem>>, vector<16xf32>,
        %parallel_loop3A_357 = arith.constant 184 : i32
        %parallel_loop3A_358 = arith.addi %parallel_loop3A_168, %parallel_loop3A_357 : i32
        %parallel_loop3A_359 = vector.broadcast %parallel_loop3A_358 : i32 to vector<16xi32>
        %parallel_loop3A_360 = arith.addi %shift_right_arithmetic3A_4, %parallel_loop3A_359 : vector<16xi32>
        tpu.vector_store_idx %arg8[%parallel_loop3A_166, %and3A_2, %parallel_loop3A_360], %parallel_loop3A_356 : memref<8x2x384xf32, #tpu.memory_space<vmem>>[vector<16xi32>, vector<16xi32>, vector<16xi32>], vector<16xf32>,
      } {sc.loop_unroll_factor = 4 : i64, sc.parallel_access}
      %lt3A_141 = arith.constant 5 : i32
      %lt3A_142 = arith.cmpi slt, %scan3A_71, %lt3A_141 : i32
      %convert_element_type3A_143 = arith.extui %lt3A_142 : i1 to i32
      %cond3A_144 = arith.constant 0 : i32
      %cond3A_145 = arith.cmpi ne, %convert_element_type3A_143, %cond3A_144 : i32
      scf.if %cond3A_145 {
        %add3A_158 = arith.constant 64 : i32
        %add3A_159 = arith.addi %add3A_120, %add3A_158 : i32
        %shift_right_arithmetic3A_160 = arith.constant 2 : i32
        %shift_right_arithmetic3A_161 = arith.shrsi %add3A_159, %shift_right_arithmetic3A_160 : i32
        %and3A_162 = arith.constant 3 : i32
        %and3A_163 = arith.andi %add3A_159, %and3A_162 : i32
        %mul3A_164 = arith.constant 2 : i32
        %mul3A_165 = arith.muli %mul3A_164, %shift_right_arithmetic3A_161 : i32
        %mul3A_166 = arith.constant 8 : i32
        %mul3A_167 = arith.muli %mul3A_166, %and3A_163 : i32
        %dma_start3A_168 = arith.constant 0 : i32
        %dma_start3A_169 = tpu.memref_slice %arg2[%mul3A_165, %mul3A_167, %dma_start3A_168] : memref<196x32x384xf32, #tpu.memory_space<hbm>> -> memref<2x8x384xf32, #tpu.memory_space<hbm>>
        %dma_start3A_170 = arith.constant 0 : i32
        %dma_start3A_171 = tpu.memref_slice %arg2[%mul3A_165, %mul3A_167, %dma_start3A_170] : memref<196x32x384xf32, #tpu.memory_space<hbm>> -> memref<2x8x384xf32, #tpu.memory_space<hbm>>
        tpu.enqueue_dma source(%dma_start3A_171 : memref<2x8x384xf32, #tpu.memory_space<hbm>>) target(%arg5 : memref<2x8x384xf32, #tpu.memory_space<vmem>>) target_semaphore(%arg10 : memref<!tpu.dma_semaphore, #tpu.memory_space<semaphore_mem>>)
      } else {
      }
      %shift_right_arithmetic3A_146 = arith.constant 2 : i32
      %shift_right_arithmetic3A_147 = arith.shrsi %add3A_120, %shift_right_arithmetic3A_146 : i32
      %and3A_148 = arith.constant 3 : i32
      %and3A_149 = arith.andi %add3A_120, %and3A_148 : i32
      %mul3A_150 = arith.constant 8 : i32
      %mul3A_151 = arith.muli %mul3A_150, %and3A_149 : i32
      %mul3A_152 = arith.constant 384 : i32
      %mul3A_153 = arith.muli %mul3A_152, %shift_right_arithmetic3A_147 : i32
      %dma_start3A_154 = arith.constant 0 : i32
      %dma_start3A_155 = tpu.memref_slice %arg3[%mul3A_151, %dma_start3A_154, %mul3A_153] : memref<32x2x37632xf32, #tpu.memory_space<hbm>> -> memref<8x2x384xf32, #tpu.memory_space<hbm>>
      %dma_start3A_156 = arith.constant 0 : i32
      %dma_start3A_157 = tpu.memref_slice %arg3[%mul3A_151, %dma_start3A_156, %mul3A_153] : memref<32x2x37632xf32, #tpu.memory_space<hbm>> -> memref<8x2x384xf32, #tpu.memory_space<hbm>>
      tpu.enqueue_dma source(%arg8 : memref<8x2x384xf32, #tpu.memory_space<vmem>>) target(%dma_start3A_157 : memref<8x2x384xf32, #tpu.memory_space<hbm>>) target_semaphore(%arg13 : memref<!tpu.dma_semaphore, #tpu.memory_space<semaphore_mem>>)
    }
    %scan3A_38 = arith.constant 6 : i32
    %add3A_39 = arith.constant 320 : i32
    %add3A_40 = arith.addi %add3A, %add3A_39 : i32
    %shift_right_arithmetic3A_41 = arith.constant 2 : i32
    %shift_right_arithmetic3A_42 = arith.shrsi %add3A_40, %shift_right_arithmetic3A_41 : i32
    %and3A_43 = arith.constant 3 : i32
    %and3A_44 = arith.andi %add3A_40, %and3A_43 : i32
    %mul3A_45 = arith.constant 8 : i32
    %mul3A_46 = arith.muli %mul3A_45, %and3A_44 : i32
    %mul3A_47 = arith.constant 384 : i32
    %mul3A_48 = arith.muli %mul3A_47, %shift_right_arithmetic3A_42 : i32
    %dma_wait3A = arith.constant 0 : i32
    %dma_wait3A_49 = tpu.memref_slice %arg3[%mul3A_46, %dma_wait3A, %mul3A_48] : memref<32x2x37632xf32, #tpu.memory_space<hbm>> -> memref<8x2x384xf32, #tpu.memory_space<hbm>>
    %dma_wait3A_50 = arith.constant 0 : i32
    %dma_wait3A_51 = tpu.memref_slice %arg3[%mul3A_46, %dma_wait3A_50, %mul3A_48] : memref<32x2x37632xf32, #tpu.memory_space<hbm>> -> memref<8x2x384xf32, #tpu.memory_space<hbm>>
    tpu.wait_dma2 semaphore(%arg12 : memref<!tpu.dma_semaphore, #tpu.memory_space<semaphore_mem>>) src(%arg7 : memref<8x2x384xf32, #tpu.memory_space<vmem>>) dst(%dma_wait3A_51 : memref<8x2x384xf32, #tpu.memory_space<hbm>>)
    %add3A_52 = arith.constant 352 : i32
    %add3A_53 = arith.addi %add3A, %add3A_52 : i32
    %shift_right_arithmetic3A_54 = arith.constant 2 : i32
    %shift_right_arithmetic3A_55 = arith.shrsi %add3A_53, %shift_right_arithmetic3A_54 : i32
    %and3A_56 = arith.constant 3 : i32
    %and3A_57 = arith.andi %add3A_53, %and3A_56 : i32
    %mul3A_58 = arith.constant 8 : i32
    %mul3A_59 = arith.muli %mul3A_58, %and3A_57 : i32
    %mul3A_60 = arith.constant 384 : i32
    %mul3A_61 = arith.muli %mul3A_60, %shift_right_arithmetic3A_55 : i32
    %dma_wait3A_62 = arith.constant 0 : i32
    %dma_wait3A_63 = tpu.memref_slice %arg3[%mul3A_59, %dma_wait3A_62, %mul3A_61] : memref<32x2x37632xf32, #tpu.memory_space<hbm>> -> memref<8x2x384xf32, #tpu.memory_space<hbm>>
    %dma_wait3A_64 = arith.constant 0 : i32
    %dma_wait3A_65 = tpu.memref_slice %arg3[%mul3A_59, %dma_wait3A_64, %mul3A_61] : memref<32x2x37632xf32, #tpu.memory_space<hbm>> -> memref<8x2x384xf32, #tpu.memory_space<hbm>>
    tpu.wait_dma2 semaphore(%arg13 : memref<!tpu.dma_semaphore, #tpu.memory_space<semaphore_mem>>) src(%arg8 : memref<8x2x384xf32, #tpu.memory_space<vmem>>) dst(%dma_wait3A_65 : memref<8x2x384xf32, #tpu.memory_space<hbm>>)
    %lt3A_66 = arith.constant 8 : i32
    %lt3A_67 = arith.cmpi slt, %add3A, %lt3A_66 : i32
    %convert_element_type3A_68 = arith.extui %lt3A_67 : i1 to i32
    %cond3A_69 = arith.constant 0 : i32
    %cond3A_70 = arith.cmpi ne, %convert_element_type3A_68, %cond3A_69 : i32
    scf.if %cond3A_70 {
      %shift_right_arithmetic3A_71 = arith.constant 2 : i32
      %shift_right_arithmetic3A_72 = arith.shrsi %add3A_6, %shift_right_arithmetic3A_71 : i32
      %mul3A_73 = arith.constant 2 : i32
      %mul3A_74 = arith.muli %mul3A_73, %shift_right_arithmetic3A_72 : i32
      %and3A_75 = arith.constant 3 : i32
      %and3A_76 = arith.andi %add3A_6, %and3A_75 : i32
      %mul3A_77 = arith.constant 8 : i32
      %mul3A_78 = arith.muli %mul3A_77, %and3A_76 : i32
      %dma_wait3A_79 = arith.constant 0 : i32
      %dma_wait3A_80 = tpu.memref_slice %arg2[%mul3A_74, %mul3A_78, %dma_wait3A_79] : memref<196x32x384xf32, #tpu.memory_space<hbm>> -> memref<2x8x384xf32, #tpu.memory_space<hbm>>
      %dma_wait3A_81 = arith.constant 0 : i32
      %dma_wait3A_82 = tpu.memref_slice %arg2[%mul3A_74, %mul3A_78, %dma_wait3A_81] : memref<196x32x384xf32, #tpu.memory_space<hbm>> -> memref<2x8x384xf32, #tpu.memory_space<hbm>>
      tpu.wait_dma2 semaphore(%arg11 : memref<!tpu.dma_semaphore, #tpu.memory_space<semaphore_mem>>) src(%dma_wait3A_82 : memref<2x8x384xf32, #tpu.memory_space<hbm>>) dst(%arg6 : memref<2x8x384xf32, #tpu.memory_space<vmem>>)
      %parallel_loop3A = arith.constant 0 : i32
      %parallel_loop3A_83 = arith.constant 16 : i32
      %parallel_loop3A_84 = arith.constant 1 : i32
      scf.for %parallel_loop3A_109 = %parallel_loop3A to %parallel_loop3A_83 step %parallel_loop3A_84  : i32 {
        %parallel_loop3A_110 = arith.constant 3 : i32
        %parallel_loop3A_111 = arith.shrsi %parallel_loop3A_109, %parallel_loop3A_110 : i32
        %parallel_loop3A_112 = arith.constant 7 : i32
        %parallel_loop3A_113 = arith.andi %parallel_loop3A_109, %parallel_loop3A_112 : i32
        %parallel_loop3A_114 = arith.constant 0 : i32
        %parallel_loop3A_115 = vector.broadcast %parallel_loop3A_114 : i32 to vector<16xi32>
        %parallel_loop3A_116 = vector.broadcast %parallel_loop3A_113 : i32 to vector<16xi32>
        %parallel_loop3A_117 = arith.addi %parallel_loop3A_115, %parallel_loop3A_116 : vector<16xi32>
        %parallel_loop3A_118 = arith.constant 192 : i32
        %parallel_loop3A_119 = arith.muli %parallel_loop3A_118, %parallel_loop3A_111 : i32
        %parallel_loop3A_120 = arith.index_cast %parallel_loop3A_111 : i32 to index
        %parallel_loop3A_121 = arith.index_cast %parallel_loop3A_113 : i32 to index
        %parallel_loop3A_122 = arith.constant 0 : index
        %parallel_loop3A_123 = tpu.vector_load %arg6[%parallel_loop3A_120, %parallel_loop3A_121, %parallel_loop3A_122] {strides = array<i32>} : memref<2x8x384xf32, #tpu.memory_space<vmem>>, vector<16xf32>,
        %parallel_loop3A_124 = arith.constant 0 : i32
        %parallel_loop3A_125 = arith.addi %parallel_loop3A_119, %parallel_loop3A_124 : i32
        %parallel_loop3A_126 = vector.broadcast %parallel_loop3A_125 : i32 to vector<16xi32>
        %parallel_loop3A_127 = arith.addi %shift_right_arithmetic3A_4, %parallel_loop3A_126 : vector<16xi32>
        tpu.vector_store_idx %arg7[%parallel_loop3A_117, %and3A_2, %parallel_loop3A_127], %parallel_loop3A_123 : memref<8x2x384xf32, #tpu.memory_space<vmem>>[vector<16xi32>, vector<16xi32>, vector<16xi32>], vector<16xf32>,
        %parallel_loop3A_128 = arith.index_cast %parallel_loop3A_111 : i32 to index
        %parallel_loop3A_129 = arith.index_cast %parallel_loop3A_113 : i32 to index
        %parallel_loop3A_130 = arith.constant 16 : index
        %parallel_loop3A_131 = tpu.vector_load %arg6[%parallel_loop3A_128, %parallel_loop3A_129, %parallel_loop3A_130] {strides = array<i32>} : memref<2x8x384xf32, #tpu.memory_space<vmem>>, vector<16xf32>,
        %parallel_loop3A_132 = arith.constant 8 : i32
        %parallel_loop3A_133 = arith.addi %parallel_loop3A_119, %parallel_loop3A_132 : i32
        %parallel_loop3A_134 = vector.broadcast %parallel_loop3A_133 : i32 to vector<16xi32>
        %parallel_loop3A_135 = arith.addi %shift_right_arithmetic3A_4, %parallel_loop3A_134 : vector<16xi32>
        tpu.vector_store_idx %arg7[%parallel_loop3A_117, %and3A_2, %parallel_loop3A_135], %parallel_loop3A_131 : memref<8x2x384xf32, #tpu.memory_space<vmem>>[vector<16xi32>, vector<16xi32>, vector<16xi32>], vector<16xf32>,
        %parallel_loop3A_136 = arith.index_cast %parallel_loop3A_111 : i32 to index
        %parallel_loop3A_137 = arith.index_cast %parallel_loop3A_113 : i32 to index
        %parallel_loop3A_138 = arith.constant 32 : index
        %parallel_loop3A_139 = tpu.vector_load %arg6[%parallel_loop3A_136, %parallel_loop3A_137, %parallel_loop3A_138] {strides = array<i32>} : memref<2x8x384xf32, #tpu.memory_space<vmem>>, vector<16xf32>,
        %parallel_loop3A_140 = arith.constant 16 : i32
        %parallel_loop3A_141 = arith.addi %parallel_loop3A_119, %parallel_loop3A_140 : i32
        %parallel_loop3A_142 = vector.broadcast %parallel_loop3A_141 : i32 to vector<16xi32>
        %parallel_loop3A_143 = arith.addi %shift_right_arithmetic3A_4, %parallel_loop3A_142 : vector<16xi32>
        tpu.vector_store_idx %arg7[%parallel_loop3A_117, %and3A_2, %parallel_loop3A_143], %parallel_loop3A_139 : memref<8x2x384xf32, #tpu.memory_space<vmem>>[vector<16xi32>, vector<16xi32>, vector<16xi32>], vector<16xf32>,
        %parallel_loop3A_144 = arith.index_cast %parallel_loop3A_111 : i32 to index
        %parallel_loop3A_145 = arith.index_cast %parallel_loop3A_113 : i32 to index
        %parallel_loop3A_146 = arith.constant 48 : index
        %parallel_loop3A_147 = tpu.vector_load %arg6[%parallel_loop3A_144, %parallel_loop3A_145, %parallel_loop3A_146] {strides = array<i32>} : memref<2x8x384xf32, #tpu.memory_space<vmem>>, vector<16xf32>,
        %parallel_loop3A_148 = arith.constant 24 : i32
        %parallel_loop3A_149 = arith.addi %parallel_loop3A_119, %parallel_loop3A_148 : i32
        %parallel_loop3A_150 = vector.broadcast %parallel_loop3A_149 : i32 to vector<16xi32>
        %parallel_loop3A_151 = arith.addi %shift_right_arithmetic3A_4, %parallel_loop3A_150 : vector<16xi32>
        tpu.vector_store_idx %arg7[%parallel_loop3A_117, %and3A_2, %parallel_loop3A_151], %parallel_loop3A_147 : memref<8x2x384xf32, #tpu.memory_space<vmem>>[vector<16xi32>, vector<16xi32>, vector<16xi32>], vector<16xf32>,
        %parallel_loop3A_152 = arith.index_cast %parallel_loop3A_111 : i32 to index
        %parallel_loop3A_153 = arith.index_cast %parallel_loop3A_113 : i32 to index
        %parallel_loop3A_154 = arith.constant 64 : index
        %parallel_loop3A_155 = tpu.vector_load %arg6[%parallel_loop3A_152, %parallel_loop3A_153, %parallel_loop3A_154] {strides = array<i32>} : memref<2x8x384xf32, #tpu.memory_space<vmem>>, vector<16xf32>,
        %parallel_loop3A_156 = arith.constant 32 : i32
        %parallel_loop3A_157 = arith.addi %parallel_loop3A_119, %parallel_loop3A_156 : i32
        %parallel_loop3A_158 = vector.broadcast %parallel_loop3A_157 : i32 to vector<16xi32>
        %parallel_loop3A_159 = arith.addi %shift_right_arithmetic3A_4, %parallel_loop3A_158 : vector<16xi32>
        tpu.vector_store_idx %arg7[%parallel_loop3A_117, %and3A_2, %parallel_loop3A_159], %parallel_loop3A_155 : memref<8x2x384xf32, #tpu.memory_space<vmem>>[vector<16xi32>, vector<16xi32>, vector<16xi32>], vector<16xf32>,
        %parallel_loop3A_160 = arith.index_cast %parallel_loop3A_111 : i32 to index
        %parallel_loop3A_161 = arith.index_cast %parallel_loop3A_113 : i32 to index
        %parallel_loop3A_162 = arith.constant 80 : index
        %parallel_loop3A_163 = tpu.vector_load %arg6[%parallel_loop3A_160, %parallel_loop3A_161, %parallel_loop3A_162] {strides = array<i32>} : memref<2x8x384xf32, #tpu.memory_space<vmem>>, vector<16xf32>,
        %parallel_loop3A_164 = arith.constant 40 : i32
        %parallel_loop3A_165 = arith.addi %parallel_loop3A_119, %parallel_loop3A_164 : i32
        %parallel_loop3A_166 = vector.broadcast %parallel_loop3A_165 : i32 to vector<16xi32>
        %parallel_loop3A_167 = arith.addi %shift_right_arithmetic3A_4, %parallel_loop3A_166 : vector<16xi32>
        tpu.vector_store_idx %arg7[%parallel_loop3A_117, %and3A_2, %parallel_loop3A_167], %parallel_loop3A_163 : memref<8x2x384xf32, #tpu.memory_space<vmem>>[vector<16xi32>, vector<16xi32>, vector<16xi32>], vector<16xf32>,
        %parallel_loop3A_168 = arith.index_cast %parallel_loop3A_111 : i32 to index
        %parallel_loop3A_169 = arith.index_cast %parallel_loop3A_113 : i32 to index
        %parallel_loop3A_170 = arith.constant 96 : index
        %parallel_loop3A_171 = tpu.vector_load %arg6[%parallel_loop3A_168, %parallel_loop3A_169, %parallel_loop3A_170] {strides = array<i32>} : memref<2x8x384xf32, #tpu.memory_space<vmem>>, vector<16xf32>,
        %parallel_loop3A_172 = arith.constant 48 : i32
        %parallel_loop3A_173 = arith.addi %parallel_loop3A_119, %parallel_loop3A_172 : i32
        %parallel_loop3A_174 = vector.broadcast %parallel_loop3A_173 : i32 to vector<16xi32>
        %parallel_loop3A_175 = arith.addi %shift_right_arithmetic3A_4, %parallel_loop3A_174 : vector<16xi32>
        tpu.vector_store_idx %arg7[%parallel_loop3A_117, %and3A_2, %parallel_loop3A_175], %parallel_loop3A_171 : memref<8x2x384xf32, #tpu.memory_space<vmem>>[vector<16xi32>, vector<16xi32>, vector<16xi32>], vector<16xf32>,
        %parallel_loop3A_176 = arith.index_cast %parallel_loop3A_111 : i32 to index
        %parallel_loop3A_177 = arith.index_cast %parallel_loop3A_113 : i32 to index
        %parallel_loop3A_178 = arith.constant 112 : index
        %parallel_loop3A_179 = tpu.vector_load %arg6[%parallel_loop3A_176, %parallel_loop3A_177, %parallel_loop3A_178] {strides = array<i32>} : memref<2x8x384xf32, #tpu.memory_space<vmem>>, vector<16xf32>,
        %parallel_loop3A_180 = arith.constant 56 : i32
        %parallel_loop3A_181 = arith.addi %parallel_loop3A_119, %parallel_loop3A_180 : i32
        %parallel_loop3A_182 = vector.broadcast %parallel_loop3A_181 : i32 to vector<16xi32>
        %parallel_loop3A_183 = arith.addi %shift_right_arithmetic3A_4, %parallel_loop3A_182 : vector<16xi32>
        tpu.vector_store_idx %arg7[%parallel_loop3A_117, %and3A_2, %parallel_loop3A_183], %parallel_loop3A_179 : memref<8x2x384xf32, #tpu.memory_space<vmem>>[vector<16xi32>, vector<16xi32>, vector<16xi32>], vector<16xf32>,
        %parallel_loop3A_184 = arith.index_cast %parallel_loop3A_111 : i32 to index
        %parallel_loop3A_185 = arith.index_cast %parallel_loop3A_113 : i32 to index
        %parallel_loop3A_186 = arith.constant 128 : index
        %parallel_loop3A_187 = tpu.vector_load %arg6[%parallel_loop3A_184, %parallel_loop3A_185, %parallel_loop3A_186] {strides = array<i32>} : memref<2x8x384xf32, #tpu.memory_space<vmem>>, vector<16xf32>,
        %parallel_loop3A_188 = arith.constant 64 : i32
        %parallel_loop3A_189 = arith.addi %parallel_loop3A_119, %parallel_loop3A_188 : i32
        %parallel_loop3A_190 = vector.broadcast %parallel_loop3A_189 : i32 to vector<16xi32>
        %parallel_loop3A_191 = arith.addi %shift_right_arithmetic3A_4, %parallel_loop3A_190 : vector<16xi32>
        tpu.vector_store_idx %arg7[%parallel_loop3A_117, %and3A_2, %parallel_loop3A_191], %parallel_loop3A_187 : memref<8x2x384xf32, #tpu.memory_space<vmem>>[vector<16xi32>, vector<16xi32>, vector<16xi32>], vector<16xf32>,
        %parallel_loop3A_192 = arith.index_cast %parallel_loop3A_111 : i32 to index
        %parallel_loop3A_193 = arith.index_cast %parallel_loop3A_113 : i32 to index
        %parallel_loop3A_194 = arith.constant 144 : index
        %parallel_loop3A_195 = tpu.vector_load %arg6[%parallel_loop3A_192, %parallel_loop3A_193, %parallel_loop3A_194] {strides = array<i32>} : memref<2x8x384xf32, #tpu.memory_space<vmem>>, vector<16xf32>,
        %parallel_loop3A_196 = arith.constant 72 : i32
        %parallel_loop3A_197 = arith.addi %parallel_loop3A_119, %parallel_loop3A_196 : i32
        %parallel_loop3A_198 = vector.broadcast %parallel_loop3A_197 : i32 to vector<16xi32>
        %parallel_loop3A_199 = arith.addi %shift_right_arithmetic3A_4, %parallel_loop3A_198 : vector<16xi32>
        tpu.vector_store_idx %arg7[%parallel_loop3A_117, %and3A_2, %parallel_loop3A_199], %parallel_loop3A_195 : memref<8x2x384xf32, #tpu.memory_space<vmem>>[vector<16xi32>, vector<16xi32>, vector<16xi32>], vector<16xf32>,
        %parallel_loop3A_200 = arith.index_cast %parallel_loop3A_111 : i32 to index
        %parallel_loop3A_201 = arith.index_cast %parallel_loop3A_113 : i32 to index
        %parallel_loop3A_202 = arith.constant 160 : index
        %parallel_loop3A_203 = tpu.vector_load %arg6[%parallel_loop3A_200, %parallel_loop3A_201, %parallel_loop3A_202] {strides = array<i32>} : memref<2x8x384xf32, #tpu.memory_space<vmem>>, vector<16xf32>,
        %parallel_loop3A_204 = arith.constant 80 : i32
        %parallel_loop3A_205 = arith.addi %parallel_loop3A_119, %parallel_loop3A_204 : i32
        %parallel_loop3A_206 = vector.broadcast %parallel_loop3A_205 : i32 to vector<16xi32>
        %parallel_loop3A_207 = arith.addi %shift_right_arithmetic3A_4, %parallel_loop3A_206 : vector<16xi32>
        tpu.vector_store_idx %arg7[%parallel_loop3A_117, %and3A_2, %parallel_loop3A_207], %parallel_loop3A_203 : memref<8x2x384xf32, #tpu.memory_space<vmem>>[vector<16xi32>, vector<16xi32>, vector<16xi32>], vector<16xf32>,
        %parallel_loop3A_208 = arith.index_cast %parallel_loop3A_111 : i32 to index
        %parallel_loop3A_209 = arith.index_cast %parallel_loop3A_113 : i32 to index
        %parallel_loop3A_210 = arith.constant 176 : index
        %parallel_loop3A_211 = tpu.vector_load %arg6[%parallel_loop3A_208, %parallel_loop3A_209, %parallel_loop3A_210] {strides = array<i32>} : memref<2x8x384xf32, #tpu.memory_space<vmem>>, vector<16xf32>,
        %parallel_loop3A_212 = arith.constant 88 : i32
        %parallel_loop3A_213 = arith.addi %parallel_loop3A_119, %parallel_loop3A_212 : i32
        %parallel_loop3A_214 = vector.broadcast %parallel_loop3A_213 : i32 to vector<16xi32>
        %parallel_loop3A_215 = arith.addi %shift_right_arithmetic3A_4, %parallel_loop3A_214 : vector<16xi32>
        tpu.vector_store_idx %arg7[%parallel_loop3A_117, %and3A_2, %parallel_loop3A_215], %parallel_loop3A_211 : memref<8x2x384xf32, #tpu.memory_space<vmem>>[vector<16xi32>, vector<16xi32>, vector<16xi32>], vector<16xf32>,
        %parallel_loop3A_216 = arith.index_cast %parallel_loop3A_111 : i32 to index
        %parallel_loop3A_217 = arith.index_cast %parallel_loop3A_113 : i32 to index
        %parallel_loop3A_218 = arith.constant 192 : index
        %parallel_loop3A_219 = tpu.vector_load %arg6[%parallel_loop3A_216, %parallel_loop3A_217, %parallel_loop3A_218] {strides = array<i32>} : memref<2x8x384xf32, #tpu.memory_space<vmem>>, vector<16xf32>,
        %parallel_loop3A_220 = arith.constant 96 : i32
        %parallel_loop3A_221 = arith.addi %parallel_loop3A_119, %parallel_loop3A_220 : i32
        %parallel_loop3A_222 = vector.broadcast %parallel_loop3A_221 : i32 to vector<16xi32>
        %parallel_loop3A_223 = arith.addi %shift_right_arithmetic3A_4, %parallel_loop3A_222 : vector<16xi32>
        tpu.vector_store_idx %arg7[%parallel_loop3A_117, %and3A_2, %parallel_loop3A_223], %parallel_loop3A_219 : memref<8x2x384xf32, #tpu.memory_space<vmem>>[vector<16xi32>, vector<16xi32>, vector<16xi32>], vector<16xf32>,
        %parallel_loop3A_224 = arith.index_cast %parallel_loop3A_111 : i32 to index
        %parallel_loop3A_225 = arith.index_cast %parallel_loop3A_113 : i32 to index
        %parallel_loop3A_226 = arith.constant 208 : index
        %parallel_loop3A_227 = tpu.vector_load %arg6[%parallel_loop3A_224, %parallel_loop3A_225, %parallel_loop3A_226] {strides = array<i32>} : memref<2x8x384xf32, #tpu.memory_space<vmem>>, vector<16xf32>,
        %parallel_loop3A_228 = arith.constant 104 : i32
        %parallel_loop3A_229 = arith.addi %parallel_loop3A_119, %parallel_loop3A_228 : i32
        %parallel_loop3A_230 = vector.broadcast %parallel_loop3A_229 : i32 to vector<16xi32>
        %parallel_loop3A_231 = arith.addi %shift_right_arithmetic3A_4, %parallel_loop3A_230 : vector<16xi32>
        tpu.vector_store_idx %arg7[%parallel_loop3A_117, %and3A_2, %parallel_loop3A_231], %parallel_loop3A_227 : memref<8x2x384xf32, #tpu.memory_space<vmem>>[vector<16xi32>, vector<16xi32>, vector<16xi32>], vector<16xf32>,
        %parallel_loop3A_232 = arith.index_cast %parallel_loop3A_111 : i32 to index
        %parallel_loop3A_233 = arith.index_cast %parallel_loop3A_113 : i32 to index
        %parallel_loop3A_234 = arith.constant 224 : index
        %parallel_loop3A_235 = tpu.vector_load %arg6[%parallel_loop3A_232, %parallel_loop3A_233, %parallel_loop3A_234] {strides = array<i32>} : memref<2x8x384xf32, #tpu.memory_space<vmem>>, vector<16xf32>,
        %parallel_loop3A_236 = arith.constant 112 : i32
        %parallel_loop3A_237 = arith.addi %parallel_loop3A_119, %parallel_loop3A_236 : i32
        %parallel_loop3A_238 = vector.broadcast %parallel_loop3A_237 : i32 to vector<16xi32>
        %parallel_loop3A_239 = arith.addi %shift_right_arithmetic3A_4, %parallel_loop3A_238 : vector<16xi32>
        tpu.vector_store_idx %arg7[%parallel_loop3A_117, %and3A_2, %parallel_loop3A_239], %parallel_loop3A_235 : memref<8x2x384xf32, #tpu.memory_space<vmem>>[vector<16xi32>, vector<16xi32>, vector<16xi32>], vector<16xf32>,
        %parallel_loop3A_240 = arith.index_cast %parallel_loop3A_111 : i32 to index
        %parallel_loop3A_241 = arith.index_cast %parallel_loop3A_113 : i32 to index
        %parallel_loop3A_242 = arith.constant 240 : index
        %parallel_loop3A_243 = tpu.vector_load %arg6[%parallel_loop3A_240, %parallel_loop3A_241, %parallel_loop3A_242] {strides = array<i32>} : memref<2x8x384xf32, #tpu.memory_space<vmem>>, vector<16xf32>,
        %parallel_loop3A_244 = arith.constant 120 : i32
        %parallel_loop3A_245 = arith.addi %parallel_loop3A_119, %parallel_loop3A_244 : i32
        %parallel_loop3A_246 = vector.broadcast %parallel_loop3A_245 : i32 to vector<16xi32>
        %parallel_loop3A_247 = arith.addi %shift_right_arithmetic3A_4, %parallel_loop3A_246 : vector<16xi32>
        tpu.vector_store_idx %arg7[%parallel_loop3A_117, %and3A_2, %parallel_loop3A_247], %parallel_loop3A_243 : memref<8x2x384xf32, #tpu.memory_space<vmem>>[vector<16xi32>, vector<16xi32>, vector<16xi32>], vector<16xf32>,
        %parallel_loop3A_248 = arith.index_cast %parallel_loop3A_111 : i32 to index
        %parallel_loop3A_249 = arith.index_cast %parallel_loop3A_113 : i32 to index
        %parallel_loop3A_250 = arith.constant 256 : index
        %parallel_loop3A_251 = tpu.vector_load %arg6[%parallel_loop3A_248, %parallel_loop3A_249, %parallel_loop3A_250] {strides = array<i32>} : memref<2x8x384xf32, #tpu.memory_space<vmem>>, vector<16xf32>,
        %parallel_loop3A_252 = arith.constant 128 : i32
        %parallel_loop3A_253 = arith.addi %parallel_loop3A_119, %parallel_loop3A_252 : i32
        %parallel_loop3A_254 = vector.broadcast %parallel_loop3A_253 : i32 to vector<16xi32>
        %parallel_loop3A_255 = arith.addi %shift_right_arithmetic3A_4, %parallel_loop3A_254 : vector<16xi32>
        tpu.vector_store_idx %arg7[%parallel_loop3A_117, %and3A_2, %parallel_loop3A_255], %parallel_loop3A_251 : memref<8x2x384xf32, #tpu.memory_space<vmem>>[vector<16xi32>, vector<16xi32>, vector<16xi32>], vector<16xf32>,
        %parallel_loop3A_256 = arith.index_cast %parallel_loop3A_111 : i32 to index
        %parallel_loop3A_257 = arith.index_cast %parallel_loop3A_113 : i32 to index
        %parallel_loop3A_258 = arith.constant 272 : index
        %parallel_loop3A_259 = tpu.vector_load %arg6[%parallel_loop3A_256, %parallel_loop3A_257, %parallel_loop3A_258] {strides = array<i32>} : memref<2x8x384xf32, #tpu.memory_space<vmem>>, vector<16xf32>,
        %parallel_loop3A_260 = arith.constant 136 : i32
        %parallel_loop3A_261 = arith.addi %parallel_loop3A_119, %parallel_loop3A_260 : i32
        %parallel_loop3A_262 = vector.broadcast %parallel_loop3A_261 : i32 to vector<16xi32>
        %parallel_loop3A_263 = arith.addi %shift_right_arithmetic3A_4, %parallel_loop3A_262 : vector<16xi32>
        tpu.vector_store_idx %arg7[%parallel_loop3A_117, %and3A_2, %parallel_loop3A_263], %parallel_loop3A_259 : memref<8x2x384xf32, #tpu.memory_space<vmem>>[vector<16xi32>, vector<16xi32>, vector<16xi32>], vector<16xf32>,
        %parallel_loop3A_264 = arith.index_cast %parallel_loop3A_111 : i32 to index
        %parallel_loop3A_265 = arith.index_cast %parallel_loop3A_113 : i32 to index
        %parallel_loop3A_266 = arith.constant 288 : index
        %parallel_loop3A_267 = tpu.vector_load %arg6[%parallel_loop3A_264, %parallel_loop3A_265, %parallel_loop3A_266] {strides = array<i32>} : memref<2x8x384xf32, #tpu.memory_space<vmem>>, vector<16xf32>,
        %parallel_loop3A_268 = arith.constant 144 : i32
        %parallel_loop3A_269 = arith.addi %parallel_loop3A_119, %parallel_loop3A_268 : i32
        %parallel_loop3A_270 = vector.broadcast %parallel_loop3A_269 : i32 to vector<16xi32>
        %parallel_loop3A_271 = arith.addi %shift_right_arithmetic3A_4, %parallel_loop3A_270 : vector<16xi32>
        tpu.vector_store_idx %arg7[%parallel_loop3A_117, %and3A_2, %parallel_loop3A_271], %parallel_loop3A_267 : memref<8x2x384xf32, #tpu.memory_space<vmem>>[vector<16xi32>, vector<16xi32>, vector<16xi32>], vector<16xf32>,
        %parallel_loop3A_272 = arith.index_cast %parallel_loop3A_111 : i32 to index
        %parallel_loop3A_273 = arith.index_cast %parallel_loop3A_113 : i32 to index
        %parallel_loop3A_274 = arith.constant 304 : index
        %parallel_loop3A_275 = tpu.vector_load %arg6[%parallel_loop3A_272, %parallel_loop3A_273, %parallel_loop3A_274] {strides = array<i32>} : memref<2x8x384xf32, #tpu.memory_space<vmem>>, vector<16xf32>,
        %parallel_loop3A_276 = arith.constant 152 : i32
        %parallel_loop3A_277 = arith.addi %parallel_loop3A_119, %parallel_loop3A_276 : i32
        %parallel_loop3A_278 = vector.broadcast %parallel_loop3A_277 : i32 to vector<16xi32>
        %parallel_loop3A_279 = arith.addi %shift_right_arithmetic3A_4, %parallel_loop3A_278 : vector<16xi32>
        tpu.vector_store_idx %arg7[%parallel_loop3A_117, %and3A_2, %parallel_loop3A_279], %parallel_loop3A_275 : memref<8x2x384xf32, #tpu.memory_space<vmem>>[vector<16xi32>, vector<16xi32>, vector<16xi32>], vector<16xf32>,
        %parallel_loop3A_280 = arith.index_cast %parallel_loop3A_111 : i32 to index
        %parallel_loop3A_281 = arith.index_cast %parallel_loop3A_113 : i32 to index
        %parallel_loop3A_282 = arith.constant 320 : index
        %parallel_loop3A_283 = tpu.vector_load %arg6[%parallel_loop3A_280, %parallel_loop3A_281, %parallel_loop3A_282] {strides = array<i32>} : memref<2x8x384xf32, #tpu.memory_space<vmem>>, vector<16xf32>,
        %parallel_loop3A_284 = arith.constant 160 : i32
        %parallel_loop3A_285 = arith.addi %parallel_loop3A_119, %parallel_loop3A_284 : i32
        %parallel_loop3A_286 = vector.broadcast %parallel_loop3A_285 : i32 to vector<16xi32>
        %parallel_loop3A_287 = arith.addi %shift_right_arithmetic3A_4, %parallel_loop3A_286 : vector<16xi32>
        tpu.vector_store_idx %arg7[%parallel_loop3A_117, %and3A_2, %parallel_loop3A_287], %parallel_loop3A_283 : memref<8x2x384xf32, #tpu.memory_space<vmem>>[vector<16xi32>, vector<16xi32>, vector<16xi32>], vector<16xf32>,
        %parallel_loop3A_288 = arith.index_cast %parallel_loop3A_111 : i32 to index
        %parallel_loop3A_289 = arith.index_cast %parallel_loop3A_113 : i32 to index
        %parallel_loop3A_290 = arith.constant 336 : index
        %parallel_loop3A_291 = tpu.vector_load %arg6[%parallel_loop3A_288, %parallel_loop3A_289, %parallel_loop3A_290] {strides = array<i32>} : memref<2x8x384xf32, #tpu.memory_space<vmem>>, vector<16xf32>,
        %parallel_loop3A_292 = arith.constant 168 : i32
        %parallel_loop3A_293 = arith.addi %parallel_loop3A_119, %parallel_loop3A_292 : i32
        %parallel_loop3A_294 = vector.broadcast %parallel_loop3A_293 : i32 to vector<16xi32>
        %parallel_loop3A_295 = arith.addi %shift_right_arithmetic3A_4, %parallel_loop3A_294 : vector<16xi32>
        tpu.vector_store_idx %arg7[%parallel_loop3A_117, %and3A_2, %parallel_loop3A_295], %parallel_loop3A_291 : memref<8x2x384xf32, #tpu.memory_space<vmem>>[vector<16xi32>, vector<16xi32>, vector<16xi32>], vector<16xf32>,
        %parallel_loop3A_296 = arith.index_cast %parallel_loop3A_111 : i32 to index
        %parallel_loop3A_297 = arith.index_cast %parallel_loop3A_113 : i32 to index
        %parallel_loop3A_298 = arith.constant 352 : index
        %parallel_loop3A_299 = tpu.vector_load %arg6[%parallel_loop3A_296, %parallel_loop3A_297, %parallel_loop3A_298] {strides = array<i32>} : memref<2x8x384xf32, #tpu.memory_space<vmem>>, vector<16xf32>,
        %parallel_loop3A_300 = arith.constant 176 : i32
        %parallel_loop3A_301 = arith.addi %parallel_loop3A_119, %parallel_loop3A_300 : i32
        %parallel_loop3A_302 = vector.broadcast %parallel_loop3A_301 : i32 to vector<16xi32>
        %parallel_loop3A_303 = arith.addi %shift_right_arithmetic3A_4, %parallel_loop3A_302 : vector<16xi32>
        tpu.vector_store_idx %arg7[%parallel_loop3A_117, %and3A_2, %parallel_loop3A_303], %parallel_loop3A_299 : memref<8x2x384xf32, #tpu.memory_space<vmem>>[vector<16xi32>, vector<16xi32>, vector<16xi32>], vector<16xf32>,
        %parallel_loop3A_304 = arith.index_cast %parallel_loop3A_111 : i32 to index
        %parallel_loop3A_305 = arith.index_cast %parallel_loop3A_113 : i32 to index
        %parallel_loop3A_306 = arith.constant 368 : index
        %parallel_loop3A_307 = tpu.vector_load %arg6[%parallel_loop3A_304, %parallel_loop3A_305, %parallel_loop3A_306] {strides = array<i32>} : memref<2x8x384xf32, #tpu.memory_space<vmem>>, vector<16xf32>,
        %parallel_loop3A_308 = arith.constant 184 : i32
        %parallel_loop3A_309 = arith.addi %parallel_loop3A_119, %parallel_loop3A_308 : i32
        %parallel_loop3A_310 = vector.broadcast %parallel_loop3A_309 : i32 to vector<16xi32>
        %parallel_loop3A_311 = arith.addi %shift_right_arithmetic3A_4, %parallel_loop3A_310 : vector<16xi32>
        tpu.vector_store_idx %arg7[%parallel_loop3A_117, %and3A_2, %parallel_loop3A_311], %parallel_loop3A_307 : memref<8x2x384xf32, #tpu.memory_space<vmem>>[vector<16xi32>, vector<16xi32>, vector<16xi32>], vector<16xf32>,
      } {sc.loop_unroll_factor = 4 : i64, sc.parallel_access}
      %and3A_85 = arith.constant 3 : i32
      %and3A_86 = arith.andi %add3A_6, %and3A_85 : i32
      %mul3A_87 = arith.constant 8 : i32
      %mul3A_88 = arith.muli %mul3A_87, %and3A_86 : i32
      %shift_right_arithmetic3A_89 = arith.constant 2 : i32
      %shift_right_arithmetic3A_90 = arith.shrsi %add3A_6, %shift_right_arithmetic3A_89 : i32
      %mul3A_91 = arith.constant 384 : i32
      %mul3A_92 = arith.muli %mul3A_91, %shift_right_arithmetic3A_90 : i32
      %dma_start3A_93 = arith.constant 0 : i32
      %dma_start3A_94 = tpu.memref_slice %arg3[%mul3A_88, %dma_start3A_93, %mul3A_92] : memref<32x2x37632xf32, #tpu.memory_space<hbm>> -> memref<8x2x384xf32, #tpu.memory_space<hbm>>
      %dma_start3A_95 = arith.constant 0 : i32
      %dma_start3A_96 = tpu.memref_slice %arg3[%mul3A_88, %dma_start3A_95, %mul3A_92] : memref<32x2x37632xf32, #tpu.memory_space<hbm>> -> memref<8x2x384xf32, #tpu.memory_space<hbm>>
      tpu.enqueue_dma source(%arg7 : memref<8x2x384xf32, #tpu.memory_space<vmem>>) target(%dma_start3A_96 : memref<8x2x384xf32, #tpu.memory_space<hbm>>) target_semaphore(%arg12 : memref<!tpu.dma_semaphore, #tpu.memory_space<semaphore_mem>>)
      %and3A_97 = arith.constant 3 : i32
      %and3A_98 = arith.andi %add3A_6, %and3A_97 : i32
      %mul3A_99 = arith.constant 8 : i32
      %mul3A_100 = arith.muli %mul3A_99, %and3A_98 : i32
      %shift_right_arithmetic3A_101 = arith.constant 2 : i32
      %shift_right_arithmetic3A_102 = arith.shrsi %add3A_6, %shift_right_arithmetic3A_101 : i32
      %mul3A_103 = arith.constant 384 : i32
      %mul3A_104 = arith.muli %mul3A_103, %shift_right_arithmetic3A_102 : i32
      %dma_wait3A_105 = arith.constant 0 : i32
      %dma_wait3A_106 = tpu.memref_slice %arg3[%mul3A_100, %dma_wait3A_105, %mul3A_104] : memref<32x2x37632xf32, #tpu.memory_space<hbm>> -> memref<8x2x384xf32, #tpu.memory_space<hbm>>
      %dma_wait3A_107 = arith.constant 0 : i32
      %dma_wait3A_108 = tpu.memref_slice %arg3[%mul3A_100, %dma_wait3A_107, %mul3A_104] : memref<32x2x37632xf32, #tpu.memory_space<hbm>> -> memref<8x2x384xf32, #tpu.memory_space<hbm>>
      tpu.wait_dma2 semaphore(%arg12 : memref<!tpu.dma_semaphore, #tpu.memory_space<semaphore_mem>>) src(%arg7 : memref<8x2x384xf32, #tpu.memory_space<vmem>>) dst(%dma_wait3A_108 : memref<8x2x384xf32, #tpu.memory_space<hbm>>)
    } else {
    }
    return
  }
}

</mosaic_0001>

<sc_bundles>
// kernel: kernel.3.cloned.1.call-start
scs
__scs_entry_jumppad:
0x0: {  	(pc) =	sbr.rel $0x88, $3  }
0x1: {  	(tag) =	ssettag $0x0;
	lr =	simm.s32 $0x1  }
0x2: {  	[smem:$0x3FA0] =	sst lr;
	_ =	strace $0xD0000000  }
0x3: {  	_ = 	snop  }
0x4: {  	_ = 	snop  }
0x5: {  	_ = 	snop  }
0x6: {  	_ = 	snop  }
0x7: {  	_ = 	snop  }
__scs_overlays_trampoline_lowered:
0x8: {  	[smem:$0x3FAF] =	sst s0  }
0x9: {  	[smem:$0x3FB0] =	sst s1  }
0xa: {  	[smem:$0x3FB1] =	sst s2  }
0xb: {  	[smem:$0x3FB2] =	sst s3  }
0xc: {  	[smem:$0x3FB3] =	sst s4  }
0xd: {  	[smem:$0x3FB4] =	sst s5  }
0xe: {  	[smem:$0x3FB5] =	sst s6  }
0xf: {  	[smem:$0x3FB6] =	sst s7  }
0x10: {  	[smem:$0x3FB7] =	sst s8  }
0x11: {  	[smem:$0x3FB8] =	sst s9;
	s0 =	simm.s32 @!p0 $0x0  }
0x12: {  	s1 =	sld [smem:$0x3F9E];
	s0 =	simm.s32 @p0 $0x1  }
0x13: {  	[smem:$0x3FB9] =	sst s0;
	s0 =	simm.s32 @!p1 $0x0  }
0x14: {  	s2 =	sld [smem:$0x3F9D];
	s0 =	simm.s32 @p1 $0x1  }
0x15: {  	[smem:$0x3FBA] =	sst s0;
	s0 =	simm.s32 @!p2 $0x0  }
0x16: {  	s3 =	sld [smem:$0x3FDB];
	s0 =	simm.s32 @p2 $0x1  }
0x17: {  	s4 =	simm.s32 $0x1BF5;
	[smem:$0x3FBC] =	sst s0  }
0x18: {  	s0 =	sld [smem:$0x3F9F];
	_ =	swait.ge [sflag:s4], $0x0  }
0x19: {  	s7 =	sld [smem:$0x3FA0]  }
0x1a: {  	s8 =	sadd.s32 $0xFFFFE003, lr  }
0x1b: {  	s9 =	sadd.s32 $0xFFFFFEF7, lr;
	s5 =	simm.s32 $0xFFFFFFFF;
	p2 =	slt.u32 s8, $0xFFFFF086  }
0x1c: {  	p1 =	slt.u32 s9, $0xF7A;
	s5 =	simm.s32 @!p2 $0x0  }
0x1d: {  	s5 =	simm.s32 @p1 $0x1;
	p0 =	seq.s32 s7, s2  }
0x1e: {  	s7 =	smul.u32 @!p0 $0xF7A, s2;
	p2 =	seq.s32 @!p0 s5, $0x0  }
0x1f: {  	s9 =	smul.u32 $0xF7A, s1;
	s8 =	simm.s32 @!p0 $0x1BF5;
	p2 =	por !p2, p0  }
0x20: {  	[sflag:s8] =	ssyncset.s32 @!p0 $0xFFFFF086;
	s6 =	sadd.s32 @!p0 s3, s7;
	s7 =	simm.s32 @!p0 $0x108  }
0x21: {  	s3 =	sadd.s32 s3, s9;
	s6 =	sadd.s32 @!p0 $0x88, s6;
	s7 =	simm.s32 @p2 $0x1082  }
0x22: {  	[simem:s7], [sflag:s8] =	dma.local @!p0 [hbm:s6], $0xF7A  }
0x23: {  	s9 =	sor.u32 $0xD0000000, s2;
	s6 =	simm.s32 $0x108;
	_ =	swait.ge @!p0 [sflag:s8], $0x0  }
0x24: {  	s3 =	sadd.s32 $0x88, s3;
	s6 =	simm.s32 @!p1 $0x1082;
	[sflag:s4] =	ssyncset.s32 $0xFFFFF086  }
0x25: {  	[simem:s6], [sflag:s4] =	dma.local [hbm:s3], $0xF7A  }
0x26: {  	[smem:$0x3FA0] =	sst s1;
	(tag) =	ssettag s2;
	_ =	strace s9  }
0x27: {  	s1 =	sld [smem:$0x3FB0]  }
0x28: {  	s2 =	sld [smem:$0x3FB1]  }
0x29: {  	s4 =	sld [smem:$0x3FB3]  }
0x2a: {  	p0 =	seq.s32 s5, $0x0;
	s5 =	sld [smem:$0x3FB4]  }
0x2b: {  	s6 =	sld [smem:$0x3FB5]  }
0x2c: {  	s7 =	sld [smem:$0x3FB6]  }
0x2d: {  	s3 =	simm.s32 $0x108;
	s8 =	sld [smem:$0x3FB7]  }
0x2e: {  	s3 =	simm.s32 @!p0 $0x1082;
	s9 =	sld [smem:$0x3FB8]  }
0x2f: {  	lr =	sadd.s32 s0, s3;
	s0 =	sld [smem:$0x3FAF]  }
0x30: {  	s3 =	sld [smem:$0x3FB2]  }
0x31: {  	[smem:$0x3FBB] =	sst s10  }
0x32: {  	s10 =	sld [smem:$0x3FB9];
	_ =	sdelay $0x3  }
0x33: {  	p0 =	seq.s32 s10, $0x1;
	s10 =	sld [smem:$0x3FBB];
	_ =	sdelay $0x3  }
0x34: {  	[smem:$0x3FBB] =	sst s10  }
0x35: {  	s10 =	sld [smem:$0x3FBA];
	_ =	sdelay $0x3  }
0x36: {  	p1 =	seq.s32 s10, $0x1;
	s10 =	sld [smem:$0x3FBB];
	_ =	sdelay $0x3  }
0x37: {  	[smem:$0x3FBB] =	sst s10  }
0x38: {  	s10 =	sld [smem:$0x3FBC]  }
0x39: {  	_ = 	snop;
	(pc) =	sbr.ind lr, $3  }
0x3a: {  	_ = 	snop  }
0x3b: {  	_ = 	snop  }
0x3c: {  	p2 =	seq.s32 s10, $0x1;
	s10 =	sld [smem:$0x3FBB]  }
0x3d: {  	_ =	shalt  }
0x3e: {  	_ =	shalt  }
0x3f: {  	_ =	shalt  }
0x40: {  	_ =	shalt  }
0x41: {  	_ =	shalt  }
0x42: {  	_ =	shalt  }
0x43: {  	_ =	shalt  }
0x44: {  	_ =	shalt  }
0x45: {  	_ =	shalt  }
0x46: {  	_ =	shalt  }
0x47: {  	_ =	shalt  }
0x48: {  	_ =	shalt  }
0x49: {  	_ =	shalt  }
0x4a: {  	_ =	shalt  }
0x4b: {  	_ =	shalt  }
0x4c: {  	_ =	shalt  }
0x4d: {  	_ =	shalt  }
0x4e: {  	_ =	shalt  }
0x4f: {  	_ =	shalt  }
0x50: {  	_ =	shalt  }
0x51: {  	_ =	shalt  }
0x52: {  	_ =	shalt  }
0x53: {  	_ =	shalt  }
0x54: {  	_ =	shalt  }
0x55: {  	_ =	shalt  }
0x56: {  	_ =	shalt  }
0x57: {  	_ =	shalt  }
0x58: {  	_ =	shalt  }
0x59: {  	_ =	shalt  }
0x5a: {  	_ =	shalt  }
0x5b: {  	_ =	shalt  }
0x5c: {  	_ =	shalt  }
0x5d: {  	_ =	shalt  }
0x5e: {  	_ =	shalt  }
0x5f: {  	_ =	shalt  }
0x60: {  	_ =	shalt  }
0x61: {  	_ =	shalt  }
0x62: {  	_ =	shalt  }
0x63: {  	_ =	shalt  }
0x64: {  	_ =	shalt  }
0x65: {  	_ =	shalt  }
0x66: {  	_ =	shalt  }
0x67: {  	_ =	shalt  }
0x68: {  	_ =	shalt  }
0x69: {  	_ =	shalt  }
0x6a: {  	_ =	shalt  }
0x6b: {  	_ =	shalt  }
0x6c: {  	_ =	shalt  }
0x6d: {  	_ =	shalt  }
0x6e: {  	_ =	shalt  }
0x6f: {  	_ =	shalt  }
0x70: {  	_ =	shalt  }
0x71: {  	_ =	shalt  }
0x72: {  	_ =	shalt  }
0x73: {  	_ =	shalt  }
0x74: {  	_ =	shalt  }
0x75: {  	_ =	shalt  }
0x76: {  	_ =	shalt  }
0x77: {  	_ =	shalt  }
0x78: {  	_ =	shalt  }
0x79: {  	_ =	shalt  }
0x7a: {  	_ =	shalt  }
0x7b: {  	_ =	shalt  }
0x7c: {  	_ =	shalt  }
0x7d: {  	_ =	shalt  }
0x7e: {  	_ =	shalt  }
0x7f: {  	_ =	shalt  }
0x80: {  	_ =	shalt  }
0x81: {  	_ =	shalt  }
0x82: {  	_ =	shalt  }
0x83: {  	_ =	shalt  }
0x84: {  	_ =	shalt  }
0x85: {  	_ =	shalt  }
0x86: {  	_ =	shalt  }
0x87: {  	_ =	shalt  }
.Lfunc_end0:
.L_simem_size_0:
called_computation_lowered:
.L_overlay_start_0:
0x88: {  	s2 =	sld [smem:$0x3FD9]  }
0x89: {  	s3 =	sld [smem:$0x3FFE];
	_ =	sdelay $0x1  }
0x8a: {  	s1 =	srdreg.scid  }
0x8b: {  	s0 =	sand.u32 $0x1, s1  }
0x8c: {  	s18 =	sshll.u32 s0, $0xA;
	s2 =	sadd.s32 s3, s2  }
0x8d: {  	s2 =	sadd.s32 s2, s18  }
0x8e: {  	[smem:$0x3FC7] =	sst s2  }
0x8f: {  	_ = 	snop  }
0x90: {  	s2 =	sld [smem:$0x3FC9]  }
0x91: {  	s19 =	sld [smem:$0x3FD0];
	(tm) =	ssettm $0x1  }
0x92: {  	s4 =	sld [smem:$0x3FFB];
	_ =	sdelay $0x3  }
0x93: {  	_ =	strace s4  }
0x94: {  	s4 =	sld [smem:$0x3FFC];
	_ =	sdelay $0x3  }
0x95: {  	_ =	strace s4  }
0x96: {  	s4 =	sld [smem:$0x3FFD];
	_ =	sdelay $0x3  }
0x97: {  	_ =	strace s4  }
0x98: {  	_ =	strace $0x8FFFFFFF  }
0x99: {  	s20 =	sld [smem:$0x3FDB];
	_ =	sdelay $0x1  }
0x9a: {  	s5 =	simm.s32 $_scs_section_size  }
0x9b: {  	s6 =	simm.s32 $_size__tile_overlayer_lowered;
	s7 =	simm.s32 $_tile_overlayer_lowered  }
0x9c: {  	s23 =	simm.s32 $0x1BFF;
	s22 =	sshll.u32 s7, $0x1;
	s4 =	sadd.s32 s5, s20  }
0x9d: {  	s8 =	simm.s32 $0x0;
	s21 =	sshll.u32 s6, $0x1;
	s6 =	sadd.s32 s22, s4  }
0x9e: {  	[timem:s8], [sflag:s23] =	dma.local [hbm:s6], s21  }
0x9f: {  	_ =	swait.ge [sflag:s23], s21  }
0xa0: {  	s5 =	ssub.s32 $0x0, s21;
	[sflag:s23] =	ssyncset.done $0x0  }
0xa1: {  	[sflag:s23] =	ssyncadd.s32 s5;
	_ =	sdelay $0x1  }
0xa2: {  	s24 =	simm.s32 $0x1B8B  }
0xa3: {  	_ =	swait.ge [sflag:s24], $0x1  }
0xa4: {  	[sflag:s24] =	ssyncset.done $0x0  }
0xa5: {  	s25 =	simm.s32 $0x1B8E;
	[sflag:s24] =	ssyncadd.s32 $0xFFFFFFFF  }
0xa6: {  	s26 =	simm.s32 $execute0_lowered;
	[smem:$0x3FD2] =	sst s25  }
0xa7: {  	s5 =	sshll.u32 s26, $0x1;
	_ =	strace $0x80000046;
	[dreg:$0x1] =	wrdreg $0xFFFFFFFF  }
0xa8: {  	s28 =	simm.s32 $_size_execute0_lowered;
	s4 =	sadd.s32 s4, s5;
	[dreg:$0x0] =	wrdreg $0x0  }
0xa9: {  	s5 =	sshll.u32 s28, $0x1;
	[dreg:$0x2] =	wrdreg s4  }
0xaa: {  	[dreg:$0x3] =	wrdreg s5  }
0xab: {  	[dreg:$0x4] =	wrdreg $0xC0  }
0xac: {  	_ =	task [dreg:s8], $0x5FFFF  }
0xad: {  	[dreg:$0x1] =	wrdreg $0xFFFFFFFF  }
0xae: {  	[dreg:$0x0] =	wrdreg $0x60  }
0xaf: {  	[dreg:$0x2] =	wrdreg s2  }
0xb0: {  	[dreg:$0x3] =	wrdreg s19  }
0xb1: {  	[dreg:$0x4] =	wrdreg $0x9  }
0xb2: {  	_ =	task.clear_ibuf [dreg:s8], $0x5FFFF;
	_ =	strace $0x90000046  }
0xb3: {  	s29 =	simm.s32 $0x9;
	_ =	strace $0x80000048  }
0xb4: {  	_ =	swait.ge [sflag:s29], $0x1  }
0xb5: {  	[sflag:s29] =	ssyncadd.s32 $0xFFFFFFFF  }
0xb6: {  	_ =	strace $0x90000048  }
0xb7: {  	_ =	sfence  }
0xb8: {  	s30 =	sld [smem:$0x0];
	_ =	sdelay $0x2  }
0xb9: {  	s31 =	sshll.u32 s1, $0xD;
	s1 =	sshrl.u32 s1, $0x2  }
0xba: {  	s3 =	sand.u32 $0x4000, s31;
	s1 =	sadd.s32 s1, s30  }
0xbb: {  	s0 =	sor.u32 s3, s0;
	s1 =	sshll.u32 s1, $0x11  }
0xbc: {  	s0 =	sor.u32 s1, s0  }
0xbd: {  	s0 =	sadd.s32 $0x8F2B, s0  }
0xbe: {  	[sflag:s0] =	ssyncadd.remote.s32 $0x1  }
0xbf: {  	_ =	sfence.sel $0xFFFF  }
0xc0: {  	[dreg:$0x0] =	wrdreg $0xFFFFFFFF;
	(pc) =	sbr.abs _section_cstart, $3  }
0xc1: {  	[dreg:$0x1] =	wrdreg $0xFFFFFFFF  }
0xc2: {  	_ =	task.clear_ibuf [dreg:s8], $0x2FFFF;
	_ =	strace $0x9FFFFFFF  }
0xc3: {  	(tm) =	ssettm $0x7FFFFFFF  }
tec
execute0_lowered:
.L_overlay_start_1:
0x0: {  	(tag) =	ssettag $0x1  }
0x1: {  	s2 =	rddreg [dreg:$0x0];
	s0 =	srdreg.scid  }
0x2: {  	s10 =	stileid.u32;
	s3 =	rddreg [dreg:$0x1];
	s9 =	simm.s32 $0x0  }
0x3: {  	s17 =	simm.s32 $0x1;
	s18 =	simm.s32 $0x4800;
	s19 =	simm.s32 $0x300  }
0x4: {  	s20 =	simm.s32 $0x12600;
	s21 =	simm.s32 $0x2;
	s22 =	simm.s32 $0x6000  }
0x5: {  	s23 =	simm.s32 $0x4;
	s0 =	sand.u32 $0x1, s0;
	s1 =	sshll.u32 s10, $0x1  }
0x6: {  	s5 =	sand.u32 $0xE, s10;
	[smem:$0x7FF] =	sst s9;
	s4 =	sor.u32 s0, s1  }
0x7: {  	s5 =	smul.u32 $0x3000, s5;
	s0 =	ssub.s32 $0x2, s0;
	s1 =	sor.u32 $0x180, s4  }
0x8: {  	s6 =	sand.u32 $0x3, s4;
	s8 =	sshll.u32 s4, $0x3;
	s29 =	sshrl.u32 s0, $0x1  }
0x9: {  	s7 =	sshrl.u32 s1, $0x1;
	s6 =	smul.u32 $0xC00, s6;
	s1 =	sshrl.u32 s1, $0x2  }
0xa: {  	s28 =	sand.u32 $0x18, s8;
	s7 =	sand.u32 $0xC2, s7;
	s1 =	smul.u32 $0x300, s1  }
0xb: {  	s0 =	ssub.s32 s0, s29;
	s26 =	smul.u32 $0x3000, s7;
	s5 =	sadd.s32 s5, s6  }
0xc: {  	s0 =	smax.u32 s0, $0x1;
	s7 =	smul.u32 $0x12600, s28;
	s5 =	sshrl.u32 s5, $0x3  }
0xd: {  	_ =	strace $0x80000047;
	[dreg:$0x7] =	wrdreg s0;
	s30 =	sadd.s32 s2, s5  }
.Ltmp0:
0xe: {  	s31 =	sadd.s32 s6, s26;
	s1 =	sadd.s32 s1, s7;
	(pc) =	sbr.rel .LBB2_1-.Ltmp0, $4  }
0xf: {  	v0 =	vlaneseq.u32;
	[dreg:$0x3] =	wrdreg s30;
	s8 =	sadd.s32 $0x6000, s30;
	s5 =	sshrl.u32 s31, $0x3  }
0x10: {  	v1 =	vand.u32 $0x1, v0;
	s1 =	sshrl.u32 s1, $0x3;
	[dreg:$0x4] =	wrdreg s8;
	s5 =	sadd.s32 s2, s5  }
0x11: {  	p0 =	sgt.u32 s10, $0x3;
	v1 =	vmul.u32 $0x80, v1;
	s1 =	sadd.s32 s3, s1;
	[dreg:$0x5] =	wrdreg s5  }
0x12: {  	v0 =	vshrl.u32 v0, $0x1;
	s13 =	sadd.s32 $0x1800, s7;
	s26 =	simm.s32 $0x0;
	[dreg:$0x6] =	wrdreg s1  }
.LBB2_11:
0x13: {  	s26 =	sadd.s32 $0x1, s26;
	s0 =	rddreg [dreg:$0x7]  }
0x14: {  	p1 =	sne.s32 s26, s0  }
.Ltmp1:
0x15: {  	_ = 	snop;
	(pc) =	sbr.rel @!p1 .LBB2_12-.Ltmp1, $1  }
0x16: {  	_ =	sdelay $0x3  }
.LBB2_1:
0x17: {  	s0 =	simm.s32 $0x0  }
0x18: {  	s1 =	rddreg [dreg:$0x3];
	s5 =	simm.s32 $0xC00;
	s8 =	simm.s32 $0x3000  }
0x19: {  	[tilespmem:s0], [sflag:$0x1] =	stream.strided.gather [hbm4b:s1+s5], $0x1800, s8, s5, $0x38;
	[tilespmem:$0x7800] =	vst v63  }
0x1a: {  	s30 =	rddreg [dreg:$0x4];
	s31 =	simm.s32 $0x1800;
	s28 =	simm.s32 $0x0  }
0x1b: {  	[tilespmem:s31], [sflag:$0x2] =	stream.strided.gather [hbm4b:s30+s5], $0x1800, s8, s5, $0x38;
	[tilespmem:$0x7800] =	vst v63  }
0x1c: {  	s0 =	simm.s32 @!p0 $0xC00;
	s1 =	simm.s32 @!p0 $0x3000;
	s5 =	rddreg [dreg:$0x5]  }
0x1d: {  	[tilespmem:s1], [sflag:$0x3] =	stream.strided.gather @!p0 [hbm4b:s5+s0], $0x1800, s1, s0, $0x38;
	[tilespmem:$0x7800] =	vst v63  }
.LBB2_2:
0x1e: {  	s29 =	simm.s32 $0x0  }
0x1f: {  	s0 =	simm.s32 $0x0;
	s10 =	sand.u32 $0x4, s29  }
0x20: {  	s1 =	smul.u32 $0xC0, s0;
	v2 =	vmov s10;
	s5 =	sor.u32 $0x3, s10;
	s11 =	sor.u32 $0x1, s10  }
0x21: {  	_ =	swait.ge [sflag:s17], $0x1800;
	p2 =	seq.s32 s28, $0x0;
	s14 =	sor.u32 $0x2, s10;
	v2 =	vmul.u32 $0x300, v2;
	v3 =	vmov s5;
	v4 =	vmov s11  }
0x22: {  	[sflag:s17] =	ssyncset.done $0x0;
	s9 =	simm.s32 @!p2 $0x4;
	v5 =	vmov s14;
	v6 =	vmov s1;
	v3 =	vmul.u32 $0x300, v3  }
0x23: {  	s0 =	smul.u32 $0x3000, s0;
	[sflag:s17] =	ssyncadd.s32 $0xFFFFE800;
	s30 =	sor.u32 $0x8, s1;
	v4 =	vmul.u32 $0x300, v4;
	v7 =	vmul.u32 $0x300, v5;
	v5 =	vor.u32 s1, v0  }
0x24: {  	_ =	swait.ge @!p2 [sflag:s9], $0x1800;
	v6 =	vshll.u32 v6, $0x1;
	v12 =	vmov s30;
	v3 =	vbroadcast v3, $0x0  }
0x25: {  	s25 =	sshra.s32 s0, $0x2;
	s0 =	sshll.u32 s5, $0x7;
	[sflag:s9] =	ssyncset.done @!p2 $0x0;
	v8 =	vand.u32 $0x47, v5;
	v6 =	vand.u32 $0x100, v6;
	v5 =	vbroadcast v2, $0x0  }
0x26: {  	s8 =	sor.u32 s0, s25;
	[sflag:s9] =	ssyncadd.s32 @!p2 $0xFFFFE800;
	v4 =	vbroadcast v4, $0x0;
	v8 =	vor.u32 v1, v8;
	v9 =	vadd.s32 v3, v6  }
0x27: {  	s16 =	sshll.u32 s11, $0x7;
	v12 =	vshll.u32 v12, $0x1;
	v2 =	vbroadcast v7, $0x0;
	v10 =	vld [tilespmem:s8+$0x0];
	v9 =	vor.u32 v9, v8  }
0x28: {  	s5 =	sshll.u32 s14, $0x7;
	s15 =	sor.u32 s16, s25;
	v12 =	vand.u32 $0x7FFFFF00, v12;
	v7 =	vadd.s32 v4, v6  }
0x29: {  	s11 =	sshll.u32 s10, $0x7;
	s14 =	sor.u32 s5, s25;
	v13 =	vld [tilespmem:s15+$0x0];
	v11 =	vor.u32 v5, v8;
	v7 =	vor.u32 v7, v8;
	v8 =	vor.u32 v2, v8  }
0x2a: {  	s10 =	sor.u32 s11, s25;
	v14 =	vld [tilespmem:s14+$0x0];
	v11 =	vor.u32 v6, v11;
	v6 =	vor.u32 v6, v8;
	v8 =	vor.u32 s30, v0  }
0x2b: {  	v17 =	vld [tilespmem:s10+$0x0];
	v15 =	vadd.s32 v5, v12;
	v16 =	vadd.s32 v3, v12;
	v8 =	vand.u32 $0x4F, v8  }
0x2c: {  	v18 =	vadd.s32 v4, v12;
	[tilespmem:v9+s18+$0x0] =	vst.idx.msk $0xffff, v10;
	v9 =	vor.u32 v8, v16  }
0x2d: {  	v12 =	vadd.s32 v2, v12;
	s30 =	sor.u32 $0x10, s1;
	v10 =	vor.u32 v8, v15;
	v15 =	vld [tilespmem:s8+$0x10];
	v9 =	vor.u32 v1, v9  }
0x2e: {  	v44 =	vmov s30;
	v18 =	vor.u32 v8, v18;
	v8 =	vor.u32 v8, v12;
	[tilespmem:v7+s18+$0x0] =	vst.idx.msk $0xffff, v13  }
0x2f: {  	v12 =	vor.u32 v1, v18;
	v7 =	vor.u32 v1, v10;
	v10 =	vshll.u32 v44, $0x1;
	v13 =	vld [tilespmem:s15+$0x10];
	[tilespmem:v6+s18+$0x0] =	vst.idx.msk $0xffff, v14  }
0x30: {  	[tilespmem:v11+s18+$0x0] =	vst.idx.msk $0xffff, v17;
	v6 =	vor.u32 s30, v0;
	v8 =	vor.u32 v1, v8;
	v10 =	vand.u32 $0x7FFFFF00, v10;
	v11 =	vld [tilespmem:s14+$0x10]  }
0x31: {  	v17 =	vld [tilespmem:s10+$0x10];
	v6 =	vand.u32 $0x57, v6;
	v14 =	vadd.s32 v5, v10;
	v45 =	vadd.s32 v3, v10  }
0x32: {  	v46 =	vadd.s32 v4, v10;
	[tilespmem:v9+s18+$0x0] =	vst.idx.msk $0xffff, v15;
	v9 =	vor.u32 v6, v45  }
0x33: {  	s30 =	sor.u32 $0x18, s1;
	v10 =	vadd.s32 v2, v10;
	v14 =	vor.u32 v6, v14;
	v15 =	vld [tilespmem:s8+$0x20];
	v9 =	vor.u32 v1, v9  }
0x34: {  	v47 =	vmov s30;
	v18 =	vor.u32 v6, v46;
	v6 =	vor.u32 v6, v10;
	[tilespmem:v12+s18+$0x0] =	vst.idx.msk $0xffff, v13  }
0x35: {  	v10 =	vor.u32 v1, v14;
	v12 =	vshll.u32 v47, $0x1;
	v13 =	vor.u32 v1, v18;
	v14 =	vld [tilespmem:s15+$0x20];
	[tilespmem:v8+s18+$0x0] =	vst.idx.msk $0xffff, v11  }
0x36: {  	[tilespmem:v7+s18+$0x0] =	vst.idx.msk $0xffff, v17;
	v8 =	vor.u32 s30, v0;
	v11 =	vand.u32 $0x7FFFFF00, v12;
	v6 =	vor.u32 v1, v6;
	v7 =	vld [tilespmem:s14+$0x20]  }
0x37: {  	v17 =	vld [tilespmem:s10+$0x20];
	v8 =	vand.u32 $0x5F, v8;
	v12 =	vadd.s32 v5, v11;
	v48 =	vadd.s32 v3, v11  }
0x38: {  	v49 =	vadd.s32 v4, v11;
	[tilespmem:v9+s18+$0x0] =	vst.idx.msk $0xffff, v15;
	v9 =	vor.u32 v8, v48  }
0x39: {  	s30 =	sor.u32 $0x20, s1;
	v11 =	vadd.s32 v2, v11;
	v12 =	vor.u32 v8, v12;
	v15 =	vld [tilespmem:s8+$0x30];
	v9 =	vor.u32 v1, v9  }
0x3a: {  	v50 =	vmov s30;
	v18 =	vor.u32 v8, v49;
	v8 =	vor.u32 v8, v11;
	[tilespmem:v13+s18+$0x0] =	vst.idx.msk $0xffff, v14  }
0x3b: {  	v11 =	vor.u32 v1, v12;
	v12 =	vshll.u32 v50, $0x1;
	v13 =	vor.u32 v1, v18;
	v14 =	vld [tilespmem:s15+$0x30];
	[tilespmem:v6+s18+$0x0] =	vst.idx.msk $0xffff, v7  }
0x3c: {  	[tilespmem:v10+s18+$0x0] =	vst.idx.msk $0xffff, v17;
	v6 =	vor.u32 s30, v0;
	v7 =	vand.u32 $0x7FFFFF00, v12;
	v8 =	vor.u32 v1, v8;
	v10 =	vld [tilespmem:s14+$0x30]  }
0x3d: {  	v17 =	vld [tilespmem:s10+$0x30];
	v6 =	vand.u32 $0x67, v6;
	v12 =	vadd.s32 v5, v7;
	v51 =	vadd.s32 v3, v7  }
0x3e: {  	v52 =	vadd.s32 v4, v7;
	[tilespmem:v9+s18+$0x0] =	vst.idx.msk $0xffff, v15;
	v9 =	vor.u32 v6, v51  }
0x3f: {  	s30 =	sor.u32 $0x28, s1;
	v7 =	vadd.s32 v2, v7;
	v12 =	vor.u32 v6, v12;
	v15 =	vld [tilespmem:s8+$0x40];
	v9 =	vor.u32 v1, v9  }
0x40: {  	v53 =	vmov s30;
	v18 =	vor.u32 v6, v52;
	v6 =	vor.u32 v6, v7;
	[tilespmem:v13+s18+$0x0] =	vst.idx.msk $0xffff, v14  }
0x41: {  	v7 =	vor.u32 v1, v12;
	v12 =	vshll.u32 v53, $0x1;
	v13 =	vor.u32 v1, v18;
	v14 =	vld [tilespmem:s15+$0x40];
	[tilespmem:v8+s18+$0x0] =	vst.idx.msk $0xffff, v10  }
0x42: {  	[tilespmem:v11+s18+$0x0] =	vst.idx.msk $0xffff, v17;
	v8 =	vor.u32 s30, v0;
	v10 =	vand.u32 $0x7FFFFF00, v12;
	v6 =	vor.u32 v1, v6;
	v11 =	vld [tilespmem:s14+$0x40]  }
0x43: {  	v17 =	vld [tilespmem:s10+$0x40];
	v8 =	vand.u32 $0x6F, v8;
	v12 =	vadd.s32 v5, v10;
	v54 =	vadd.s32 v3, v10  }
0x44: {  	v55 =	vadd.s32 v4, v10;
	[tilespmem:v9+s18+$0x0] =	vst.idx.msk $0xffff, v15;
	v9 =	vor.u32 v8, v54  }
0x45: {  	s30 =	sor.u32 $0x30, s1;
	v10 =	vadd.s32 v2, v10;
	v12 =	vor.u32 v8, v12;
	v15 =	vld [tilespmem:s8+$0x50];
	v9 =	vor.u32 v1, v9  }
0x46: {  	v56 =	vmov s30;
	v18 =	vor.u32 v8, v55;
	v8 =	vor.u32 v8, v10;
	[tilespmem:v13+s18+$0x0] =	vst.idx.msk $0xffff, v14  }
0x47: {  	v10 =	vor.u32 v1, v12;
	v12 =	vshll.u32 v56, $0x1;
	v13 =	vor.u32 v1, v18;
	v14 =	vld [tilespmem:s15+$0x50];
	[tilespmem:v6+s18+$0x0] =	vst.idx.msk $0xffff, v11  }
0x48: {  	[tilespmem:v7+s18+$0x0] =	vst.idx.msk $0xffff, v17;
	v6 =	vor.u32 s30, v0;
	v11 =	vand.u32 $0x7FFFFF00, v12;
	v8 =	vor.u32 v1, v8;
	v7 =	vld [tilespmem:s14+$0x50]  }
0x49: {  	v17 =	vld [tilespmem:s10+$0x50];
	v6 =	vand.u32 $0x77, v6;
	v12 =	vadd.s32 v5, v11;
	v57 =	vadd.s32 v3, v11  }
0x4a: {  	v58 =	vadd.s32 v4, v11;
	[tilespmem:v9+s18+$0x0] =	vst.idx.msk $0xffff, v15;
	v9 =	vor.u32 v6, v57  }
0x4b: {  	s30 =	sor.u32 $0x38, s1;
	v11 =	vadd.s32 v2, v11;
	v12 =	vor.u32 v6, v12;
	v15 =	vld [tilespmem:s8+$0x60];
	v9 =	vor.u32 v1, v9  }
0x4c: {  	v59 =	vmov s30;
	v18 =	vor.u32 v6, v58;
	v6 =	vor.u32 v6, v11;
	[tilespmem:v13+s18+$0x0] =	vst.idx.msk $0xffff, v14  }
0x4d: {  	v11 =	vor.u32 v1, v12;
	v12 =	vshll.u32 v59, $0x1;
	v13 =	vor.u32 v1, v18;
	v14 =	vld [tilespmem:s15+$0x60];
	[tilespmem:v8+s18+$0x0] =	vst.idx.msk $0xffff, v7  }
0x4e: {  	[tilespmem:v10+s18+$0x0] =	vst.idx.msk $0xffff, v17;
	v7 =	vor.u32 s30, v0;
	v8 =	vand.u32 $0x7FFFFF00, v12;
	v6 =	vor.u32 v1, v6;
	v10 =	vld [tilespmem:s14+$0x60]  }
0x4f: {  	v17 =	vld [tilespmem:s10+$0x60];
	v7 =	vand.u32 $0x7F, v7;
	v12 =	vadd.s32 v5, v8;
	v60 =	vadd.s32 v3, v8  }
0x50: {  	v61 =	vadd.s32 v4, v8;
	[tilespmem:v9+s18+$0x0] =	vst.idx.msk $0xffff, v15;
	v9 =	vor.u32 v7, v60  }
0x51: {  	s30 =	sadd.s32 $0x40, s1;
	v8 =	vadd.s32 v2, v8;
	v12 =	vor.u32 v7, v12;
	v15 =	vld [tilespmem:s8+$0x70];
	v9 =	vor.u32 v1, v9  }
0x52: {  	v62 =	vmov s30;
	v18 =	vor.u32 v7, v61;
	v7 =	vor.u32 v7, v8;
	[tilespmem:v13+s18+$0x0] =	vst.idx.msk $0xffff, v14  }
0x53: {  	v8 =	vor.u32 v1, v12;
	v12 =	vshll.u32 v62, $0x1;
	v13 =	vor.u32 v1, v18;
	v14 =	vld [tilespmem:s15+$0x70];
	[tilespmem:v6+s18+$0x0] =	vst.idx.msk $0xffff, v10  }
0x54: {  	[tilespmem:v11+s18+$0x0] =	vst.idx.msk $0xffff, v17;
	v6 =	vor.u32 s30, v0;
	v10 =	vand.u32 $0x7FFFFF00, v12;
	v7 =	vor.u32 v1, v7;
	v11 =	vld [tilespmem:s14+$0x70]  }
0x55: {  	s9 =	sadd.s32 $0x400, s25;
	v17 =	vld [tilespmem:s10+$0x70];
	v6 =	vand.u32 $0x47, v6;
	v12 =	vadd.s32 v5, v10;
	v63 =	vadd.s32 v3, v10  }
0x56: {  	s10 =	sor.u32 s0, s9;
	v21 =	vadd.s32 v4, v10;
	[tilespmem:v9+s18+$0x0] =	vst.idx.msk $0xffff, v15;
	v9 =	vor.u32 v6, v63  }
0x57: {  	s30 =	sadd.s32 $0x48, s1;
	v10 =	vadd.s32 v2, v10;
	v12 =	vor.u32 v6, v12;
	v15 =	vld [tilespmem:s10+$0x0];
	v9 =	vor.u32 v1, v9  }
0x58: {  	s12 =	sor.u32 s16, s9;
	v22 =	vmov s30;
	v18 =	vor.u32 v6, v21;
	v6 =	vor.u32 v6, v10;
	[tilespmem:v13+s18+$0x0] =	vst.idx.msk $0xffff, v14  }
0x59: {  	s24 =	sor.u32 s5, s9;
	v10 =	vor.u32 v1, v12;
	v12 =	vshll.u32 v22, $0x1;
	v13 =	vor.u32 v1, v18;
	v14 =	vld [tilespmem:s12+$0x0];
	[tilespmem:v7+s18+$0x0] =	vst.idx.msk $0xffff, v11  }
0x5a: {  	s14 =	sor.u32 s11, s9;
	[tilespmem:v8+s18+$0x0] =	vst.idx.msk $0xffff, v17;
	v7 =	vor.u32 s30, v0;
	v11 =	vand.u32 $0x7FFFFF00, v12;
	v6 =	vor.u32 v1, v6;
	v8 =	vld [tilespmem:s24+$0x0]  }
0x5b: {  	v17 =	vld [tilespmem:s14+$0x0];
	v7 =	vand.u32 $0x4F, v7;
	v12 =	vadd.s32 v5, v11;
	v23 =	vadd.s32 v3, v11  }
0x5c: {  	v24 =	vadd.s32 v4, v11;
	[tilespmem:v9+s18+$0x0] =	vst.idx.msk $0xffff, v15;
	v9 =	vor.u32 v7, v23  }
0x5d: {  	s30 =	sadd.s32 $0x50, s1;
	v11 =	vadd.s32 v2, v11;
	v12 =	vor.u32 v7, v12;
	v15 =	vld [tilespmem:s10+$0x10];
	v9 =	vor.u32 v1, v9  }
0x5e: {  	v25 =	vmov s30;
	v18 =	vor.u32 v7, v24;
	v7 =	vor.u32 v7, v11;
	[tilespmem:v13+s18+$0x0] =	vst.idx.msk $0xffff, v14  }
0x5f: {  	v11 =	vor.u32 v1, v12;
	v12 =	vshll.u32 v25, $0x1;
	v13 =	vor.u32 v1, v18;
	v14 =	vld [tilespmem:s12+$0x10];
	[tilespmem:v6+s18+$0x0] =	vst.idx.msk $0xffff, v8  }
0x60: {  	[tilespmem:v10+s18+$0x0] =	vst.idx.msk $0xffff, v17;
	v6 =	vor.u32 s30, v0;
	v8 =	vand.u32 $0x7FFFFF00, v12;
	v7 =	vor.u32 v1, v7;
	v10 =	vld [tilespmem:s24+$0x10]  }
0x61: {  	v17 =	vld [tilespmem:s14+$0x10];
	v6 =	vand.u32 $0x57, v6;
	v12 =	vadd.s32 v5, v8;
	v26 =	vadd.s32 v3, v8  }
0x62: {  	v27 =	vadd.s32 v4, v8;
	[tilespmem:v9+s18+$0x0] =	vst.idx.msk $0xffff, v15;
	v9 =	vor.u32 v6, v26  }
0x63: {  	s30 =	sadd.s32 $0x58, s1;
	v8 =	vadd.s32 v2, v8;
	v12 =	vor.u32 v6, v12;
	v15 =	vld [tilespmem:s10+$0x20];
	v9 =	vor.u32 v1, v9  }
0x64: {  	v28 =	vmov s30;
	v18 =	vor.u32 v6, v27;
	v6 =	vor.u32 v6, v8;
	[tilespmem:v13+s18+$0x0] =	vst.idx.msk $0xffff, v14  }
0x65: {  	v8 =	vor.u32 v1, v12;
	v12 =	vshll.u32 v28, $0x1;
	v13 =	vor.u32 v1, v18;
	v14 =	vld [tilespmem:s12+$0x20];
	[tilespmem:v7+s18+$0x0] =	vst.idx.msk $0xffff, v10  }
0x66: {  	[tilespmem:v11+s18+$0x0] =	vst.idx.msk $0xffff, v17;
	v7 =	vor.u32 s30, v0;
	v10 =	vand.u32 $0x7FFFFF00, v12;
	v6 =	vor.u32 v1, v6;
	v11 =	vld [tilespmem:s24+$0x20]  }
0x67: {  	v17 =	vld [tilespmem:s14+$0x20];
	v7 =	vand.u32 $0x5F, v7;
	v12 =	vadd.s32 v5, v10;
	v29 =	vadd.s32 v3, v10  }
0x68: {  	v30 =	vadd.s32 v4, v10;
	[tilespmem:v9+s18+$0x0] =	vst.idx.msk $0xffff, v15;
	v9 =	vor.u32 v7, v29  }
0x69: {  	s30 =	sadd.s32 $0x60, s1;
	v10 =	vadd.s32 v2, v10;
	v12 =	vor.u32 v7, v12;
	v15 =	vld [tilespmem:s10+$0x30];
	v9 =	vor.u32 v1, v9  }
0x6a: {  	v31 =	vmov s30;
	v18 =	vor.u32 v7, v30;
	v7 =	vor.u32 v7, v10;
	[tilespmem:v13+s18+$0x0] =	vst.idx.msk $0xffff, v14  }
0x6b: {  	v10 =	vor.u32 v1, v12;
	v12 =	vshll.u32 v31, $0x1;
	v13 =	vor.u32 v1, v18;
	v14 =	vld [tilespmem:s12+$0x30];
	[tilespmem:v6+s18+$0x0] =	vst.idx.msk $0xffff, v11  }
0x6c: {  	[tilespmem:v8+s18+$0x0] =	vst.idx.msk $0xffff, v17;
	v6 =	vor.u32 s30, v0;
	v11 =	vand.u32 $0x7FFFFF00, v12;
	v7 =	vor.u32 v1, v7;
	v8 =	vld [tilespmem:s24+$0x30]  }
0x6d: {  	v17 =	vld [tilespmem:s14+$0x30];
	v6 =	vand.u32 $0x67, v6;
	v12 =	vadd.s32 v5, v11;
	v32 =	vadd.s32 v3, v11  }
0x6e: {  	v33 =	vadd.s32 v4, v11;
	[tilespmem:v9+s18+$0x0] =	vst.idx.msk $0xffff, v15;
	v9 =	vor.u32 v6, v32  }
0x6f: {  	s30 =	sadd.s32 $0x68, s1;
	v11 =	vadd.s32 v2, v11;
	v12 =	vor.u32 v6, v12;
	v15 =	vld [tilespmem:s10+$0x40];
	v9 =	vor.u32 v1, v9  }
0x70: {  	v34 =	vmov s30;
	v18 =	vor.u32 v6, v33;
	v6 =	vor.u32 v6, v11;
	[tilespmem:v13+s18+$0x0] =	vst.idx.msk $0xffff, v14  }
0x71: {  	v11 =	vor.u32 v1, v12;
	v12 =	vshll.u32 v34, $0x1;
	v13 =	vor.u32 v1, v18;
	v14 =	vld [tilespmem:s12+$0x40];
	[tilespmem:v7+s18+$0x0] =	vst.idx.msk $0xffff, v8  }
0x72: {  	[tilespmem:v10+s18+$0x0] =	vst.idx.msk $0xffff, v17;
	v7 =	vor.u32 s30, v0;
	v8 =	vand.u32 $0x7FFFFF00, v12;
	v6 =	vor.u32 v1, v6;
	v10 =	vld [tilespmem:s24+$0x40]  }
0x73: {  	v17 =	vld [tilespmem:s14+$0x40];
	v7 =	vand.u32 $0x6F, v7;
	v12 =	vadd.s32 v5, v8;
	v35 =	vadd.s32 v3, v8  }
0x74: {  	v36 =	vadd.s32 v4, v8;
	[tilespmem:v9+s18+$0x0] =	vst.idx.msk $0xffff, v15;
	v9 =	vor.u32 v7, v35  }
0x75: {  	s30 =	sadd.s32 $0x70, s1;
	v8 =	vadd.s32 v2, v8;
	v12 =	vor.u32 v7, v12;
	v15 =	vld [tilespmem:s10+$0x50];
	v9 =	vor.u32 v1, v9  }
0x76: {  	v37 =	vmov s30;
	v18 =	vor.u32 v7, v36;
	v7 =	vor.u32 v7, v8;
	[tilespmem:v13+s18+$0x0] =	vst.idx.msk $0xffff, v14  }
0x77: {  	v8 =	vor.u32 v1, v12;
	v12 =	vshll.u32 v37, $0x1;
	v13 =	vor.u32 v1, v18;
	v14 =	vld [tilespmem:s12+$0x50];
	[tilespmem:v6+s18+$0x0] =	vst.idx.msk $0xffff, v10  }
0x78: {  	[tilespmem:v11+s18+$0x0] =	vst.idx.msk $0xffff, v17;
	v6 =	vor.u32 s30, v0;
	v10 =	vand.u32 $0x7FFFFF00, v12;
	v7 =	vor.u32 v1, v7;
	v11 =	vld [tilespmem:s24+$0x50]  }
0x79: {  	v17 =	vld [tilespmem:s14+$0x50];
	v6 =	vand.u32 $0x77, v6;
	v12 =	vadd.s32 v5, v10;
	v38 =	vadd.s32 v3, v10  }
0x7a: {  	v39 =	vadd.s32 v4, v10;
	[tilespmem:v9+s18+$0x0] =	vst.idx.msk $0xffff, v15;
	v9 =	vor.u32 v6, v38  }
0x7b: {  	s30 =	sadd.s32 $0x78, s1;
	v10 =	vadd.s32 v2, v10;
	v12 =	vor.u32 v6, v12;
	v15 =	vld [tilespmem:s10+$0x60];
	v9 =	vor.u32 v1, v9  }
0x7c: {  	v40 =	vmov s30;
	v18 =	vor.u32 v6, v39;
	v6 =	vor.u32 v6, v10;
	[tilespmem:v13+s18+$0x0] =	vst.idx.msk $0xffff, v14  }
0x7d: {  	v10 =	vor.u32 v1, v12;
	v12 =	vshll.u32 v40, $0x1;
	v13 =	vor.u32 v1, v18;
	v14 =	vld [tilespmem:s12+$0x60];
	[tilespmem:v7+s18+$0x0] =	vst.idx.msk $0xffff, v11  }
0x7e: {  	[tilespmem:v8+s18+$0x0] =	vst.idx.msk $0xffff, v17;
	v7 =	vor.u32 s30, v0;
	v11 =	vand.u32 $0x7FFFFF00, v12;
	v6 =	vor.u32 v1, v6;
	v8 =	vld [tilespmem:s24+$0x60]  }
0x7f: {  	v17 =	vld [tilespmem:s14+$0x60];
	v7 =	vand.u32 $0x7F, v7;
	v12 =	vadd.s32 v5, v11;
	v41 =	vadd.s32 v3, v11  }
0x80: {  	v42 =	vadd.s32 v4, v11;
	[tilespmem:v9+s18+$0x0] =	vst.idx.msk $0xffff, v15;
	v9 =	vor.u32 v7, v41  }
0x81: {  	s30 =	sadd.s32 $0x80, s1;
	v11 =	vadd.s32 v2, v11;
	v12 =	vor.u32 v7, v12;
	v15 =	vld [tilespmem:s10+$0x70];
	v9 =	vor.u32 v1, v9  }
0x82: {  	v43 =	vmov s30;
	v18 =	vor.u32 v7, v42;
	v7 =	vor.u32 v7, v11;
	[tilespmem:v13+s18+$0x0] =	vst.idx.msk $0xffff, v14  }
0x83: {  	v11 =	vor.u32 v1, v12;
	v12 =	vshll.u32 v43, $0x1;
	v13 =	vor.u32 v1, v18;
	v14 =	vld [tilespmem:s12+$0x70];
	[tilespmem:v6+s18+$0x0] =	vst.idx.msk $0xffff, v8  }
0x84: {  	[tilespmem:v10+s18+$0x0] =	vst.idx.msk $0xffff, v17;
	v6 =	vor.u32 s30, v0;
	v8 =	vand.u32 $0x7FFFFF00, v12;
	v7 =	vor.u32 v1, v7;
	v10 =	vld [tilespmem:s24+$0x70]  }
0x85: {  	s25 =	sadd.s32 $0x800, s25;
	v17 =	vld [tilespmem:s14+$0x70];
	v6 =	vand.u32 $0x47, v6;
	v12 =	vadd.s32 v5, v8;
	v44 =	vadd.s32 v3, v8  }
0x86: {  	s14 =	sor.u32 s0, s25;
	v45 =	vadd.s32 v4, v8;
	[tilespmem:v9+s18+$0x0] =	vst.idx.msk $0xffff, v15;
	v9 =	vor.u32 v6, v44  }
0x87: {  	s8 =	sadd.s32 $0x88, s1;
	v8 =	vadd.s32 v2, v8;
	v12 =	vor.u32 v6, v12;
	v15 =	vld [tilespmem:s14+$0x0];
	v9 =	vor.u32 v1, v9  }
0x88: {  	v46 =	vmov s8;
	s0 =	sor.u32 s16, s25;
	v18 =	vor.u32 v6, v45;
	v6 =	vor.u32 v6, v8;
	[tilespmem:v13+s18+$0x0] =	vst.idx.msk $0xffff, v14  }
0x89: {  	s5 =	sor.u32 s5, s25;
	v8 =	vor.u32 v1, v12;
	v12 =	vshll.u32 v46, $0x1;
	v13 =	vor.u32 v1, v18;
	v14 =	vld [tilespmem:s0+$0x0];
	[tilespmem:v7+s18+$0x0] =	vst.idx.msk $0xffff, v10  }
0x8a: {  	s25 =	sor.u32 s11, s25;
	[tilespmem:v11+s18+$0x0] =	vst.idx.msk $0xffff, v17;
	v7 =	vor.u32 s8, v0;
	v10 =	vand.u32 $0x7FFFFF00, v12;
	v6 =	vor.u32 v1, v6;
	v11 =	vld [tilespmem:s5+$0x0]  }
0x8b: {  	v17 =	vld [tilespmem:s25+$0x0];
	v7 =	vand.u32 $0x4F, v7;
	v12 =	vadd.s32 v5, v10;
	v47 =	vadd.s32 v3, v10  }
0x8c: {  	v48 =	vadd.s32 v4, v10;
	[tilespmem:v9+s18+$0x0] =	vst.idx.msk $0xffff, v15;
	v9 =	vor.u32 v7, v47  }
0x8d: {  	s10 =	sadd.s32 $0x90, s1;
	v10 =	vadd.s32 v2, v10;
	v12 =	vor.u32 v7, v12;
	v15 =	vld [tilespmem:s14+$0x10];
	v9 =	vor.u32 v1, v9  }
0x8e: {  	v49 =	vmov s10;
	v18 =	vor.u32 v7, v48;
	v7 =	vor.u32 v7, v10;
	[tilespmem:v13+s18+$0x0] =	vst.idx.msk $0xffff, v14  }
0x8f: {  	v10 =	vor.u32 v1, v12;
	v12 =	vshll.u32 v49, $0x1;
	v13 =	vor.u32 v1, v18;
	v14 =	vld [tilespmem:s0+$0x10];
	[tilespmem:v6+s18+$0x0] =	vst.idx.msk $0xffff, v11  }
0x90: {  	[tilespmem:v8+s18+$0x0] =	vst.idx.msk $0xffff, v17;
	v6 =	vor.u32 s10, v0;
	v11 =	vand.u32 $0x7FFFFF00, v12;
	v7 =	vor.u32 v1, v7;
	v8 =	vld [tilespmem:s5+$0x10]  }
0x91: {  	v17 =	vld [tilespmem:s25+$0x10];
	v6 =	vand.u32 $0x57, v6;
	v12 =	vadd.s32 v5, v11;
	v50 =	vadd.s32 v3, v11  }
0x92: {  	v51 =	vadd.s32 v4, v11;
	[tilespmem:v9+s18+$0x0] =	vst.idx.msk $0xffff, v15;
	v9 =	vor.u32 v6, v50  }
0x93: {  	s11 =	sadd.s32 $0x98, s1;
	v11 =	vadd.s32 v2, v11;
	v12 =	vor.u32 v6, v12;
	v15 =	vld [tilespmem:s14+$0x20];
	v9 =	vor.u32 v1, v9  }
0x94: {  	v52 =	vmov s11;
	v18 =	vor.u32 v6, v51;
	v6 =	vor.u32 v6, v11;
	[tilespmem:v13+s18+$0x0] =	vst.idx.msk $0xffff, v14  }
0x95: {  	v11 =	vor.u32 v1, v12;
	v12 =	vshll.u32 v52, $0x1;
	v13 =	vor.u32 v1, v18;
	v14 =	vld [tilespmem:s0+$0x20];
	[tilespmem:v7+s18+$0x0] =	vst.idx.msk $0xffff, v8  }
0x96: {  	[tilespmem:v10+s18+$0x0] =	vst.idx.msk $0xffff, v17;
	v7 =	vor.u32 s11, v0;
	v8 =	vand.u32 $0x7FFFFF00, v12;
	v6 =	vor.u32 v1, v6;
	v10 =	vld [tilespmem:s5+$0x20]  }
0x97: {  	v17 =	vld [tilespmem:s25+$0x20];
	v7 =	vand.u32 $0x5F, v7;
	v12 =	vadd.s32 v5, v8;
	v53 =	vadd.s32 v3, v8  }
0x98: {  	v54 =	vadd.s32 v4, v8;
	[tilespmem:v9+s18+$0x0] =	vst.idx.msk $0xffff, v15;
	v9 =	vor.u32 v7, v53  }
0x99: {  	s12 =	sadd.s32 $0xA0, s1;
	v8 =	vadd.s32 v2, v8;
	v12 =	vor.u32 v7, v12;
	v15 =	vld [tilespmem:s14+$0x30];
	v9 =	vor.u32 v1, v9  }
0x9a: {  	v55 =	vmov s12;
	v18 =	vor.u32 v7, v54;
	v7 =	vor.u32 v7, v8;
	[tilespmem:v13+s18+$0x0] =	vst.idx.msk $0xffff, v14  }
0x9b: {  	v8 =	vor.u32 v1, v12;
	v12 =	vshll.u32 v55, $0x1;
	v13 =	vor.u32 v1, v18;
	v14 =	vld [tilespmem:s0+$0x30];
	[tilespmem:v6+s18+$0x0] =	vst.idx.msk $0xffff, v10  }
0x9c: {  	[tilespmem:v11+s18+$0x0] =	vst.idx.msk $0xffff, v17;
	v6 =	vor.u32 s12, v0;
	v10 =	vand.u32 $0x7FFFFF00, v12;
	v7 =	vor.u32 v1, v7;
	v11 =	vld [tilespmem:s5+$0x30]  }
0x9d: {  	v17 =	vld [tilespmem:s25+$0x30];
	v6 =	vand.u32 $0x67, v6;
	v12 =	vadd.s32 v5, v10;
	v56 =	vadd.s32 v3, v10  }
0x9e: {  	v57 =	vadd.s32 v4, v10;
	[tilespmem:v9+s18+$0x0] =	vst.idx.msk $0xffff, v15;
	v9 =	vor.u32 v6, v56  }
0x9f: {  	s15 =	sadd.s32 $0xA8, s1;
	v10 =	vadd.s32 v2, v10;
	v12 =	vor.u32 v6, v12;
	v15 =	vld [tilespmem:s14+$0x40];
	v9 =	vor.u32 v1, v9  }
0xa0: {  	v58 =	vmov s15;
	v18 =	vor.u32 v6, v57;
	v6 =	vor.u32 v6, v10;
	[tilespmem:v13+s18+$0x0] =	vst.idx.msk $0xffff, v14  }
0xa1: {  	v10 =	vor.u32 v1, v12;
	v12 =	vshll.u32 v58, $0x1;
	v13 =	vor.u32 v1, v18;
	v14 =	vld [tilespmem:s0+$0x40];
	[tilespmem:v7+s18+$0x0] =	vst.idx.msk $0xffff, v11  }
0xa2: {  	[tilespmem:v8+s18+$0x0] =	vst.idx.msk $0xffff, v17;
	v7 =	vor.u32 s15, v0;
	v11 =	vand.u32 $0x7FFFFF00, v12;
	v6 =	vor.u32 v1, v6;
	v8 =	vld [tilespmem:s5+$0x40]  }
0xa3: {  	v17 =	vld [tilespmem:s25+$0x40];
	v7 =	vand.u32 $0x6F, v7;
	v12 =	vadd.s32 v5, v11;
	v59 =	vadd.s32 v3, v11  }
0xa4: {  	v60 =	vadd.s32 v4, v11;
	[tilespmem:v9+s18+$0x0] =	vst.idx.msk $0xffff, v15;
	v9 =	vor.u32 v7, v59  }
0xa5: {  	s16 =	sadd.s32 $0xB0, s1;
	v11 =	vadd.s32 v2, v11;
	v12 =	vor.u32 v7, v12;
	v15 =	vld [tilespmem:s14+$0x50];
	v9 =	vor.u32 v1, v9  }
0xa6: {  	v61 =	vmov s16;
	v18 =	vor.u32 v7, v60;
	v12 =	vor.u32 v1, v12;
	[tilespmem:v13+s18+$0x0] =	vst.idx.msk $0xffff, v14  }
0xa7: {  	v7 =	vor.u32 v7, v11;
	v11 =	vshll.u32 v61, $0x1;
	v13 =	vor.u32 v1, v18;
	v14 =	vld [tilespmem:s0+$0x50];
	[tilespmem:v6+s18+$0x0] =	vst.idx.msk $0xffff, v8  }
0xa8: {  	[tilespmem:v10+s18+$0x0] =	vst.idx.msk $0xffff, v17;
	v6 =	vor.u32 s16, v0;
	v8 =	vand.u32 $0x7FFFFF00, v11;
	v7 =	vor.u32 v1, v7;
	v62 =	vld [tilespmem:s5+$0x50]  }
0xa9: {  	v17 =	vld [tilespmem:s25+$0x50];
	v6 =	vand.u32 $0x77, v6;
	v10 =	vadd.s32 v5, v8;
	v11 =	vadd.s32 v3, v8  }
0xaa: {  	v63 =	vadd.s32 v4, v8;
	[tilespmem:v9+s18+$0x0] =	vst.idx.msk $0xffff, v15;
	v9 =	vor.u32 v6, v11  }
0xab: {  	s1 =	sadd.s32 $0xB8, s1;
	v8 =	vadd.s32 v2, v8;
	v10 =	vor.u32 v6, v10;
	v15 =	vld [tilespmem:s14+$0x60];
	v19 =	vor.u32 v1, v9  }
0xac: {  	v8 =	vor.u32 v6, v8;
	v11 =	vor.u32 v6, v63;
	[tilespmem:v13+s18+$0x0] =	vst.idx.msk $0xffff, v14;
	v9 =	vmov s1  }
0xad: {  	v6 =	vor.u32 v1, v10;
	v10 =	vor.u32 v1, v11;
	v11 =	vld [tilespmem:s0+$0x60];
	[tilespmem:v7+s18+$0x0] =	vst.idx.msk $0xffff, v62;
	v9 =	vshll.u32 v9, $0x1  }
0xae: {  	s24 =	sshll.u32 s28, $0x6;
	v14 =	vor.u32 s1, v0;
	[tilespmem:v12+s18+$0x0] =	vst.idx.msk $0xffff, v17;
	v7 =	vor.u32 v1, v8;
	v8 =	vld [tilespmem:s5+$0x60];
	v13 =	vand.u32 $0x7FFFFF00, v9  }
0xaf: {  	s31 =	sor.u32 s4, s24;
	v12 =	vand.u32 $0x7F, v14;
	v9 =	vld [tilespmem:s25+$0x60];
	v14 =	vadd.s32 v5, v13;
	v5 =	vadd.s32 v3, v13  }
0xb0: {  	s30 =	sshrl.u32 s31, $0x2;
	v3 =	vadd.s32 v4, v13;
	v4 =	vor.u32 v12, v5;
	[tilespmem:v19+s18+$0x0] =	vst.idx.msk $0xffff, v15  }
.LBB2_3:
0xb1: {  	s29 =	sadd.s32 $0x4, s29;
	v5 =	vor.u32 v12, v14;
	v2 =	vadd.s32 v2, v13;
	v13 =	vld [tilespmem:s14+$0x70];
	v4 =	vor.u32 v1, v4  }
0xb2: {  	v3 =	vor.u32 v12, v3;
	s9 =	sand.u32 $0x4, s29;
	p1 =	slt.u32 s29, $0xC;
	[tilespmem:v10+s18+$0x0] =	vst.idx.msk $0xffff, v11;
	v10 =	vor.u32 v12, v2  }
0xb3: {  	s10 =	sshrl.u32 s29, $0x3;
	v11 =	vor.u32 v1, v5;
	v14 =	vor.u32 v1, v3;
	v2 =	vmov s9;
	s11 =	sor.u32 $0x1, s9;
	s14 =	sor.u32 $0x3, s9;
	v12 =	vld [tilespmem:s0+$0x70];
	[tilespmem:v7+s18+$0x0] =	vst.idx.msk $0xffff, v8  }
0xb4: {  	s1 =	smul.u32 $0xC0, s10;
	v2 =	vmul.u32 $0x300, v2;
	v3 =	vmov s11;
	s0 =	sshll.u32 s11, $0x7;
	s11 =	sor.u32 $0x2, s9;
	v5 =	vmov s14;
	[tilespmem:v6+s18+$0x0] =	vst.idx.msk $0xffff, v9;
	v6 =	vld [tilespmem:s5+$0x70]  }
0xb5: {  	s5 =	sshll.u32 s9, $0x7;
	v7 =	vmul.u32 $0x300, v3;
	v8 =	vmov s11;
	s16 =	sshll.u32 s11, $0x7;
	v5 =	vmul.u32 $0x300, v5;
	v9 =	vld [tilespmem:s25+$0x70]  }
0xb6: {  	s9 =	smul.u32 $0x3000, s10;
	v15 =	vmov s1;
	v3 =	vbroadcast v2, $0x0;
	v2 =	vmul.u32 $0x300, v8;
	[tilespmem:v4+s18+$0x0] =	vst.idx.msk $0xffff, v13  }
0xb7: {  	v8 =	vor.u32 s1, v0;
	v13 =	vshll.u32 v15, $0x1;
	v4 =	vbroadcast v5, $0x0  }
0xb8: {  	s11 =	sshll.u32 s14, $0x7;
	s25 =	sshra.s32 s9, $0x2;
	v8 =	vand.u32 $0x47, v8;
	v13 =	vand.u32 $0x100, v13;
	v5 =	vbroadcast v7, $0x0;
	[tilespmem:v14+s18+$0x0] =	vst.idx.msk $0xffff, v12  }
0xb9: {  	s14 =	sor.u32 s5, s25;
	s9 =	sor.u32 s0, s25;
	s10 =	sor.u32 s11, s25;
	v7 =	vor.u32 v1, v8;
	v2 =	vbroadcast v2, $0x0;
	v8 =	vadd.s32 v4, v13  }
0xba: {  	s12 =	sor.u32 $0x8, s1;
	s15 =	sor.u32 s16, s25;
	v12 =	vor.u32 v3, v7;
	v14 =	vadd.s32 v5, v13;
	v15 =	vld [tilespmem:s10+$0x0];
	v8 =	vor.u32 v8, v7  }
0xbb: {  	v17 =	vmov s12;
	v14 =	vor.u32 v14, v7;
	v7 =	vor.u32 v2, v7;
	v16 =	vld [tilespmem:s14+$0x0];
	[tilespmem:v11+s18+$0x0] =	vst.idx.msk $0xffff, v9  }
0xbc: {  	v9 =	vor.u32 v13, v12;
	v11 =	vshll.u32 v17, $0x1;
	v7 =	vor.u32 v13, v7;
	v12 =	vld [tilespmem:s9+$0x0]  }
0xbd: {  	v10 =	vor.u32 v1, v10;
	v13 =	vor.u32 s12, v0;
	v11 =	vand.u32 $0x7FFFFF00, v11;
	v17 =	vld [tilespmem:s15+$0x0]  }
0xbe: {  	v13 =	vand.u32 $0x4F, v13;
	v18 =	vadd.s32 v3, v11;
	v19 =	vadd.s32 v4, v11  }
0xbf: {  	v20 =	vadd.s32 v5, v11;
	[tilespmem:v8+s18+$0x0] =	vst.idx.msk $0xffff, v15;
	v8 =	vor.u32 v13, v19  }
0xc0: {  	s12 =	sor.u32 $0x10, s1;
	v11 =	vadd.s32 v2, v11;
	v15 =	vor.u32 v13, v18;
	v18 =	vld [tilespmem:s10+$0x10];
	v8 =	vor.u32 v1, v8  }
0xc1: {  	v11 =	vor.u32 v13, v11;
	v19 =	vmov s12;
	[tilespmem:v14+s18+$0x0] =	vst.idx.msk $0xffff, v12;
	v12 =	vor.u32 v13, v20  }
0xc2: {  	v13 =	vor.u32 v1, v15;
	v14 =	vshll.u32 v19, $0x1;
	v15 =	vld [tilespmem:s9+$0x10];
	v12 =	vor.u32 v1, v12;
	[tilespmem:v7+s18+$0x0] =	vst.idx.msk $0xffff, v17  }
0xc3: {  	v11 =	vor.u32 v1, v11;
	v7 =	vor.u32 s12, v0;
	[tilespmem:v9+s18+$0x0] =	vst.idx.msk $0xffff, v16;
	v9 =	vand.u32 $0x7FFFFF00, v14;
	v14 =	vld [tilespmem:s15+$0x10]  }
0xc4: {  	v7 =	vand.u32 $0x57, v7;
	v16 =	vld [tilespmem:s14+$0x10];
	v17 =	vadd.s32 v3, v9;
	v19 =	vadd.s32 v4, v9;
	[tilespmem:v10+s18+$0x0] =	vst.idx.msk $0xffff, v6  }
0xc5: {  	v6 =	vadd.s32 v5, v9;
	[tilespmem:v8+s18+$0x0] =	vst.idx.msk $0xffff, v18;
	v8 =	vor.u32 v7, v19  }
0xc6: {  	s12 =	sor.u32 $0x18, s1;
	v9 =	vadd.s32 v2, v9;
	v10 =	vor.u32 v7, v17;
	v17 =	vld [tilespmem:s10+$0x20];
	v8 =	vor.u32 v1, v8  }
0xc7: {  	v18 =	vmov s12;
	v6 =	vor.u32 v7, v6;
	v7 =	vor.u32 v7, v9;
	[tilespmem:v12+s18+$0x0] =	vst.idx.msk $0xffff, v15  }
0xc8: {  	v9 =	vor.u32 v1, v10;
	v10 =	vshll.u32 v18, $0x1;
	v6 =	vor.u32 v1, v6;
	v12 =	vld [tilespmem:s9+$0x20];
	[tilespmem:v11+s18+$0x0] =	vst.idx.msk $0xffff, v14  }
0xc9: {  	v7 =	vor.u32 v1, v7;
	v10 =	vand.u32 $0x7FFFFF00, v10;
	v11 =	vor.u32 s12, v0;
	[tilespmem:v13+s18+$0x0] =	vst.idx.msk $0xffff, v16;
	v13 =	vld [tilespmem:s15+$0x20]  }
0xca: {  	v15 =	vadd.s32 v3, v10;
	v11 =	vand.u32 $0x5F, v11;
	v16 =	vadd.s32 v4, v10;
	v14 =	vld [tilespmem:s14+$0x20]  }
0xcb: {  	v18 =	vadd.s32 v5, v10;
	[tilespmem:v8+s18+$0x0] =	vst.idx.msk $0xffff, v17;
	v8 =	vor.u32 v11, v16  }
0xcc: {  	s12 =	sor.u32 $0x20, s1;
	v10 =	vadd.s32 v2, v10;
	v15 =	vor.u32 v11, v15;
	v16 =	vld [tilespmem:s10+$0x30];
	v8 =	vor.u32 v1, v8  }
0xcd: {  	v10 =	vor.u32 v11, v10;
	v17 =	vmov s12;
	[tilespmem:v6+s18+$0x0] =	vst.idx.msk $0xffff, v12;
	v6 =	vor.u32 v11, v18  }
0xce: {  	v11 =	vor.u32 v1, v15;
	v12 =	vshll.u32 v17, $0x1;
	v15 =	vld [tilespmem:s9+$0x30];
	v6 =	vor.u32 v1, v6;
	[tilespmem:v7+s18+$0x0] =	vst.idx.msk $0xffff, v13  }
0xcf: {  	v10 =	vor.u32 v1, v10;
	v7 =	vor.u32 s12, v0;
	[tilespmem:v9+s18+$0x0] =	vst.idx.msk $0xffff, v14;
	v9 =	vand.u32 $0x7FFFFF00, v12;
	v12 =	vld [tilespmem:s15+$0x30]  }
0xd0: {  	v7 =	vand.u32 $0x67, v7;
	v13 =	vld [tilespmem:s14+$0x30];
	v14 =	vadd.s32 v3, v9;
	v17 =	vadd.s32 v4, v9  }
0xd1: {  	v18 =	vadd.s32 v5, v9;
	[tilespmem:v8+s18+$0x0] =	vst.idx.msk $0xffff, v16;
	v8 =	vor.u32 v7, v17  }
0xd2: {  	s12 =	sor.u32 $0x28, s1;
	v9 =	vadd.s32 v2, v9;
	v14 =	vor.u32 v7, v14;
	v16 =	vld [tilespmem:s10+$0x40];
	v8 =	vor.u32 v1, v8  }
0xd3: {  	v17 =	vmov s12;
	[tilespmem:v6+s18+$0x0] =	vst.idx.msk $0xffff, v15;
	v6 =	vor.u32 v7, v18;
	v7 =	vor.u32 v7, v9  }
0xd4: {  	v9 =	vor.u32 v1, v14;
	v14 =	vshll.u32 v17, $0x1;
	v15 =	vld [tilespmem:s9+$0x40];
	v6 =	vor.u32 v1, v6;
	[tilespmem:v10+s18+$0x0] =	vst.idx.msk $0xffff, v12  }
0xd5: {  	v10 =	vor.u32 s12, v0;
	v7 =	vor.u32 v1, v7;
	[tilespmem:v11+s18+$0x0] =	vst.idx.msk $0xffff, v13;
	v11 =	vand.u32 $0x7FFFFF00, v14;
	v12 =	vld [tilespmem:s15+$0x40]  }
0xd6: {  	v10 =	vand.u32 $0x6F, v10;
	v13 =	vld [tilespmem:s14+$0x40];
	v14 =	vadd.s32 v3, v11;
	v17 =	vadd.s32 v4, v11  }
0xd7: {  	v18 =	vadd.s32 v5, v11;
	[tilespmem:v8+s18+$0x0] =	vst.idx.msk $0xffff, v16;
	v8 =	vor.u32 v10, v17  }
0xd8: {  	s12 =	sor.u32 $0x30, s1;
	v11 =	vadd.s32 v2, v11;
	v14 =	vor.u32 v10, v14;
	v16 =	vld [tilespmem:s10+$0x50];
	v8 =	vor.u32 v1, v8  }
0xd9: {  	v17 =	vmov s12;
	[tilespmem:v6+s18+$0x0] =	vst.idx.msk $0xffff, v15;
	v6 =	vor.u32 v10, v18;
	v10 =	vor.u32 v10, v11  }
0xda: {  	v11 =	vor.u32 v1, v14;
	v14 =	vshll.u32 v17, $0x1;
	v15 =	vld [tilespmem:s9+$0x50];
	v6 =	vor.u32 v1, v6;
	[tilespmem:v7+s18+$0x0] =	vst.idx.msk $0xffff, v12  }
0xdb: {  	v7 =	vor.u32 s12, v0;
	v10 =	vor.u32 v1, v10;
	[tilespmem:v9+s18+$0x0] =	vst.idx.msk $0xffff, v13;
	v9 =	vand.u32 $0x7FFFFF00, v14;
	v12 =	vld [tilespmem:s15+$0x50]  }
0xdc: {  	v7 =	vand.u32 $0x77, v7;
	v13 =	vld [tilespmem:s14+$0x50];
	v14 =	vadd.s32 v3, v9;
	v17 =	vadd.s32 v4, v9  }
0xdd: {  	v18 =	vadd.s32 v5, v9;
	[tilespmem:v8+s18+$0x0] =	vst.idx.msk $0xffff, v16;
	v8 =	vor.u32 v7, v17  }
0xde: {  	s12 =	sor.u32 $0x38, s1;
	v9 =	vadd.s32 v2, v9;
	v14 =	vor.u32 v7, v14;
	v16 =	vld [tilespmem:s10+$0x60];
	v8 =	vor.u32 v1, v8  }
0xdf: {  	v17 =	vmov s12;
	[tilespmem:v6+s18+$0x0] =	vst.idx.msk $0xffff, v15;
	v6 =	vor.u32 v7, v18;
	v7 =	vor.u32 v7, v9  }
0xe0: {  	v9 =	vor.u32 v1, v14;
	v14 =	vshll.u32 v17, $0x1;
	v15 =	vld [tilespmem:s9+$0x60];
	v6 =	vor.u32 v1, v6;
	[tilespmem:v10+s18+$0x0] =	vst.idx.msk $0xffff, v12  }
0xe1: {  	v10 =	vor.u32 s12, v0;
	v7 =	vor.u32 v1, v7;
	[tilespmem:v11+s18+$0x0] =	vst.idx.msk $0xffff, v13;
	v11 =	vand.u32 $0x7FFFFF00, v14;
	v12 =	vld [tilespmem:s15+$0x60]  }
0xe2: {  	v10 =	vand.u32 $0x7F, v10;
	v13 =	vld [tilespmem:s14+$0x60];
	v14 =	vadd.s32 v3, v11;
	v17 =	vadd.s32 v4, v11  }
0xe3: {  	v18 =	vadd.s32 v5, v11;
	[tilespmem:v8+s18+$0x0] =	vst.idx.msk $0xffff, v16;
	v8 =	vor.u32 v10, v17  }
0xe4: {  	s12 =	sadd.s32 $0x40, s1;
	v11 =	vadd.s32 v2, v11;
	v14 =	vor.u32 v10, v14;
	v16 =	vld [tilespmem:s10+$0x70];
	v8 =	vor.u32 v1, v8  }
0xe5: {  	v17 =	vmov s12;
	[tilespmem:v6+s18+$0x0] =	vst.idx.msk $0xffff, v15;
	v6 =	vor.u32 v10, v18;
	v10 =	vor.u32 v10, v11  }
0xe6: {  	v11 =	vor.u32 v1, v14;
	v14 =	vshll.u32 v17, $0x1;
	v15 =	vld [tilespmem:s9+$0x70];
	v6 =	vor.u32 v1, v6;
	[tilespmem:v7+s18+$0x0] =	vst.idx.msk $0xffff, v12  }
0xe7: {  	v7 =	vor.u32 s12, v0;
	v10 =	vor.u32 v1, v10;
	[tilespmem:v9+s18+$0x0] =	vst.idx.msk $0xffff, v13;
	v9 =	vand.u32 $0x7FFFFF00, v14;
	v12 =	vld [tilespmem:s15+$0x70]  }
0xe8: {  	s9 =	sadd.s32 $0x400, s25;
	v7 =	vand.u32 $0x47, v7;
	v13 =	vld [tilespmem:s14+$0x70];
	v14 =	vadd.s32 v3, v9;
	v17 =	vadd.s32 v4, v9  }
0xe9: {  	s15 =	sor.u32 s0, s9;
	s10 =	sor.u32 s11, s9;
	s14 =	sor.u32 s5, s9;
	v18 =	vadd.s32 v5, v9;
	[tilespmem:v8+s18+$0x0] =	vst.idx.msk $0xffff, v16;
	v8 =	vor.u32 v7, v17  }
0xea: {  	s12 =	sadd.s32 $0x48, s1;
	s9 =	sor.u32 s16, s9;
	v9 =	vadd.s32 v2, v9;
	v14 =	vor.u32 v7, v14;
	v16 =	vld [tilespmem:s10+$0x0];
	v8 =	vor.u32 v1, v8  }
0xeb: {  	v17 =	vmov s12;
	[tilespmem:v6+s18+$0x0] =	vst.idx.msk $0xffff, v15;
	v6 =	vor.u32 v7, v18;
	v7 =	vor.u32 v7, v9  }
0xec: {  	v9 =	vor.u32 v1, v14;
	v14 =	vshll.u32 v17, $0x1;
	v15 =	vld [tilespmem:s15+$0x0];
	v6 =	vor.u32 v1, v6;
	[tilespmem:v10+s18+$0x0] =	vst.idx.msk $0xffff, v12  }
0xed: {  	v10 =	vor.u32 s12, v0;
	v7 =	vor.u32 v1, v7;
	[tilespmem:v11+s18+$0x0] =	vst.idx.msk $0xffff, v13;
	v11 =	vand.u32 $0x7FFFFF00, v14;
	v12 =	vld [tilespmem:s9+$0x0]  }
0xee: {  	v10 =	vand.u32 $0x4F, v10;
	v13 =	vld [tilespmem:s14+$0x0];
	v14 =	vadd.s32 v3, v11;
	v17 =	vadd.s32 v4, v11  }
0xef: {  	v18 =	vadd.s32 v5, v11;
	[tilespmem:v8+s18+$0x0] =	vst.idx.msk $0xffff, v16;
	v8 =	vor.u32 v10, v17  }
0xf0: {  	s12 =	sadd.s32 $0x50, s1;
	v11 =	vadd.s32 v2, v11;
	v14 =	vor.u32 v10, v14;
	v16 =	vld [tilespmem:s10+$0x10];
	v8 =	vor.u32 v1, v8  }
0xf1: {  	v17 =	vmov s12;
	[tilespmem:v6+s18+$0x0] =	vst.idx.msk $0xffff, v15;
	v6 =	vor.u32 v10, v18;
	v10 =	vor.u32 v10, v11  }
0xf2: {  	v11 =	vor.u32 v1, v14;
	v14 =	vshll.u32 v17, $0x1;
	v15 =	vld [tilespmem:s15+$0x10];
	v6 =	vor.u32 v1, v6;
	[tilespmem:v7+s18+$0x0] =	vst.idx.msk $0xffff, v12  }
0xf3: {  	v7 =	vor.u32 s12, v0;
	v10 =	vor.u32 v1, v10;
	[tilespmem:v9+s18+$0x0] =	vst.idx.msk $0xffff, v13;
	v9 =	vand.u32 $0x7FFFFF00, v14;
	v12 =	vld [tilespmem:s9+$0x10]  }
0xf4: {  	v7 =	vand.u32 $0x57, v7;
	v13 =	vld [tilespmem:s14+$0x10];
	v14 =	vadd.s32 v3, v9;
	v17 =	vadd.s32 v4, v9  }
0xf5: {  	v18 =	vadd.s32 v5, v9;
	[tilespmem:v8+s18+$0x0] =	vst.idx.msk $0xffff, v16;
	v8 =	vor.u32 v7, v17  }
0xf6: {  	s12 =	sadd.s32 $0x58, s1;
	v9 =	vadd.s32 v2, v9;
	v14 =	vor.u32 v7, v14;
	v16 =	vld [tilespmem:s10+$0x20];
	v8 =	vor.u32 v1, v8  }
0xf7: {  	v17 =	vmov s12;
	[tilespmem:v6+s18+$0x0] =	vst.idx.msk $0xffff, v15;
	v6 =	vor.u32 v7, v18;
	v7 =	vor.u32 v7, v9  }
0xf8: {  	v9 =	vor.u32 v1, v14;
	v14 =	vshll.u32 v17, $0x1;
	v15 =	vld [tilespmem:s15+$0x20];
	v6 =	vor.u32 v1, v6;
	[tilespmem:v10+s18+$0x0] =	vst.idx.msk $0xffff, v12  }
0xf9: {  	v10 =	vor.u32 s12, v0;
	v7 =	vor.u32 v1, v7;
	[tilespmem:v11+s18+$0x0] =	vst.idx.msk $0xffff, v13;
	v11 =	vand.u32 $0x7FFFFF00, v14;
	v12 =	vld [tilespmem:s9+$0x20]  }
0xfa: {  	v10 =	vand.u32 $0x5F, v10;
	v13 =	vld [tilespmem:s14+$0x20];
	v14 =	vadd.s32 v3, v11;
	v17 =	vadd.s32 v4, v11  }
0xfb: {  	v18 =	vadd.s32 v5, v11;
	[tilespmem:v8+s18+$0x0] =	vst.idx.msk $0xffff, v16;
	v8 =	vor.u32 v10, v17  }
0xfc: {  	s12 =	sadd.s32 $0x60, s1;
	v11 =	vadd.s32 v2, v11;
	v14 =	vor.u32 v10, v14;
	v16 =	vld [tilespmem:s10+$0x30];
	v8 =	vor.u32 v1, v8  }
0xfd: {  	v17 =	vmov s12;
	[tilespmem:v6+s18+$0x0] =	vst.idx.msk $0xffff, v15;
	v6 =	vor.u32 v10, v18;
	v10 =	vor.u32 v10, v11  }
0xfe: {  	v11 =	vor.u32 v1, v14;
	v14 =	vshll.u32 v17, $0x1;
	v15 =	vld [tilespmem:s15+$0x30];
	v6 =	vor.u32 v1, v6;
	[tilespmem:v7+s18+$0x0] =	vst.idx.msk $0xffff, v12  }
0xff: {  	v7 =	vor.u32 s12, v0;
	v10 =	vor.u32 v1, v10;
	[tilespmem:v9+s18+$0x0] =	vst.idx.msk $0xffff, v13;
	v9 =	vand.u32 $0x7FFFFF00, v14;
	v12 =	vld [tilespmem:s9+$0x30]  }
0x100: {  	v7 =	vand.u32 $0x67, v7;
	v13 =	vld [tilespmem:s14+$0x30];
	v14 =	vadd.s32 v3, v9;
	v17 =	vadd.s32 v4, v9  }
0x101: {  	v18 =	vadd.s32 v5, v9;
	[tilespmem:v8+s18+$0x0] =	vst.idx.msk $0xffff, v16;
	v8 =	vor.u32 v7, v17  }
0x102: {  	s12 =	sadd.s32 $0x68, s1;
	v9 =	vadd.s32 v2, v9;
	v14 =	vor.u32 v7, v14;
	v16 =	vld [tilespmem:s10+$0x40];
	v8 =	vor.u32 v1, v8  }
0x103: {  	v17 =	vmov s12;
	[tilespmem:v6+s18+$0x0] =	vst.idx.msk $0xffff, v15;
	v6 =	vor.u32 v7, v18;
	v7 =	vor.u32 v7, v9  }
0x104: {  	v9 =	vor.u32 v1, v14;
	v14 =	vshll.u32 v17, $0x1;
	v15 =	vld [tilespmem:s15+$0x40];
	v6 =	vor.u32 v1, v6;
	[tilespmem:v10+s18+$0x0] =	vst.idx.msk $0xffff, v12  }
0x105: {  	v10 =	vor.u32 s12, v0;
	v7 =	vor.u32 v1, v7;
	[tilespmem:v11+s18+$0x0] =	vst.idx.msk $0xffff, v13;
	v11 =	vand.u32 $0x7FFFFF00, v14;
	v12 =	vld [tilespmem:s9+$0x40]  }
0x106: {  	v10 =	vand.u32 $0x6F, v10;
	v13 =	vld [tilespmem:s14+$0x40];
	v14 =	vadd.s32 v3, v11;
	v17 =	vadd.s32 v4, v11  }
0x107: {  	v18 =	vadd.s32 v5, v11;
	[tilespmem:v8+s18+$0x0] =	vst.idx.msk $0xffff, v16;
	v8 =	vor.u32 v10, v17  }
0x108: {  	s12 =	sadd.s32 $0x70, s1;
	v11 =	vadd.s32 v2, v11;
	v14 =	vor.u32 v10, v14;
	v16 =	vld [tilespmem:s10+$0x50];
	v8 =	vor.u32 v1, v8  }
0x109: {  	v17 =	vmov s12;
	[tilespmem:v6+s18+$0x0] =	vst.idx.msk $0xffff, v15;
	v6 =	vor.u32 v10, v18;
	v10 =	vor.u32 v10, v11  }
0x10a: {  	v11 =	vor.u32 v1, v14;
	v14 =	vshll.u32 v17, $0x1;
	v15 =	vld [tilespmem:s15+$0x50];
	v6 =	vor.u32 v1, v6;
	[tilespmem:v7+s18+$0x0] =	vst.idx.msk $0xffff, v12  }
0x10b: {  	v7 =	vor.u32 s12, v0;
	v10 =	vor.u32 v1, v10;
	[tilespmem:v9+s18+$0x0] =	vst.idx.msk $0xffff, v13;
	v9 =	vand.u32 $0x7FFFFF00, v14;
	v12 =	vld [tilespmem:s9+$0x50]  }
0x10c: {  	v7 =	vand.u32 $0x77, v7;
	v13 =	vld [tilespmem:s14+$0x50];
	v14 =	vadd.s32 v3, v9;
	v17 =	vadd.s32 v4, v9  }
0x10d: {  	v18 =	vadd.s32 v5, v9;
	[tilespmem:v8+s18+$0x0] =	vst.idx.msk $0xffff, v16;
	v8 =	vor.u32 v7, v17  }
0x10e: {  	s12 =	sadd.s32 $0x78, s1;
	v9 =	vadd.s32 v2, v9;
	v14 =	vor.u32 v7, v14;
	v16 =	vld [tilespmem:s10+$0x60];
	v8 =	vor.u32 v1, v8  }
0x10f: {  	v17 =	vmov s12;
	[tilespmem:v6+s18+$0x0] =	vst.idx.msk $0xffff, v15;
	v6 =	vor.u32 v7, v18;
	v7 =	vor.u32 v7, v9  }
0x110: {  	v9 =	vor.u32 v1, v14;
	v14 =	vshll.u32 v17, $0x1;
	v15 =	vld [tilespmem:s15+$0x60];
	v6 =	vor.u32 v1, v6;
	[tilespmem:v10+s18+$0x0] =	vst.idx.msk $0xffff, v12  }
0x111: {  	v10 =	vor.u32 s12, v0;
	v7 =	vor.u32 v1, v7;
	[tilespmem:v11+s18+$0x0] =	vst.idx.msk $0xffff, v13;
	v11 =	vand.u32 $0x7FFFFF00, v14;
	v12 =	vld [tilespmem:s9+$0x60]  }
0x112: {  	v10 =	vand.u32 $0x7F, v10;
	v13 =	vld [tilespmem:s14+$0x60];
	v14 =	vadd.s32 v3, v11;
	v17 =	vadd.s32 v4, v11  }
0x113: {  	v18 =	vadd.s32 v5, v11;
	[tilespmem:v8+s18+$0x0] =	vst.idx.msk $0xffff, v16;
	v8 =	vor.u32 v10, v17  }
0x114: {  	s12 =	sadd.s32 $0x80, s1;
	v11 =	vadd.s32 v2, v11;
	v14 =	vor.u32 v10, v14;
	v16 =	vld [tilespmem:s10+$0x70];
	v8 =	vor.u32 v1, v8  }
0x115: {  	v17 =	vmov s12;
	[tilespmem:v6+s18+$0x0] =	vst.idx.msk $0xffff, v15;
	v6 =	vor.u32 v10, v18;
	v10 =	vor.u32 v10, v11  }
0x116: {  	v11 =	vor.u32 v1, v14;
	v14 =	vshll.u32 v17, $0x1;
	v15 =	vld [tilespmem:s15+$0x70];
	v6 =	vor.u32 v1, v6;
	[tilespmem:v7+s18+$0x0] =	vst.idx.msk $0xffff, v12  }
0x117: {  	v7 =	vor.u32 s12, v0;
	v10 =	vor.u32 v1, v10;
	[tilespmem:v9+s18+$0x0] =	vst.idx.msk $0xffff, v13;
	v9 =	vand.u32 $0x7FFFFF00, v14;
	v12 =	vld [tilespmem:s9+$0x70]  }
0x118: {  	s9 =	sadd.s32 $0x800, s25;
	v7 =	vand.u32 $0x47, v7;
	v13 =	vld [tilespmem:s14+$0x70];
	v14 =	vadd.s32 v3, v9;
	v17 =	vadd.s32 v4, v9  }
0x119: {  	s25 =	sor.u32 s5, s9;
	s0 =	sor.u32 s0, s9;
	v18 =	vadd.s32 v5, v9;
	s14 =	sor.u32 s11, s9;
	[tilespmem:v8+s18+$0x0] =	vst.idx.msk $0xffff, v16;
	v8 =	vor.u32 v7, v17  }
0x11a: {  	s10 =	sadd.s32 $0x88, s1;
	s5 =	sor.u32 s16, s9;
	v9 =	vadd.s32 v2, v9;
	v14 =	vor.u32 v7, v14;
	v16 =	vld [tilespmem:s14+$0x0];
	v8 =	vor.u32 v1, v8  }
0x11b: {  	v17 =	vmov s10;
	[tilespmem:v6+s18+$0x0] =	vst.idx.msk $0xffff, v15;
	v6 =	vor.u32 v7, v18;
	v7 =	vor.u32 v7, v9  }
0x11c: {  	v9 =	vor.u32 v1, v14;
	v14 =	vshll.u32 v17, $0x1;
	v15 =	vld [tilespmem:s0+$0x0];
	v6 =	vor.u32 v1, v6;
	[tilespmem:v10+s18+$0x0] =	vst.idx.msk $0xffff, v12  }
0x11d: {  	v10 =	vor.u32 s10, v0;
	v7 =	vor.u32 v1, v7;
	[tilespmem:v11+s18+$0x0] =	vst.idx.msk $0xffff, v13;
	v11 =	vand.u32 $0x7FFFFF00, v14;
	v12 =	vld [tilespmem:s5+$0x0]  }
0x11e: {  	v10 =	vand.u32 $0x4F, v10;
	v13 =	vld [tilespmem:s25+$0x0];
	v14 =	vadd.s32 v3, v11;
	v17 =	vadd.s32 v4, v11  }
0x11f: {  	v18 =	vadd.s32 v5, v11;
	[tilespmem:v8+s18+$0x0] =	vst.idx.msk $0xffff, v16;
	v8 =	vor.u32 v10, v17  }
0x120: {  	s9 =	sadd.s32 $0x90, s1;
	v11 =	vadd.s32 v2, v11;
	v14 =	vor.u32 v10, v14;
	v16 =	vld [tilespmem:s14+$0x10];
	v8 =	vor.u32 v1, v8  }
0x121: {  	v17 =	vmov s9;
	[tilespmem:v6+s18+$0x0] =	vst.idx.msk $0xffff, v15;
	v6 =	vor.u32 v10, v18;
	v10 =	vor.u32 v10, v11  }
0x122: {  	v11 =	vor.u32 v1, v14;
	v14 =	vshll.u32 v17, $0x1;
	v15 =	vld [tilespmem:s0+$0x10];
	v6 =	vor.u32 v1, v6;
	[tilespmem:v7+s18+$0x0] =	vst.idx.msk $0xffff, v12  }
0x123: {  	v7 =	vor.u32 s9, v0;
	v10 =	vor.u32 v1, v10;
	[tilespmem:v9+s18+$0x0] =	vst.idx.msk $0xffff, v13;
	v9 =	vand.u32 $0x7FFFFF00, v14;
	v12 =	vld [tilespmem:s5+$0x10]  }
0x124: {  	v7 =	vand.u32 $0x57, v7;
	v13 =	vld [tilespmem:s25+$0x10];
	v14 =	vadd.s32 v3, v9;
	v17 =	vadd.s32 v4, v9  }
0x125: {  	v18 =	vadd.s32 v5, v9;
	[tilespmem:v8+s18+$0x0] =	vst.idx.msk $0xffff, v16;
	v8 =	vor.u32 v7, v17  }
0x126: {  	s9 =	sadd.s32 $0x98, s1;
	v9 =	vadd.s32 v2, v9;
	v14 =	vor.u32 v7, v14;
	v16 =	vld [tilespmem:s14+$0x20];
	v8 =	vor.u32 v1, v8  }
0x127: {  	v17 =	vmov s9;
	[tilespmem:v6+s18+$0x0] =	vst.idx.msk $0xffff, v15;
	v6 =	vor.u32 v7, v18;
	v7 =	vor.u32 v7, v9  }
0x128: {  	v9 =	vor.u32 v1, v14;
	v14 =	vshll.u32 v17, $0x1;
	v15 =	vld [tilespmem:s0+$0x20];
	v6 =	vor.u32 v1, v6;
	[tilespmem:v10+s18+$0x0] =	vst.idx.msk $0xffff, v12  }
0x129: {  	v10 =	vor.u32 s9, v0;
	v7 =	vor.u32 v1, v7;
	[tilespmem:v11+s18+$0x0] =	vst.idx.msk $0xffff, v13;
	v11 =	vand.u32 $0x7FFFFF00, v14;
	v12 =	vld [tilespmem:s5+$0x20]  }
0x12a: {  	v10 =	vand.u32 $0x5F, v10;
	v13 =	vld [tilespmem:s25+$0x20];
	v14 =	vadd.s32 v3, v11;
	v17 =	vadd.s32 v4, v11  }
0x12b: {  	v18 =	vadd.s32 v5, v11;
	[tilespmem:v8+s18+$0x0] =	vst.idx.msk $0xffff, v16;
	v8 =	vor.u32 v10, v17  }
0x12c: {  	s9 =	sadd.s32 $0xA0, s1;
	v11 =	vadd.s32 v2, v11;
	v14 =	vor.u32 v10, v14;
	v16 =	vld [tilespmem:s14+$0x30];
	v8 =	vor.u32 v1, v8  }
0x12d: {  	v17 =	vmov s9;
	[tilespmem:v6+s18+$0x0] =	vst.idx.msk $0xffff, v15;
	v6 =	vor.u32 v10, v18;
	v10 =	vor.u32 v10, v11  }
0x12e: {  	v11 =	vor.u32 v1, v14;
	v14 =	vshll.u32 v17, $0x1;
	v15 =	vld [tilespmem:s0+$0x30];
	v6 =	vor.u32 v1, v6;
	[tilespmem:v7+s18+$0x0] =	vst.idx.msk $0xffff, v12  }
0x12f: {  	v7 =	vor.u32 s9, v0;
	v10 =	vor.u32 v1, v10;
	[tilespmem:v9+s18+$0x0] =	vst.idx.msk $0xffff, v13;
	v9 =	vand.u32 $0x7FFFFF00, v14;
	v12 =	vld [tilespmem:s5+$0x30]  }
0x130: {  	v7 =	vand.u32 $0x67, v7;
	v13 =	vld [tilespmem:s25+$0x30];
	v14 =	vadd.s32 v3, v9;
	v17 =	vadd.s32 v4, v9  }
0x131: {  	v18 =	vadd.s32 v5, v9;
	[tilespmem:v8+s18+$0x0] =	vst.idx.msk $0xffff, v16;
	v8 =	vor.u32 v7, v17  }
0x132: {  	s9 =	sadd.s32 $0xA8, s1;
	v9 =	vadd.s32 v2, v9;
	v14 =	vor.u32 v7, v14;
	v16 =	vld [tilespmem:s14+$0x40];
	v8 =	vor.u32 v1, v8  }
0x133: {  	v17 =	vmov s9;
	[tilespmem:v6+s18+$0x0] =	vst.idx.msk $0xffff, v15;
	v6 =	vor.u32 v7, v18;
	v7 =	vor.u32 v7, v9  }
0x134: {  	v9 =	vor.u32 v1, v14;
	v14 =	vshll.u32 v17, $0x1;
	v15 =	vld [tilespmem:s0+$0x40];
	v6 =	vor.u32 v1, v6;
	[tilespmem:v10+s18+$0x0] =	vst.idx.msk $0xffff, v12  }
0x135: {  	v10 =	vor.u32 s9, v0;
	v7 =	vor.u32 v1, v7;
	[tilespmem:v11+s18+$0x0] =	vst.idx.msk $0xffff, v13;
	v11 =	vand.u32 $0x7FFFFF00, v14;
	v12 =	vld [tilespmem:s5+$0x40]  }
0x136: {  	v10 =	vand.u32 $0x6F, v10;
	v13 =	vld [tilespmem:s25+$0x40];
	v14 =	vadd.s32 v3, v11;
	v17 =	vadd.s32 v4, v11  }
0x137: {  	v18 =	vadd.s32 v5, v11;
	[tilespmem:v8+s18+$0x0] =	vst.idx.msk $0xffff, v16;
	v8 =	vor.u32 v10, v17  }
0x138: {  	s9 =	sadd.s32 $0xB0, s1;
	v11 =	vadd.s32 v2, v11;
	v14 =	vor.u32 v10, v14;
	v16 =	vld [tilespmem:s14+$0x50];
	v8 =	vor.u32 v1, v8  }
0x139: {  	v17 =	vmov s9;
	[tilespmem:v6+s18+$0x0] =	vst.idx.msk $0xffff, v15;
	v6 =	vor.u32 v10, v18;
	v10 =	vor.u32 v10, v11  }
0x13a: {  	v14 =	vor.u32 v1, v14;
	v11 =	vshll.u32 v17, $0x1;
	v15 =	vld [tilespmem:s0+$0x50];
	v6 =	vor.u32 v1, v6;
	[tilespmem:v7+s18+$0x0] =	vst.idx.msk $0xffff, v12  }
0x13b: {  	v7 =	vor.u32 s9, v0;
	[tilespmem:v9+s18+$0x0] =	vst.idx.msk $0xffff, v13;
	v9 =	vand.u32 $0x7FFFFF00, v11;
	v12 =	vld [tilespmem:s5+$0x50];
	v13 =	vor.u32 v1, v10  }
0x13c: {  	v7 =	vand.u32 $0x77, v7;
	v17 =	vld [tilespmem:s25+$0x50];
	v10 =	vadd.s32 v3, v9;
	v11 =	vadd.s32 v4, v9  }
0x13d: {  	v18 =	vadd.s32 v5, v9;
	[tilespmem:v8+s18+$0x0] =	vst.idx.msk $0xffff, v16;
	v8 =	vor.u32 v7, v11  }
0x13e: {  	s1 =	sadd.s32 $0xB8, s1;
	v9 =	vadd.s32 v2, v9;
	v10 =	vor.u32 v7, v10;
	v16 =	vld [tilespmem:s14+$0x60];
	v19 =	vor.u32 v1, v8  }
.Ltmp2:
0x13f: {  	v8 =	vmov s1;
	[tilespmem:v6+s18+$0x0] =	vst.idx.msk $0xffff, v15;
	v15 =	vor.u32 v7, v18;
	v7 =	vor.u32 v7, v9;
	(pc) =	sbr.rel @p1 .LBB2_3-.Ltmp2, $4  }
0x140: {  	v6 =	vor.u32 v1, v10;
	v8 =	vshll.u32 v8, $0x1;
	v11 =	vld [tilespmem:s0+$0x60];
	v10 =	vor.u32 v1, v15;
	[tilespmem:v13+s18+$0x0] =	vst.idx.msk $0xffff, v12  }
0x141: {  	v12 =	vor.u32 s1, v0;
	v13 =	vand.u32 $0x7FFFFF00, v8;
	v7 =	vor.u32 v1, v7;
	[tilespmem:v14+s18+$0x0] =	vst.idx.msk $0xffff, v17;
	v8 =	vld [tilespmem:s5+$0x60]  }
0x142: {  	v12 =	vand.u32 $0x7F, v12;
	v14 =	vadd.s32 v3, v13;
	v4 =	vadd.s32 v4, v13;
	v9 =	vld [tilespmem:s25+$0x60]  }
0x143: {  	v3 =	vadd.s32 v5, v13;
	v4 =	vor.u32 v12, v4;
	[tilespmem:v19+s18+$0x0] =	vst.idx.msk $0xffff, v16  }
0x144: {  	_ =	sdelay $0x2  }
0x145: {  	v5 =	vor.u32 v12, v14;
	v4 =	vor.u32 v1, v4  }
0x146: {  	p1 =	seq.s32 s28, $0x5;
	v14 =	vld [tilespmem:s14+$0x70];
	v3 =	vor.u32 v12, v3;
	v2 =	vadd.s32 v2, v13;
	[tilespmem:v10+s18+$0x0] =	vst.idx.msk $0xffff, v11  }
0x147: {  	s29 =	sshrl.u32 @!p1 s31, $0x1;
	v3 =	vor.u32 v1, v3;
	v2 =	vor.u32 v12, v2;
	v10 =	vld [tilespmem:s0+$0x70];
	[tilespmem:v7+s18+$0x0] =	vst.idx.msk $0xffff, v8  }
0x148: {  	s0 =	sadd.s32 @!p1 $0x20, s29;
	v2 =	vor.u32 v1, v2;
	[tilespmem:v6+s18+$0x0] =	vst.idx.msk $0xffff, v9;
	v7 =	vld [tilespmem:s5+$0x70]  }
0x149: {  	v5 =	vor.u32 v1, v5;
	s0 =	sand.u32 @!p1 $0xFFFFE, s0;
	v6 =	vld [tilespmem:s25+$0x70]  }
0x14a: {  	s0 =	smul.u32 @!p1 $0x3000, s0  }
0x14b: {  	[tilespmem:v4+s18+$0x0] =	vst.idx.msk $0xffff, v14  }
0x14c: {  	s30 =	smul.u32 $0x300, s30;
	s1 =	simm.s32 @!p1 $0xC00;
	s0 =	sadd.s32 @!p1 s6, s0;
	[tilespmem:v3+s18+$0x0] =	vst.idx.msk $0xffff, v10  }
0x14d: {  	s9 =	simm.s32 @!p1 $0x0;
	s31 =	simm.s32 $0x0;
	s0 =	sshrl.u32 @!p1 s0, $0x3;
	[tilespmem:v2+s18+$0x0] =	vst.idx.msk $0xffff, v7  }
0x14e: {  	s16 =	sadd.s32 s7, s30;
	s5 =	simm.s32 @!p1 $0x3000;
	s0 =	sadd.s32 @!p1 s2, s0;
	[tilespmem:v5+s18+$0x0] =	vst.idx.msk $0xffff, v6  }
0x14f: {  	[tilespmem:s9], [sflag:$0x1] =	stream.strided.gather @!p1 [hbm4b:s0+s1], $0x1800, s5, s1, $0x38;
	[tilespmem:$0x7800] =	vst v63  }
0x150: {  	s24 =	simm.s32 $0x0;
	s10 =	sand.u32 $0x4, s31;
	s0 =	sshrl.u32 s16, $0x3  }
0x151: {  	s11 =	sor.u32 $0x1, s10;
	s25 =	sor.u32 $0x3, s10;
	s0 =	sadd.s32 s3, s0  }
0x152: {  	v4 =	vmov s11;
	[hbm4b:s0+s19] =	stream.strided.scatter [tilespmem:s18], [sflag:$0x4], $0x1800, s20, s19, $0x38;
	[tilespmem:$0x7800] =	vst v63  }
0x153: {  	s12 =	sor.u32 $0x2, s10;
	v4 =	vmul.u32 $0x300, v4;
	v3 =	vmov s25;
	s1 =	smul.u32 $0xC0, s24;
	_ =	swait.ge [sflag:s21], $0x1800  }
0x154: {  	v2 =	vmov s10;
	v3 =	vmul.u32 $0x300, v3;
	v5 =	vmov s12;
	s0 =	smul.u32 $0x3000, s24;
	[sflag:s21] =	ssyncset.done $0x0  }
0x155: {  	v2 =	vmul.u32 $0x300, v2;
	s9 =	simm.s32 @!p2 $0x5;
	v7 =	vmul.u32 $0x300, v5;
	v6 =	vmov s1;
	[sflag:s21] =	ssyncadd.s32 $0xFFFFE800  }
0x156: {  	v3 =	vbroadcast v3, $0x0;
	v5 =	vor.u32 s1, v0;
	v6 =	vshll.u32 v6, $0x1;
	s0 =	sshra.s32 s0, $0x2;
	_ =	swait.ge @!p2 [sflag:s9], $0x1800  }
0x157: {  	v4 =	vbroadcast v4, $0x0;
	s16 =	sshll.u32 s25, $0x7;
	v8 =	vand.u32 $0x47, v5;
	v6 =	vand.u32 $0x100, v6;
	s8 =	sadd.s32 $0x1800, s0;
	[sflag:s9] =	ssyncset.done @!p2 $0x0  }
0x158: {  	s24 =	sor.u32 $0x8, s1;
	v5 =	vbroadcast v2, $0x0;
	v8 =	vor.u32 v1, v8;
	v9 =	vadd.s32 v3, v6;
	[sflag:s9] =	ssyncadd.s32 @!p2 $0xFFFFE800;
	s9 =	sor.u32 s16, s8  }
0x159: {  	s25 =	sshll.u32 s11, $0x7;
	v2 =	vbroadcast v7, $0x0;
	v12 =	vmov s24;
	v9 =	vor.u32 v9, v8;
	v10 =	vld [tilespmem:s9+$0x0]  }
0x15a: {  	s5 =	sshll.u32 s12, $0x7;
	v12 =	vshll.u32 v12, $0x1;
	v7 =	vadd.s32 v4, v6;
	v11 =	vor.u32 v5, v8;
	s15 =	sor.u32 s25, s8  }
0x15b: {  	s11 =	sshll.u32 s10, $0x7;
	v12 =	vand.u32 $0x7FFFFF00, v12;
	v7 =	vor.u32 v7, v8;
	v8 =	vor.u32 v2, v8;
	s14 =	sor.u32 s5, s8;
	v13 =	vld [tilespmem:s15+$0x0]  }
0x15c: {  	v11 =	vor.u32 v6, v11;
	s10 =	sor.u32 s11, s8;
	v6 =	vor.u32 v6, v8;
	v8 =	vor.u32 s24, v0;
	v14 =	vld [tilespmem:s14+$0x0]  }
0x15d: {  	v15 =	vadd.s32 v5, v12;
	v16 =	vadd.s32 v3, v12;
	v8 =	vand.u32 $0x4F, v8;
	v17 =	vld [tilespmem:s10+$0x0]  }
0x15e: {  	v18 =	vadd.s32 v4, v12;
	[tilespmem:v9+s22+$0x0] =	vst.idx.msk $0xffff, v10;
	v9 =	vor.u32 v8, v16  }
0x15f: {  	s12 =	sor.u32 $0x10, s1;
	v12 =	vadd.s32 v2, v12;
	v10 =	vor.u32 v8, v15;
	v15 =	vld [tilespmem:s9+$0x10];
	v9 =	vor.u32 v1, v9  }
0x160: {  	v44 =	vmov s12;
	v18 =	vor.u32 v8, v18;
	v8 =	vor.u32 v8, v12;
	[tilespmem:v7+s22+$0x0] =	vst.idx.msk $0xffff, v13  }
0x161: {  	v12 =	vor.u32 v1, v18;
	[tilespmem:v6+s22+$0x0] =	vst.idx.msk $0xffff, v14;
	v7 =	vor.u32 v1, v10;
	v10 =	vshll.u32 v44, $0x1;
	v13 =	vld [tilespmem:s15+$0x10]  }
0x162: {  	v6 =	vor.u32 s12, v0;
	[tilespmem:v11+s22+$0x0] =	vst.idx.msk $0xffff, v17;
	v8 =	vor.u32 v1, v8;
	v11 =	vld [tilespmem:s14+$0x10];
	v10 =	vand.u32 $0x7FFFFF00, v10  }
0x163: {  	v6 =	vand.u32 $0x57, v6;
	v17 =	vld [tilespmem:s10+$0x10];
	v14 =	vadd.s32 v5, v10;
	v45 =	vadd.s32 v3, v10  }
0x164: {  	v46 =	vadd.s32 v4, v10;
	[tilespmem:v9+s22+$0x0] =	vst.idx.msk $0xffff, v15;
	v9 =	vor.u32 v6, v45  }
0x165: {  	s24 =	sor.u32 $0x18, s1;
	v10 =	vadd.s32 v2, v10;
	v14 =	vor.u32 v6, v14;
	v15 =	vld [tilespmem:s9+$0x20];
	v9 =	vor.u32 v1, v9  }
0x166: {  	v47 =	vmov s24;
	v18 =	vor.u32 v6, v46;
	v6 =	vor.u32 v6, v10;
	[tilespmem:v12+s22+$0x0] =	vst.idx.msk $0xffff, v13  }
0x167: {  	v10 =	vor.u32 v1, v14;
	v12 =	vshll.u32 v47, $0x1;
	v13 =	vor.u32 v1, v18;
	[tilespmem:v8+s22+$0x0] =	vst.idx.msk $0xffff, v11;
	v14 =	vld [tilespmem:s15+$0x20]  }
0x168: {  	v8 =	vor.u32 s24, v0;
	[tilespmem:v7+s22+$0x0] =	vst.idx.msk $0xffff, v17;
	v11 =	vand.u32 $0x7FFFFF00, v12;
	v6 =	vor.u32 v1, v6;
	v7 =	vld [tilespmem:s14+$0x20]  }
0x169: {  	v8 =	vand.u32 $0x5F, v8;
	v17 =	vld [tilespmem:s10+$0x20];
	v12 =	vadd.s32 v5, v11;
	v48 =	vadd.s32 v3, v11  }
0x16a: {  	v49 =	vadd.s32 v4, v11;
	[tilespmem:v9+s22+$0x0] =	vst.idx.msk $0xffff, v15;
	v9 =	vor.u32 v8, v48  }
0x16b: {  	s12 =	sor.u32 $0x20, s1;
	v11 =	vadd.s32 v2, v11;
	v12 =	vor.u32 v8, v12;
	v15 =	vld [tilespmem:s9+$0x30];
	v9 =	vor.u32 v1, v9  }
0x16c: {  	v50 =	vmov s12;
	v18 =	vor.u32 v8, v49;
	v8 =	vor.u32 v8, v11;
	[tilespmem:v13+s22+$0x0] =	vst.idx.msk $0xffff, v14  }
0x16d: {  	v11 =	vor.u32 v1, v12;
	v12 =	vshll.u32 v50, $0x1;
	v13 =	vor.u32 v1, v18;
	[tilespmem:v6+s22+$0x0] =	vst.idx.msk $0xffff, v7;
	v14 =	vld [tilespmem:s15+$0x30]  }
0x16e: {  	v6 =	vor.u32 s12, v0;
	[tilespmem:v10+s22+$0x0] =	vst.idx.msk $0xffff, v17;
	v7 =	vand.u32 $0x7FFFFF00, v12;
	v8 =	vor.u32 v1, v8;
	v10 =	vld [tilespmem:s14+$0x30]  }
0x16f: {  	v6 =	vand.u32 $0x67, v6;
	v17 =	vld [tilespmem:s10+$0x30];
	v12 =	vadd.s32 v5, v7;
	v51 =	vadd.s32 v3, v7  }
0x170: {  	v52 =	vadd.s32 v4, v7;
	[tilespmem:v9+s22+$0x0] =	vst.idx.msk $0xffff, v15;
	v9 =	vor.u32 v6, v51  }
0x171: {  	s24 =	sor.u32 $0x28, s1;
	v7 =	vadd.s32 v2, v7;
	v12 =	vor.u32 v6, v12;
	v15 =	vld [tilespmem:s9+$0x40];
	v9 =	vor.u32 v1, v9  }
0x172: {  	v53 =	vmov s24;
	v18 =	vor.u32 v6, v52;
	v6 =	vor.u32 v6, v7;
	[tilespmem:v13+s22+$0x0] =	vst.idx.msk $0xffff, v14  }
0x173: {  	v7 =	vor.u32 v1, v12;
	v12 =	vshll.u32 v53, $0x1;
	v13 =	vor.u32 v1, v18;
	[tilespmem:v8+s22+$0x0] =	vst.idx.msk $0xffff, v10;
	v14 =	vld [tilespmem:s15+$0x40]  }
0x174: {  	v8 =	vor.u32 s24, v0;
	[tilespmem:v11+s22+$0x0] =	vst.idx.msk $0xffff, v17;
	v10 =	vand.u32 $0x7FFFFF00, v12;
	v6 =	vor.u32 v1, v6;
	v11 =	vld [tilespmem:s14+$0x40]  }
0x175: {  	v8 =	vand.u32 $0x6F, v8;
	v17 =	vld [tilespmem:s10+$0x40];
	v12 =	vadd.s32 v5, v10;
	v54 =	vadd.s32 v3, v10  }
0x176: {  	v55 =	vadd.s32 v4, v10;
	[tilespmem:v9+s22+$0x0] =	vst.idx.msk $0xffff, v15;
	v9 =	vor.u32 v8, v54  }
0x177: {  	s12 =	sor.u32 $0x30, s1;
	v10 =	vadd.s32 v2, v10;
	v12 =	vor.u32 v8, v12;
	v15 =	vld [tilespmem:s9+$0x50];
	v9 =	vor.u32 v1, v9  }
0x178: {  	v56 =	vmov s12;
	v18 =	vor.u32 v8, v55;
	v8 =	vor.u32 v8, v10;
	[tilespmem:v13+s22+$0x0] =	vst.idx.msk $0xffff, v14  }
0x179: {  	v10 =	vor.u32 v1, v12;
	v12 =	vshll.u32 v56, $0x1;
	v13 =	vor.u32 v1, v18;
	[tilespmem:v6+s22+$0x0] =	vst.idx.msk $0xffff, v11;
	v14 =	vld [tilespmem:s15+$0x50]  }
0x17a: {  	v6 =	vor.u32 s12, v0;
	[tilespmem:v7+s22+$0x0] =	vst.idx.msk $0xffff, v17;
	v11 =	vand.u32 $0x7FFFFF00, v12;
	v8 =	vor.u32 v1, v8;
	v7 =	vld [tilespmem:s14+$0x50]  }
0x17b: {  	v6 =	vand.u32 $0x77, v6;
	v17 =	vld [tilespmem:s10+$0x50];
	v12 =	vadd.s32 v5, v11;
	v57 =	vadd.s32 v3, v11  }
0x17c: {  	v58 =	vadd.s32 v4, v11;
	[tilespmem:v9+s22+$0x0] =	vst.idx.msk $0xffff, v15;
	v9 =	vor.u32 v6, v57  }
0x17d: {  	s24 =	sor.u32 $0x38, s1;
	v11 =	vadd.s32 v2, v11;
	v12 =	vor.u32 v6, v12;
	v15 =	vld [tilespmem:s9+$0x60];
	v9 =	vor.u32 v1, v9  }
0x17e: {  	v59 =	vmov s24;
	v18 =	vor.u32 v6, v58;
	v6 =	vor.u32 v6, v11;
	[tilespmem:v13+s22+$0x0] =	vst.idx.msk $0xffff, v14  }
0x17f: {  	v11 =	vor.u32 v1, v12;
	v12 =	vshll.u32 v59, $0x1;
	v13 =	vor.u32 v1, v18;
	[tilespmem:v8+s22+$0x0] =	vst.idx.msk $0xffff, v7;
	v14 =	vld [tilespmem:s15+$0x60]  }
0x180: {  	v7 =	vor.u32 s24, v0;
	[tilespmem:v10+s22+$0x0] =	vst.idx.msk $0xffff, v17;
	v8 =	vand.u32 $0x7FFFFF00, v12;
	v6 =	vor.u32 v1, v6;
	v10 =	vld [tilespmem:s14+$0x60]  }
0x181: {  	v7 =	vand.u32 $0x7F, v7;
	v17 =	vld [tilespmem:s10+$0x60];
	v12 =	vadd.s32 v5, v8;
	v60 =	vadd.s32 v3, v8  }
0x182: {  	v61 =	vadd.s32 v4, v8;
	[tilespmem:v9+s22+$0x0] =	vst.idx.msk $0xffff, v15;
	v9 =	vor.u32 v7, v60  }
0x183: {  	s12 =	sadd.s32 $0x40, s1;
	v8 =	vadd.s32 v2, v8;
	v12 =	vor.u32 v7, v12;
	v15 =	vld [tilespmem:s9+$0x70];
	v9 =	vor.u32 v1, v9  }
0x184: {  	v62 =	vmov s12;
	v18 =	vor.u32 v7, v61;
	v7 =	vor.u32 v7, v8;
	[tilespmem:v13+s22+$0x0] =	vst.idx.msk $0xffff, v14  }
0x185: {  	v8 =	vor.u32 v1, v12;
	v12 =	vshll.u32 v62, $0x1;
	v13 =	vor.u32 v1, v18;
	[tilespmem:v6+s22+$0x0] =	vst.idx.msk $0xffff, v10;
	v14 =	vld [tilespmem:s15+$0x70]  }
0x186: {  	v6 =	vor.u32 s12, v0;
	[tilespmem:v11+s22+$0x0] =	vst.idx.msk $0xffff, v17;
	v10 =	vand.u32 $0x7FFFFF00, v12;
	v7 =	vor.u32 v1, v7;
	v11 =	vld [tilespmem:s14+$0x70]  }
0x187: {  	s14 =	sadd.s32 $0x1C00, s0;
	v6 =	vand.u32 $0x47, v6;
	v17 =	vld [tilespmem:s10+$0x70];
	v12 =	vadd.s32 v5, v10;
	v63 =	vadd.s32 v3, v10  }
0x188: {  	v21 =	vadd.s32 v4, v10;
	s9 =	sor.u32 s16, s14;
	[tilespmem:v9+s22+$0x0] =	vst.idx.msk $0xffff, v15;
	v9 =	vor.u32 v6, v63  }
0x189: {  	s24 =	sadd.s32 $0x48, s1;
	v10 =	vadd.s32 v2, v10;
	v12 =	vor.u32 v6, v12;
	v15 =	vld [tilespmem:s9+$0x0];
	v9 =	vor.u32 v1, v9  }
0x18a: {  	v22 =	vmov s24;
	s15 =	sor.u32 s25, s14;
	v18 =	vor.u32 v6, v21;
	v6 =	vor.u32 v6, v10;
	[tilespmem:v13+s22+$0x0] =	vst.idx.msk $0xffff, v14  }
0x18b: {  	s10 =	sor.u32 s5, s14;
	v10 =	vor.u32 v1, v12;
	v12 =	vshll.u32 v22, $0x1;
	v13 =	vor.u32 v1, v18;
	[tilespmem:v7+s22+$0x0] =	vst.idx.msk $0xffff, v11;
	v14 =	vld [tilespmem:s15+$0x0]  }
0x18c: {  	s14 =	sor.u32 s11, s14;
	v7 =	vor.u32 s24, v0;
	[tilespmem:v8+s22+$0x0] =	vst.idx.msk $0xffff, v17;
	v11 =	vand.u32 $0x7FFFFF00, v12;
	v6 =	vor.u32 v1, v6;
	v8 =	vld [tilespmem:s10+$0x0]  }
0x18d: {  	v7 =	vand.u32 $0x4F, v7;
	v17 =	vld [tilespmem:s14+$0x0];
	v12 =	vadd.s32 v5, v11;
	v23 =	vadd.s32 v3, v11  }
0x18e: {  	v24 =	vadd.s32 v4, v11;
	[tilespmem:v9+s22+$0x0] =	vst.idx.msk $0xffff, v15;
	v9 =	vor.u32 v7, v23  }
0x18f: {  	s12 =	sadd.s32 $0x50, s1;
	v11 =	vadd.s32 v2, v11;
	v12 =	vor.u32 v7, v12;
	v15 =	vld [tilespmem:s9+$0x10];
	v9 =	vor.u32 v1, v9  }
0x190: {  	v25 =	vmov s12;
	v18 =	vor.u32 v7, v24;
	v7 =	vor.u32 v7, v11;
	[tilespmem:v13+s22+$0x0] =	vst.idx.msk $0xffff, v14  }
0x191: {  	v11 =	vor.u32 v1, v12;
	v12 =	vshll.u32 v25, $0x1;
	v13 =	vor.u32 v1, v18;
	[tilespmem:v6+s22+$0x0] =	vst.idx.msk $0xffff, v8;
	v14 =	vld [tilespmem:s15+$0x10]  }
0x192: {  	v6 =	vor.u32 s12, v0;
	[tilespmem:v10+s22+$0x0] =	vst.idx.msk $0xffff, v17;
	v8 =	vand.u32 $0x7FFFFF00, v12;
	v7 =	vor.u32 v1, v7;
	v10 =	vld [tilespmem:s10+$0x10]  }
0x193: {  	v6 =	vand.u32 $0x57, v6;
	v17 =	vld [tilespmem:s14+$0x10];
	v12 =	vadd.s32 v5, v8;
	v26 =	vadd.s32 v3, v8  }
0x194: {  	v27 =	vadd.s32 v4, v8;
	[tilespmem:v9+s22+$0x0] =	vst.idx.msk $0xffff, v15;
	v9 =	vor.u32 v6, v26  }
0x195: {  	s24 =	sadd.s32 $0x58, s1;
	v8 =	vadd.s32 v2, v8;
	v12 =	vor.u32 v6, v12;
	v15 =	vld [tilespmem:s9+$0x20];
	v9 =	vor.u32 v1, v9  }
0x196: {  	v28 =	vmov s24;
	v18 =	vor.u32 v6, v27;
	v6 =	vor.u32 v6, v8;
	[tilespmem:v13+s22+$0x0] =	vst.idx.msk $0xffff, v14  }
0x197: {  	v8 =	vor.u32 v1, v12;
	v12 =	vshll.u32 v28, $0x1;
	v13 =	vor.u32 v1, v18;
	[tilespmem:v7+s22+$0x0] =	vst.idx.msk $0xffff, v10;
	v14 =	vld [tilespmem:s15+$0x20]  }
0x198: {  	v7 =	vor.u32 s24, v0;
	[tilespmem:v11+s22+$0x0] =	vst.idx.msk $0xffff, v17;
	v10 =	vand.u32 $0x7FFFFF00, v12;
	v6 =	vor.u32 v1, v6;
	v11 =	vld [tilespmem:s10+$0x20]  }
0x199: {  	v7 =	vand.u32 $0x5F, v7;
	v17 =	vld [tilespmem:s14+$0x20];
	v12 =	vadd.s32 v5, v10;
	v29 =	vadd.s32 v3, v10  }
0x19a: {  	v30 =	vadd.s32 v4, v10;
	[tilespmem:v9+s22+$0x0] =	vst.idx.msk $0xffff, v15;
	v9 =	vor.u32 v7, v29  }
0x19b: {  	s12 =	sadd.s32 $0x60, s1;
	v10 =	vadd.s32 v2, v10;
	v12 =	vor.u32 v7, v12;
	v15 =	vld [tilespmem:s9+$0x30];
	v9 =	vor.u32 v1, v9  }
0x19c: {  	v31 =	vmov s12;
	v18 =	vor.u32 v7, v30;
	v7 =	vor.u32 v7, v10;
	[tilespmem:v13+s22+$0x0] =	vst.idx.msk $0xffff, v14  }
0x19d: {  	v10 =	vor.u32 v1, v12;
	v12 =	vshll.u32 v31, $0x1;
	v13 =	vor.u32 v1, v18;
	[tilespmem:v6+s22+$0x0] =	vst.idx.msk $0xffff, v11;
	v14 =	vld [tilespmem:s15+$0x30]  }
0x19e: {  	v6 =	vor.u32 s12, v0;
	[tilespmem:v8+s22+$0x0] =	vst.idx.msk $0xffff, v17;
	v11 =	vand.u32 $0x7FFFFF00, v12;
	v7 =	vor.u32 v1, v7;
	v8 =	vld [tilespmem:s10+$0x30]  }
0x19f: {  	v6 =	vand.u32 $0x67, v6;
	v17 =	vld [tilespmem:s14+$0x30];
	v12 =	vadd.s32 v5, v11;
	v32 =	vadd.s32 v3, v11  }
0x1a0: {  	v33 =	vadd.s32 v4, v11;
	[tilespmem:v9+s22+$0x0] =	vst.idx.msk $0xffff, v15;
	v9 =	vor.u32 v6, v32  }
0x1a1: {  	s24 =	sadd.s32 $0x68, s1;
	v11 =	vadd.s32 v2, v11;
	v12 =	vor.u32 v6, v12;
	v15 =	vld [tilespmem:s9+$0x40];
	v9 =	vor.u32 v1, v9  }
0x1a2: {  	v34 =	vmov s24;
	v18 =	vor.u32 v6, v33;
	v6 =	vor.u32 v6, v11;
	[tilespmem:v13+s22+$0x0] =	vst.idx.msk $0xffff, v14  }
0x1a3: {  	v11 =	vor.u32 v1, v12;
	v12 =	vshll.u32 v34, $0x1;
	v13 =	vor.u32 v1, v18;
	[tilespmem:v7+s22+$0x0] =	vst.idx.msk $0xffff, v8;
	v14 =	vld [tilespmem:s15+$0x40]  }
0x1a4: {  	v7 =	vor.u32 s24, v0;
	[tilespmem:v10+s22+$0x0] =	vst.idx.msk $0xffff, v17;
	v8 =	vand.u32 $0x7FFFFF00, v12;
	v6 =	vor.u32 v1, v6;
	v10 =	vld [tilespmem:s10+$0x40]  }
0x1a5: {  	v7 =	vand.u32 $0x6F, v7;
	v17 =	vld [tilespmem:s14+$0x40];
	v12 =	vadd.s32 v5, v8;
	v35 =	vadd.s32 v3, v8  }
0x1a6: {  	v36 =	vadd.s32 v4, v8;
	[tilespmem:v9+s22+$0x0] =	vst.idx.msk $0xffff, v15;
	v9 =	vor.u32 v7, v35  }
0x1a7: {  	s12 =	sadd.s32 $0x70, s1;
	v8 =	vadd.s32 v2, v8;
	v12 =	vor.u32 v7, v12;
	v15 =	vld [tilespmem:s9+$0x50];
	v9 =	vor.u32 v1, v9  }
0x1a8: {  	v37 =	vmov s12;
	v18 =	vor.u32 v7, v36;
	v7 =	vor.u32 v7, v8;
	[tilespmem:v13+s22+$0x0] =	vst.idx.msk $0xffff, v14  }
0x1a9: {  	v8 =	vor.u32 v1, v12;
	v12 =	vshll.u32 v37, $0x1;
	v13 =	vor.u32 v1, v18;
	[tilespmem:v6+s22+$0x0] =	vst.idx.msk $0xffff, v10;
	v14 =	vld [tilespmem:s15+$0x50]  }
0x1aa: {  	v6 =	vor.u32 s12, v0;
	[tilespmem:v11+s22+$0x0] =	vst.idx.msk $0xffff, v17;
	v10 =	vand.u32 $0x7FFFFF00, v12;
	v7 =	vor.u32 v1, v7;
	v11 =	vld [tilespmem:s10+$0x50]  }
0x1ab: {  	v6 =	vand.u32 $0x77, v6;
	v17 =	vld [tilespmem:s14+$0x50];
	v12 =	vadd.s32 v5, v10;
	v38 =	vadd.s32 v3, v10  }
0x1ac: {  	v39 =	vadd.s32 v4, v10;
	[tilespmem:v9+s22+$0x0] =	vst.idx.msk $0xffff, v15;
	v9 =	vor.u32 v6, v38  }
0x1ad: {  	s24 =	sadd.s32 $0x78, s1;
	v10 =	vadd.s32 v2, v10;
	v12 =	vor.u32 v6, v12;
	v15 =	vld [tilespmem:s9+$0x60];
	v9 =	vor.u32 v1, v9  }
0x1ae: {  	v40 =	vmov s24;
	v18 =	vor.u32 v6, v39;
	v6 =	vor.u32 v6, v10;
	[tilespmem:v13+s22+$0x0] =	vst.idx.msk $0xffff, v14  }
0x1af: {  	v10 =	vor.u32 v1, v12;
	v12 =	vshll.u32 v40, $0x1;
	v13 =	vor.u32 v1, v18;
	[tilespmem:v7+s22+$0x0] =	vst.idx.msk $0xffff, v11;
	v14 =	vld [tilespmem:s15+$0x60]  }
0x1b0: {  	v7 =	vor.u32 s24, v0;
	[tilespmem:v8+s22+$0x0] =	vst.idx.msk $0xffff, v17;
	v11 =	vand.u32 $0x7FFFFF00, v12;
	v6 =	vor.u32 v1, v6;
	v8 =	vld [tilespmem:s10+$0x60]  }
0x1b1: {  	v7 =	vand.u32 $0x7F, v7;
	v17 =	vld [tilespmem:s14+$0x60];
	v12 =	vadd.s32 v5, v11;
	v41 =	vadd.s32 v3, v11  }
0x1b2: {  	v42 =	vadd.s32 v4, v11;
	[tilespmem:v9+s22+$0x0] =	vst.idx.msk $0xffff, v15;
	v9 =	vor.u32 v7, v41  }
0x1b3: {  	s12 =	sadd.s32 $0x80, s1;
	v11 =	vadd.s32 v2, v11;
	v12 =	vor.u32 v7, v12;
	v15 =	vld [tilespmem:s9+$0x70];
	v9 =	vor.u32 v1, v9  }
0x1b4: {  	v43 =	vmov s12;
	v18 =	vor.u32 v7, v42;
	v7 =	vor.u32 v7, v11;
	[tilespmem:v13+s22+$0x0] =	vst.idx.msk $0xffff, v14  }
0x1b5: {  	v11 =	vor.u32 v1, v12;
	v12 =	vshll.u32 v43, $0x1;
	v13 =	vor.u32 v1, v18;
	[tilespmem:v6+s22+$0x0] =	vst.idx.msk $0xffff, v8;
	v14 =	vld [tilespmem:s15+$0x70]  }
0x1b6: {  	v6 =	vor.u32 s12, v0;
	[tilespmem:v10+s22+$0x0] =	vst.idx.msk $0xffff, v17;
	v8 =	vand.u32 $0x7FFFFF00, v12;
	v7 =	vor.u32 v1, v7;
	v10 =	vld [tilespmem:s10+$0x70]  }
0x1b7: {  	s24 =	sadd.s32 $0x2000, s0;
	v6 =	vand.u32 $0x47, v6;
	v17 =	vld [tilespmem:s14+$0x70];
	v12 =	vadd.s32 v5, v8;
	v44 =	vadd.s32 v3, v8  }
0x1b8: {  	s14 =	sor.u32 s16, s24;
	v45 =	vadd.s32 v4, v8;
	[tilespmem:v9+s22+$0x0] =	vst.idx.msk $0xffff, v15;
	v9 =	vor.u32 v6, v44  }
0x1b9: {  	s10 =	sadd.s32 $0x88, s1;
	v8 =	vadd.s32 v2, v8;
	v12 =	vor.u32 v6, v12;
	v15 =	vld [tilespmem:s14+$0x0];
	v9 =	vor.u32 v1, v9  }
0x1ba: {  	s0 =	sor.u32 s25, s24;
	v46 =	vmov s10;
	v18 =	vor.u32 v6, v45;
	v6 =	vor.u32 v6, v8;
	[tilespmem:v13+s22+$0x0] =	vst.idx.msk $0xffff, v14  }
0x1bb: {  	s5 =	sor.u32 s5, s24;
	v8 =	vor.u32 v1, v12;
	v12 =	vshll.u32 v46, $0x1;
	v13 =	vor.u32 v1, v18;
	[tilespmem:v7+s22+$0x0] =	vst.idx.msk $0xffff, v10;
	v14 =	vld [tilespmem:s0+$0x0]  }
0x1bc: {  	s11 =	sor.u32 s11, s24;
	v7 =	vor.u32 s10, v0;
	[tilespmem:v11+s22+$0x0] =	vst.idx.msk $0xffff, v17;
	v10 =	vand.u32 $0x7FFFFF00, v12;
	v6 =	vor.u32 v1, v6;
	v11 =	vld [tilespmem:s5+$0x0]  }
0x1bd: {  	v7 =	vand.u32 $0x4F, v7;
	v17 =	vld [tilespmem:s11+$0x0];
	v12 =	vadd.s32 v5, v10;
	v47 =	vadd.s32 v3, v10  }
0x1be: {  	v48 =	vadd.s32 v4, v10;
	[tilespmem:v9+s22+$0x0] =	vst.idx.msk $0xffff, v15;
	v9 =	vor.u32 v7, v47  }
0x1bf: {  	s12 =	sadd.s32 $0x90, s1;
	v10 =	vadd.s32 v2, v10;
	v12 =	vor.u32 v7, v12;
	v15 =	vld [tilespmem:s14+$0x10];
	v9 =	vor.u32 v1, v9  }
0x1c0: {  	v49 =	vmov s12;
	v18 =	vor.u32 v7, v48;
	v7 =	vor.u32 v7, v10;
	[tilespmem:v13+s22+$0x0] =	vst.idx.msk $0xffff, v14  }
0x1c1: {  	v10 =	vor.u32 v1, v12;
	v12 =	vshll.u32 v49, $0x1;
	v13 =	vor.u32 v1, v18;
	[tilespmem:v6+s22+$0x0] =	vst.idx.msk $0xffff, v11;
	v14 =	vld [tilespmem:s0+$0x10]  }
0x1c2: {  	v6 =	vor.u32 s12, v0;
	[tilespmem:v8+s22+$0x0] =	vst.idx.msk $0xffff, v17;
	v11 =	vand.u32 $0x7FFFFF00, v12;
	v7 =	vor.u32 v1, v7;
	v8 =	vld [tilespmem:s5+$0x10]  }
0x1c3: {  	v6 =	vand.u32 $0x57, v6;
	v17 =	vld [tilespmem:s11+$0x10];
	v12 =	vadd.s32 v5, v11;
	v50 =	vadd.s32 v3, v11  }
0x1c4: {  	v51 =	vadd.s32 v4, v11;
	[tilespmem:v9+s22+$0x0] =	vst.idx.msk $0xffff, v15;
	v9 =	vor.u32 v6, v50  }
0x1c5: {  	s15 =	sadd.s32 $0x98, s1;
	v11 =	vadd.s32 v2, v11;
	v12 =	vor.u32 v6, v12;
	v15 =	vld [tilespmem:s14+$0x20];
	v9 =	vor.u32 v1, v9  }
0x1c6: {  	v52 =	vmov s15;
	v18 =	vor.u32 v6, v51;
	v6 =	vor.u32 v6, v11;
	[tilespmem:v13+s22+$0x0] =	vst.idx.msk $0xffff, v14  }
0x1c7: {  	v11 =	vor.u32 v1, v12;
	v12 =	vshll.u32 v52, $0x1;
	v13 =	vor.u32 v1, v18;
	[tilespmem:v7+s22+$0x0] =	vst.idx.msk $0xffff, v8;
	v14 =	vld [tilespmem:s0+$0x20]  }
0x1c8: {  	v7 =	vor.u32 s15, v0;
	[tilespmem:v10+s22+$0x0] =	vst.idx.msk $0xffff, v17;
	v8 =	vand.u32 $0x7FFFFF00, v12;
	v6 =	vor.u32 v1, v6;
	v10 =	vld [tilespmem:s5+$0x20]  }
0x1c9: {  	v7 =	vand.u32 $0x5F, v7;
	v17 =	vld [tilespmem:s11+$0x20];
	v12 =	vadd.s32 v5, v8;
	v53 =	vadd.s32 v3, v8  }
0x1ca: {  	v54 =	vadd.s32 v4, v8;
	[tilespmem:v9+s22+$0x0] =	vst.idx.msk $0xffff, v15;
	v9 =	vor.u32 v7, v53  }
0x1cb: {  	s16 =	sadd.s32 $0xA0, s1;
	v8 =	vadd.s32 v2, v8;
	v12 =	vor.u32 v7, v12;
	v15 =	vld [tilespmem:s14+$0x30];
	v9 =	vor.u32 v1, v9  }
0x1cc: {  	v55 =	vmov s16;
	v18 =	vor.u32 v7, v54;
	v7 =	vor.u32 v7, v8;
	[tilespmem:v13+s22+$0x0] =	vst.idx.msk $0xffff, v14  }
0x1cd: {  	v8 =	vor.u32 v1, v12;
	v12 =	vshll.u32 v55, $0x1;
	v13 =	vor.u32 v1, v18;
	[tilespmem:v6+s22+$0x0] =	vst.idx.msk $0xffff, v10;
	v14 =	vld [tilespmem:s0+$0x30]  }
0x1ce: {  	v6 =	vor.u32 s16, v0;
	[tilespmem:v11+s22+$0x0] =	vst.idx.msk $0xffff, v17;
	v10 =	vand.u32 $0x7FFFFF00, v12;
	v7 =	vor.u32 v1, v7;
	v11 =	vld [tilespmem:s5+$0x30]  }
0x1cf: {  	v6 =	vand.u32 $0x67, v6;
	v17 =	vld [tilespmem:s11+$0x30];
	v12 =	vadd.s32 v5, v10;
	v56 =	vadd.s32 v3, v10  }
0x1d0: {  	v57 =	vadd.s32 v4, v10;
	[tilespmem:v9+s22+$0x0] =	vst.idx.msk $0xffff, v15;
	v9 =	vor.u32 v6, v56  }
0x1d1: {  	s24 =	sadd.s32 $0xA8, s1;
	v10 =	vadd.s32 v2, v10;
	v12 =	vor.u32 v6, v12;
	v15 =	vld [tilespmem:s14+$0x40];
	v9 =	vor.u32 v1, v9  }
0x1d2: {  	v58 =	vmov s24;
	v18 =	vor.u32 v6, v57;
	v6 =	vor.u32 v6, v10;
	[tilespmem:v13+s22+$0x0] =	vst.idx.msk $0xffff, v14  }
0x1d3: {  	v10 =	vor.u32 v1, v12;
	v12 =	vshll.u32 v58, $0x1;
	v13 =	vor.u32 v1, v18;
	[tilespmem:v7+s22+$0x0] =	vst.idx.msk $0xffff, v11;
	v14 =	vld [tilespmem:s0+$0x40]  }
0x1d4: {  	v7 =	vor.u32 s24, v0;
	[tilespmem:v8+s22+$0x0] =	vst.idx.msk $0xffff, v17;
	v11 =	vand.u32 $0x7FFFFF00, v12;
	v6 =	vor.u32 v1, v6;
	v8 =	vld [tilespmem:s5+$0x40]  }
0x1d5: {  	v7 =	vand.u32 $0x6F, v7;
	v17 =	vld [tilespmem:s11+$0x40];
	v12 =	vadd.s32 v5, v11;
	v59 =	vadd.s32 v3, v11  }
0x1d6: {  	v60 =	vadd.s32 v4, v11;
	[tilespmem:v9+s22+$0x0] =	vst.idx.msk $0xffff, v15;
	v9 =	vor.u32 v7, v59  }
0x1d7: {  	s25 =	sadd.s32 $0xB0, s1;
	v11 =	vadd.s32 v2, v11;
	v12 =	vor.u32 v7, v12;
	v15 =	vld [tilespmem:s14+$0x50];
	v9 =	vor.u32 v1, v9  }
0x1d8: {  	v61 =	vmov s25;
	v18 =	vor.u32 v7, v60;
	v12 =	vor.u32 v1, v12;
	[tilespmem:v13+s22+$0x0] =	vst.idx.msk $0xffff, v14  }
0x1d9: {  	v7 =	vor.u32 v7, v11;
	v11 =	vshll.u32 v61, $0x1;
	v13 =	vor.u32 v1, v18;
	[tilespmem:v6+s22+$0x0] =	vst.idx.msk $0xffff, v8;
	v14 =	vld [tilespmem:s0+$0x50]  }
0x1da: {  	v6 =	vor.u32 s25, v0;
	[tilespmem:v10+s22+$0x0] =	vst.idx.msk $0xffff, v17;
	v8 =	vand.u32 $0x7FFFFF00, v11;
	v7 =	vor.u32 v1, v7;
	v62 =	vld [tilespmem:s5+$0x50]  }
0x1db: {  	v6 =	vand.u32 $0x77, v6;
	v17 =	vld [tilespmem:s11+$0x50];
	v10 =	vadd.s32 v5, v8;
	v11 =	vadd.s32 v3, v8  }
0x1dc: {  	v63 =	vadd.s32 v4, v8;
	[tilespmem:v9+s22+$0x0] =	vst.idx.msk $0xffff, v15;
	v9 =	vor.u32 v6, v11  }
0x1dd: {  	s1 =	sadd.s32 $0xB8, s1;
	v8 =	vadd.s32 v2, v8;
	v10 =	vor.u32 v6, v10;
	v15 =	vld [tilespmem:s14+$0x60];
	v19 =	vor.u32 v1, v9  }
0x1de: {  	v8 =	vor.u32 v6, v8;
	v11 =	vor.u32 v6, v63;
	[tilespmem:v13+s22+$0x0] =	vst.idx.msk $0xffff, v14;
	v9 =	vmov s1  }
0x1df: {  	v6 =	vor.u32 v1, v10;
	[tilespmem:v7+s22+$0x0] =	vst.idx.msk $0xffff, v62;
	v11 =	vor.u32 v1, v11;
	v10 =	vld [tilespmem:s0+$0x60];
	v9 =	vshll.u32 v9, $0x1  }
0x1e0: {  	v14 =	vor.u32 s1, v0;
	v7 =	vor.u32 v1, v8;
	[tilespmem:v12+s22+$0x0] =	vst.idx.msk $0xffff, v17;
	v8 =	vld [tilespmem:s5+$0x60];
	v13 =	vand.u32 $0x7FFFFF00, v9  }
0x1e1: {  	v12 =	vand.u32 $0x7F, v14;
	v9 =	vld [tilespmem:s11+$0x60];
	v14 =	vadd.s32 v5, v13;
	v5 =	vadd.s32 v3, v13  }
0x1e2: {  	v3 =	vadd.s32 v4, v13;
	v4 =	vor.u32 v12, v5;
	[tilespmem:v19+s22+$0x0] =	vst.idx.msk $0xffff, v15  }
.LBB2_5:
0x1e3: {  	s31 =	sadd.s32 $0x4, s31;
	v5 =	vor.u32 v12, v14;
	v2 =	vadd.s32 v2, v13;
	v13 =	vld [tilespmem:s14+$0x70];
	v4 =	vor.u32 v1, v4  }
0x1e4: {  	v3 =	vor.u32 v12, v3;
	s8 =	sand.u32 $0x4, s31;
	p2 =	slt.u32 s31, $0xC;
	[tilespmem:v11+s22+$0x0] =	vst.idx.msk $0xffff, v10;
	v10 =	vor.u32 v12, v2  }
0x1e5: {  	s9 =	sshrl.u32 s31, $0x3;
	v11 =	vor.u32 v1, v5;
	v14 =	vor.u32 v1, v3;
	v2 =	vmov s8;
	s10 =	sor.u32 $0x1, s8;
	s12 =	sor.u32 $0x3, s8;
	v12 =	vld [tilespmem:s0+$0x70];
	[tilespmem:v7+s22+$0x0] =	vst.idx.msk $0xffff, v8  }
0x1e6: {  	s1 =	smul.u32 $0xC0, s9;
	v2 =	vmul.u32 $0x300, v2;
	v3 =	vmov s10;
	s0 =	sshll.u32 s10, $0x7;
	s10 =	sor.u32 $0x2, s8;
	v5 =	vmov s12;
	[tilespmem:v6+s22+$0x0] =	vst.idx.msk $0xffff, v9;
	v6 =	vld [tilespmem:s5+$0x70]  }
0x1e7: {  	s5 =	sshll.u32 s8, $0x7;
	s8 =	smul.u32 $0x3000, s9;
	v7 =	vmul.u32 $0x300, v3;
	v8 =	vmov s10;
	s16 =	sshll.u32 s10, $0x7;
	v5 =	vmul.u32 $0x300, v5;
	v9 =	vld [tilespmem:s11+$0x70]  }
0x1e8: {  	v15 =	vmov s1;
	v3 =	vbroadcast v2, $0x0;
	v2 =	vmul.u32 $0x300, v8;
	[tilespmem:v4+s22+$0x0] =	vst.idx.msk $0xffff, v13  }
0x1e9: {  	s11 =	sshra.s32 s8, $0x2;
	v8 =	vor.u32 s1, v0;
	v13 =	vshll.u32 v15, $0x1;
	v4 =	vbroadcast v5, $0x0  }
0x1ea: {  	s25 =	sshll.u32 s12, $0x7;
	s8 =	sadd.s32 $0x1800, s11;
	v8 =	vand.u32 $0x47, v8;
	v13 =	vand.u32 $0x100, v13;
	v5 =	vbroadcast v7, $0x0;
	[tilespmem:v14+s22+$0x0] =	vst.idx.msk $0xffff, v12  }
0x1eb: {  	s14 =	sor.u32 s5, s8;
	v7 =	vor.u32 v1, v8;
	s9 =	sor.u32 s0, s8;
	v2 =	vbroadcast v2, $0x0;
	s10 =	sor.u32 s25, s8;
	v8 =	vadd.s32 v4, v13  }
0x1ec: {  	s12 =	sor.u32 $0x8, s1;
	s15 =	sor.u32 s16, s8;
	v12 =	vor.u32 v3, v7;
	v14 =	vadd.s32 v5, v13;
	v15 =	vld [tilespmem:s10+$0x0];
	v8 =	vor.u32 v8, v7  }
0x1ed: {  	v17 =	vmov s12;
	v14 =	vor.u32 v14, v7;
	v7 =	vor.u32 v2, v7;
	v16 =	vld [tilespmem:s14+$0x0];
	[tilespmem:v11+s22+$0x0] =	vst.idx.msk $0xffff, v9  }
0x1ee: {  	v9 =	vor.u32 v13, v12;
	v11 =	vshll.u32 v17, $0x1;
	v7 =	vor.u32 v13, v7;
	v12 =	vld [tilespmem:s9+$0x0]  }
0x1ef: {  	v10 =	vor.u32 v1, v10;
	v13 =	vor.u32 s12, v0;
	v11 =	vand.u32 $0x7FFFFF00, v11;
	v17 =	vld [tilespmem:s15+$0x0]  }
0x1f0: {  	v13 =	vand.u32 $0x4F, v13;
	v18 =	vadd.s32 v3, v11;
	v19 =	vadd.s32 v4, v11  }
0x1f1: {  	v20 =	vadd.s32 v5, v11;
	[tilespmem:v8+s22+$0x0] =	vst.idx.msk $0xffff, v15;
	v8 =	vor.u32 v13, v19  }
0x1f2: {  	s8 =	sor.u32 $0x10, s1;
	v11 =	vadd.s32 v2, v11;
	v15 =	vor.u32 v13, v18;
	v18 =	vld [tilespmem:s10+$0x10];
	v8 =	vor.u32 v1, v8  }
0x1f3: {  	v11 =	vor.u32 v13, v11;
	v19 =	vmov s8;
	[tilespmem:v14+s22+$0x0] =	vst.idx.msk $0xffff, v12;
	v12 =	vor.u32 v13, v20  }
0x1f4: {  	v13 =	vor.u32 v1, v15;
	v14 =	vshll.u32 v19, $0x1;
	v15 =	vld [tilespmem:s9+$0x10];
	v12 =	vor.u32 v1, v12;
	[tilespmem:v7+s22+$0x0] =	vst.idx.msk $0xffff, v17  }
0x1f5: {  	v11 =	vor.u32 v1, v11;
	v7 =	vor.u32 s8, v0;
	[tilespmem:v9+s22+$0x0] =	vst.idx.msk $0xffff, v16;
	v9 =	vand.u32 $0x7FFFFF00, v14;
	v14 =	vld [tilespmem:s15+$0x10]  }
0x1f6: {  	v7 =	vand.u32 $0x57, v7;
	v16 =	vld [tilespmem:s14+$0x10];
	v17 =	vadd.s32 v3, v9;
	v19 =	vadd.s32 v4, v9;
	[tilespmem:v10+s22+$0x0] =	vst.idx.msk $0xffff, v6  }
0x1f7: {  	v6 =	vadd.s32 v5, v9;
	[tilespmem:v8+s22+$0x0] =	vst.idx.msk $0xffff, v18;
	v8 =	vor.u32 v7, v19  }
0x1f8: {  	s8 =	sor.u32 $0x18, s1;
	v9 =	vadd.s32 v2, v9;
	v10 =	vor.u32 v7, v17;
	v17 =	vld [tilespmem:s10+$0x20];
	v8 =	vor.u32 v1, v8  }
0x1f9: {  	v18 =	vmov s8;
	v6 =	vor.u32 v7, v6;
	v7 =	vor.u32 v7, v9;
	[tilespmem:v12+s22+$0x0] =	vst.idx.msk $0xffff, v15  }
0x1fa: {  	v9 =	vor.u32 v1, v10;
	v10 =	vshll.u32 v18, $0x1;
	v6 =	vor.u32 v1, v6;
	v12 =	vld [tilespmem:s9+$0x20];
	[tilespmem:v11+s22+$0x0] =	vst.idx.msk $0xffff, v14  }
0x1fb: {  	v7 =	vor.u32 v1, v7;
	v10 =	vand.u32 $0x7FFFFF00, v10;
	v11 =	vor.u32 s8, v0;
	[tilespmem:v13+s22+$0x0] =	vst.idx.msk $0xffff, v16;
	v13 =	vld [tilespmem:s15+$0x20]  }
0x1fc: {  	v15 =	vadd.s32 v3, v10;
	v11 =	vand.u32 $0x5F, v11;
	v16 =	vadd.s32 v4, v10;
	v14 =	vld [tilespmem:s14+$0x20]  }
0x1fd: {  	v18 =	vadd.s32 v5, v10;
	[tilespmem:v8+s22+$0x0] =	vst.idx.msk $0xffff, v17;
	v8 =	vor.u32 v11, v16  }
0x1fe: {  	s8 =	sor.u32 $0x20, s1;
	v10 =	vadd.s32 v2, v10;
	v15 =	vor.u32 v11, v15;
	v16 =	vld [tilespmem:s10+$0x30];
	v8 =	vor.u32 v1, v8  }
0x1ff: {  	v10 =	vor.u32 v11, v10;
	v17 =	vmov s8;
	[tilespmem:v6+s22+$0x0] =	vst.idx.msk $0xffff, v12;
	v6 =	vor.u32 v11, v18  }
0x200: {  	v11 =	vor.u32 v1, v15;
	v12 =	vshll.u32 v17, $0x1;
	v15 =	vld [tilespmem:s9+$0x30];
	v6 =	vor.u32 v1, v6;
	[tilespmem:v7+s22+$0x0] =	vst.idx.msk $0xffff, v13  }
0x201: {  	v10 =	vor.u32 v1, v10;
	v7 =	vor.u32 s8, v0;
	[tilespmem:v9+s22+$0x0] =	vst.idx.msk $0xffff, v14;
	v9 =	vand.u32 $0x7FFFFF00, v12;
	v12 =	vld [tilespmem:s15+$0x30]  }
0x202: {  	v7 =	vand.u32 $0x67, v7;
	v13 =	vld [tilespmem:s14+$0x30];
	v14 =	vadd.s32 v3, v9;
	v17 =	vadd.s32 v4, v9  }
0x203: {  	v18 =	vadd.s32 v5, v9;
	[tilespmem:v8+s22+$0x0] =	vst.idx.msk $0xffff, v16;
	v8 =	vor.u32 v7, v17  }
0x204: {  	s8 =	sor.u32 $0x28, s1;
	v9 =	vadd.s32 v2, v9;
	v14 =	vor.u32 v7, v14;
	v16 =	vld [tilespmem:s10+$0x40];
	v8 =	vor.u32 v1, v8  }
0x205: {  	v17 =	vmov s8;
	[tilespmem:v6+s22+$0x0] =	vst.idx.msk $0xffff, v15;
	v6 =	vor.u32 v7, v18;
	v7 =	vor.u32 v7, v9  }
0x206: {  	v9 =	vor.u32 v1, v14;
	v14 =	vshll.u32 v17, $0x1;
	v15 =	vld [tilespmem:s9+$0x40];
	v6 =	vor.u32 v1, v6;
	[tilespmem:v10+s22+$0x0] =	vst.idx.msk $0xffff, v12  }
0x207: {  	v10 =	vor.u32 s8, v0;
	v7 =	vor.u32 v1, v7;
	[tilespmem:v11+s22+$0x0] =	vst.idx.msk $0xffff, v13;
	v11 =	vand.u32 $0x7FFFFF00, v14;
	v12 =	vld [tilespmem:s15+$0x40]  }
0x208: {  	v10 =	vand.u32 $0x6F, v10;
	v13 =	vld [tilespmem:s14+$0x40];
	v14 =	vadd.s32 v3, v11;
	v17 =	vadd.s32 v4, v11  }
0x209: {  	v18 =	vadd.s32 v5, v11;
	[tilespmem:v8+s22+$0x0] =	vst.idx.msk $0xffff, v16;
	v8 =	vor.u32 v10, v17  }
0x20a: {  	s8 =	sor.u32 $0x30, s1;
	v11 =	vadd.s32 v2, v11;
	v14 =	vor.u32 v10, v14;
	v16 =	vld [tilespmem:s10+$0x50];
	v8 =	vor.u32 v1, v8  }
0x20b: {  	v17 =	vmov s8;
	[tilespmem:v6+s22+$0x0] =	vst.idx.msk $0xffff, v15;
	v6 =	vor.u32 v10, v18;
	v10 =	vor.u32 v10, v11  }
0x20c: {  	v11 =	vor.u32 v1, v14;
	v14 =	vshll.u32 v17, $0x1;
	v15 =	vld [tilespmem:s9+$0x50];
	v6 =	vor.u32 v1, v6;
	[tilespmem:v7+s22+$0x0] =	vst.idx.msk $0xffff, v12  }
0x20d: {  	v7 =	vor.u32 s8, v0;
	v10 =	vor.u32 v1, v10;
	[tilespmem:v9+s22+$0x0] =	vst.idx.msk $0xffff, v13;
	v9 =	vand.u32 $0x7FFFFF00, v14;
	v12 =	vld [tilespmem:s15+$0x50]  }
0x20e: {  	v7 =	vand.u32 $0x77, v7;
	v13 =	vld [tilespmem:s14+$0x50];
	v14 =	vadd.s32 v3, v9;
	v17 =	vadd.s32 v4, v9  }
0x20f: {  	v18 =	vadd.s32 v5, v9;
	[tilespmem:v8+s22+$0x0] =	vst.idx.msk $0xffff, v16;
	v8 =	vor.u32 v7, v17  }
0x210: {  	s8 =	sor.u32 $0x38, s1;
	v9 =	vadd.s32 v2, v9;
	v14 =	vor.u32 v7, v14;
	v16 =	vld [tilespmem:s10+$0x60];
	v8 =	vor.u32 v1, v8  }
0x211: {  	v17 =	vmov s8;
	[tilespmem:v6+s22+$0x0] =	vst.idx.msk $0xffff, v15;
	v6 =	vor.u32 v7, v18;
	v7 =	vor.u32 v7, v9  }
0x212: {  	v9 =	vor.u32 v1, v14;
	v14 =	vshll.u32 v17, $0x1;
	v15 =	vld [tilespmem:s9+$0x60];
	v6 =	vor.u32 v1, v6;
	[tilespmem:v10+s22+$0x0] =	vst.idx.msk $0xffff, v12  }
0x213: {  	v10 =	vor.u32 s8, v0;
	v7 =	vor.u32 v1, v7;
	[tilespmem:v11+s22+$0x0] =	vst.idx.msk $0xffff, v13;
	v11 =	vand.u32 $0x7FFFFF00, v14;
	v12 =	vld [tilespmem:s15+$0x60]  }
0x214: {  	v10 =	vand.u32 $0x7F, v10;
	v13 =	vld [tilespmem:s14+$0x60];
	v14 =	vadd.s32 v3, v11;
	v17 =	vadd.s32 v4, v11  }
0x215: {  	v18 =	vadd.s32 v5, v11;
	[tilespmem:v8+s22+$0x0] =	vst.idx.msk $0xffff, v16;
	v8 =	vor.u32 v10, v17  }
0x216: {  	s8 =	sadd.s32 $0x40, s1;
	v11 =	vadd.s32 v2, v11;
	v14 =	vor.u32 v10, v14;
	v16 =	vld [tilespmem:s10+$0x70];
	v8 =	vor.u32 v1, v8  }
0x217: {  	v17 =	vmov s8;
	[tilespmem:v6+s22+$0x0] =	vst.idx.msk $0xffff, v15;
	v6 =	vor.u32 v10, v18;
	v10 =	vor.u32 v10, v11  }
0x218: {  	v11 =	vor.u32 v1, v14;
	v14 =	vshll.u32 v17, $0x1;
	v15 =	vld [tilespmem:s9+$0x70];
	v6 =	vor.u32 v1, v6;
	[tilespmem:v7+s22+$0x0] =	vst.idx.msk $0xffff, v12  }
0x219: {  	v7 =	vor.u32 s8, v0;
	v10 =	vor.u32 v1, v10;
	[tilespmem:v9+s22+$0x0] =	vst.idx.msk $0xffff, v13;
	v9 =	vand.u32 $0x7FFFFF00, v14;
	v12 =	vld [tilespmem:s15+$0x70]  }
0x21a: {  	s8 =	sadd.s32 $0x1C00, s11;
	v7 =	vand.u32 $0x47, v7;
	v13 =	vld [tilespmem:s14+$0x70];
	v14 =	vadd.s32 v3, v9;
	v17 =	vadd.s32 v4, v9  }
0x21b: {  	s15 =	sor.u32 s0, s8;
	s10 =	sor.u32 s25, s8;
	s14 =	sor.u32 s5, s8;
	v18 =	vadd.s32 v5, v9;
	[tilespmem:v8+s22+$0x0] =	vst.idx.msk $0xffff, v16;
	v8 =	vor.u32 v7, v17  }
0x21c: {  	s12 =	sadd.s32 $0x48, s1;
	s9 =	sor.u32 s16, s8;
	v9 =	vadd.s32 v2, v9;
	v14 =	vor.u32 v7, v14;
	v16 =	vld [tilespmem:s10+$0x0];
	v8 =	vor.u32 v1, v8  }
0x21d: {  	v17 =	vmov s12;
	[tilespmem:v6+s22+$0x0] =	vst.idx.msk $0xffff, v15;
	v6 =	vor.u32 v7, v18;
	v7 =	vor.u32 v7, v9  }
0x21e: {  	v9 =	vor.u32 v1, v14;
	v14 =	vshll.u32 v17, $0x1;
	v15 =	vld [tilespmem:s15+$0x0];
	v6 =	vor.u32 v1, v6;
	[tilespmem:v10+s22+$0x0] =	vst.idx.msk $0xffff, v12  }
0x21f: {  	v10 =	vor.u32 s12, v0;
	v7 =	vor.u32 v1, v7;
	[tilespmem:v11+s22+$0x0] =	vst.idx.msk $0xffff, v13;
	v11 =	vand.u32 $0x7FFFFF00, v14;
	v12 =	vld [tilespmem:s9+$0x0]  }
0x220: {  	v10 =	vand.u32 $0x4F, v10;
	v13 =	vld [tilespmem:s14+$0x0];
	v14 =	vadd.s32 v3, v11;
	v17 =	vadd.s32 v4, v11  }
0x221: {  	v18 =	vadd.s32 v5, v11;
	[tilespmem:v8+s22+$0x0] =	vst.idx.msk $0xffff, v16;
	v8 =	vor.u32 v10, v17  }
0x222: {  	s8 =	sadd.s32 $0x50, s1;
	v11 =	vadd.s32 v2, v11;
	v14 =	vor.u32 v10, v14;
	v16 =	vld [tilespmem:s10+$0x10];
	v8 =	vor.u32 v1, v8  }
0x223: {  	v17 =	vmov s8;
	[tilespmem:v6+s22+$0x0] =	vst.idx.msk $0xffff, v15;
	v6 =	vor.u32 v10, v18;
	v10 =	vor.u32 v10, v11  }
0x224: {  	v11 =	vor.u32 v1, v14;
	v14 =	vshll.u32 v17, $0x1;
	v15 =	vld [tilespmem:s15+$0x10];
	v6 =	vor.u32 v1, v6;
	[tilespmem:v7+s22+$0x0] =	vst.idx.msk $0xffff, v12  }
0x225: {  	v7 =	vor.u32 s8, v0;
	v10 =	vor.u32 v1, v10;
	[tilespmem:v9+s22+$0x0] =	vst.idx.msk $0xffff, v13;
	v9 =	vand.u32 $0x7FFFFF00, v14;
	v12 =	vld [tilespmem:s9+$0x10]  }
0x226: {  	v7 =	vand.u32 $0x57, v7;
	v13 =	vld [tilespmem:s14+$0x10];
	v14 =	vadd.s32 v3, v9;
	v17 =	vadd.s32 v4, v9  }
0x227: {  	v18 =	vadd.s32 v5, v9;
	[tilespmem:v8+s22+$0x0] =	vst.idx.msk $0xffff, v16;
	v8 =	vor.u32 v7, v17  }
0x228: {  	s8 =	sadd.s32 $0x58, s1;
	v9 =	vadd.s32 v2, v9;
	v14 =	vor.u32 v7, v14;
	v16 =	vld [tilespmem:s10+$0x20];
	v8 =	vor.u32 v1, v8  }
0x229: {  	v17 =	vmov s8;
	[tilespmem:v6+s22+$0x0] =	vst.idx.msk $0xffff, v15;
	v6 =	vor.u32 v7, v18;
	v7 =	vor.u32 v7, v9  }
0x22a: {  	v9 =	vor.u32 v1, v14;
	v14 =	vshll.u32 v17, $0x1;
	v15 =	vld [tilespmem:s15+$0x20];
	v6 =	vor.u32 v1, v6;
	[tilespmem:v10+s22+$0x0] =	vst.idx.msk $0xffff, v12  }
0x22b: {  	v10 =	vor.u32 s8, v0;
	v7 =	vor.u32 v1, v7;
	[tilespmem:v11+s22+$0x0] =	vst.idx.msk $0xffff, v13;
	v11 =	vand.u32 $0x7FFFFF00, v14;
	v12 =	vld [tilespmem:s9+$0x20]  }
0x22c: {  	v10 =	vand.u32 $0x5F, v10;
	v13 =	vld [tilespmem:s14+$0x20];
	v14 =	vadd.s32 v3, v11;
	v17 =	vadd.s32 v4, v11  }
0x22d: {  	v18 =	vadd.s32 v5, v11;
	[tilespmem:v8+s22+$0x0] =	vst.idx.msk $0xffff, v16;
	v8 =	vor.u32 v10, v17  }
0x22e: {  	s8 =	sadd.s32 $0x60, s1;
	v11 =	vadd.s32 v2, v11;
	v14 =	vor.u32 v10, v14;
	v16 =	vld [tilespmem:s10+$0x30];
	v8 =	vor.u32 v1, v8  }
0x22f: {  	v17 =	vmov s8;
	[tilespmem:v6+s22+$0x0] =	vst.idx.msk $0xffff, v15;
	v6 =	vor.u32 v10, v18;
	v10 =	vor.u32 v10, v11  }
0x230: {  	v11 =	vor.u32 v1, v14;
	v14 =	vshll.u32 v17, $0x1;
	v15 =	vld [tilespmem:s15+$0x30];
	v6 =	vor.u32 v1, v6;
	[tilespmem:v7+s22+$0x0] =	vst.idx.msk $0xffff, v12  }
0x231: {  	v7 =	vor.u32 s8, v0;
	v10 =	vor.u32 v1, v10;
	[tilespmem:v9+s22+$0x0] =	vst.idx.msk $0xffff, v13;
	v9 =	vand.u32 $0x7FFFFF00, v14;
	v12 =	vld [tilespmem:s9+$0x30]  }
0x232: {  	v7 =	vand.u32 $0x67, v7;
	v13 =	vld [tilespmem:s14+$0x30];
	v14 =	vadd.s32 v3, v9;
	v17 =	vadd.s32 v4, v9  }
0x233: {  	v18 =	vadd.s32 v5, v9;
	[tilespmem:v8+s22+$0x0] =	vst.idx.msk $0xffff, v16;
	v8 =	vor.u32 v7, v17  }
0x234: {  	s8 =	sadd.s32 $0x68, s1;
	v9 =	vadd.s32 v2, v9;
	v14 =	vor.u32 v7, v14;
	v16 =	vld [tilespmem:s10+$0x40];
	v8 =	vor.u32 v1, v8  }
0x235: {  	v17 =	vmov s8;
	[tilespmem:v6+s22+$0x0] =	vst.idx.msk $0xffff, v15;
	v6 =	vor.u32 v7, v18;
	v7 =	vor.u32 v7, v9  }
0x236: {  	v9 =	vor.u32 v1, v14;
	v14 =	vshll.u32 v17, $0x1;
	v15 =	vld [tilespmem:s15+$0x40];
	v6 =	vor.u32 v1, v6;
	[tilespmem:v10+s22+$0x0] =	vst.idx.msk $0xffff, v12  }
0x237: {  	v10 =	vor.u32 s8, v0;
	v7 =	vor.u32 v1, v7;
	[tilespmem:v11+s22+$0x0] =	vst.idx.msk $0xffff, v13;
	v11 =	vand.u32 $0x7FFFFF00, v14;
	v12 =	vld [tilespmem:s9+$0x40]  }
0x238: {  	v10 =	vand.u32 $0x6F, v10;
	v13 =	vld [tilespmem:s14+$0x40];
	v14 =	vadd.s32 v3, v11;
	v17 =	vadd.s32 v4, v11  }
0x239: {  	v18 =	vadd.s32 v5, v11;
	[tilespmem:v8+s22+$0x0] =	vst.idx.msk $0xffff, v16;
	v8 =	vor.u32 v10, v17  }
0x23a: {  	s8 =	sadd.s32 $0x70, s1;
	v11 =	vadd.s32 v2, v11;
	v14 =	vor.u32 v10, v14;
	v16 =	vld [tilespmem:s10+$0x50];
	v8 =	vor.u32 v1, v8  }
0x23b: {  	v17 =	vmov s8;
	[tilespmem:v6+s22+$0x0] =	vst.idx.msk $0xffff, v15;
	v6 =	vor.u32 v10, v18;
	v10 =	vor.u32 v10, v11  }
0x23c: {  	v11 =	vor.u32 v1, v14;
	v14 =	vshll.u32 v17, $0x1;
	v15 =	vld [tilespmem:s15+$0x50];
	v6 =	vor.u32 v1, v6;
	[tilespmem:v7+s22+$0x0] =	vst.idx.msk $0xffff, v12  }
0x23d: {  	v7 =	vor.u32 s8, v0;
	v10 =	vor.u32 v1, v10;
	[tilespmem:v9+s22+$0x0] =	vst.idx.msk $0xffff, v13;
	v9 =	vand.u32 $0x7FFFFF00, v14;
	v12 =	vld [tilespmem:s9+$0x50]  }
0x23e: {  	v7 =	vand.u32 $0x77, v7;
	v13 =	vld [tilespmem:s14+$0x50];
	v14 =	vadd.s32 v3, v9;
	v17 =	vadd.s32 v4, v9  }
0x23f: {  	v18 =	vadd.s32 v5, v9;
	[tilespmem:v8+s22+$0x0] =	vst.idx.msk $0xffff, v16;
	v8 =	vor.u32 v7, v17  }
0x240: {  	s8 =	sadd.s32 $0x78, s1;
	v9 =	vadd.s32 v2, v9;
	v14 =	vor.u32 v7, v14;
	v16 =	vld [tilespmem:s10+$0x60];
	v8 =	vor.u32 v1, v8  }
0x241: {  	v17 =	vmov s8;
	[tilespmem:v6+s22+$0x0] =	vst.idx.msk $0xffff, v15;
	v6 =	vor.u32 v7, v18;
	v7 =	vor.u32 v7, v9  }
0x242: {  	v9 =	vor.u32 v1, v14;
	v14 =	vshll.u32 v17, $0x1;
	v15 =	vld [tilespmem:s15+$0x60];
	v6 =	vor.u32 v1, v6;
	[tilespmem:v10+s22+$0x0] =	vst.idx.msk $0xffff, v12  }
0x243: {  	v10 =	vor.u32 s8, v0;
	v7 =	vor.u32 v1, v7;
	[tilespmem:v11+s22+$0x0] =	vst.idx.msk $0xffff, v13;
	v11 =	vand.u32 $0x7FFFFF00, v14;
	v12 =	vld [tilespmem:s9+$0x60]  }
0x244: {  	v10 =	vand.u32 $0x7F, v10;
	v13 =	vld [tilespmem:s14+$0x60];
	v14 =	vadd.s32 v3, v11;
	v17 =	vadd.s32 v4, v11  }
0x245: {  	v18 =	vadd.s32 v5, v11;
	[tilespmem:v8+s22+$0x0] =	vst.idx.msk $0xffff, v16;
	v8 =	vor.u32 v10, v17  }
0x246: {  	s8 =	sadd.s32 $0x80, s1;
	v11 =	vadd.s32 v2, v11;
	v14 =	vor.u32 v10, v14;
	v16 =	vld [tilespmem:s10+$0x70];
	v8 =	vor.u32 v1, v8  }
0x247: {  	v17 =	vmov s8;
	[tilespmem:v6+s22+$0x0] =	vst.idx.msk $0xffff, v15;
	v6 =	vor.u32 v10, v18;
	v10 =	vor.u32 v10, v11  }
0x248: {  	v11 =	vor.u32 v1, v14;
	v14 =	vshll.u32 v17, $0x1;
	v15 =	vld [tilespmem:s15+$0x70];
	v6 =	vor.u32 v1, v6;
	[tilespmem:v7+s22+$0x0] =	vst.idx.msk $0xffff, v12  }
0x249: {  	v7 =	vor.u32 s8, v0;
	v10 =	vor.u32 v1, v10;
	[tilespmem:v9+s22+$0x0] =	vst.idx.msk $0xffff, v13;
	v9 =	vand.u32 $0x7FFFFF00, v14;
	v12 =	vld [tilespmem:s9+$0x70]  }
0x24a: {  	s8 =	sadd.s32 $0x2000, s11;
	v7 =	vand.u32 $0x47, v7;
	v13 =	vld [tilespmem:s14+$0x70];
	v14 =	vadd.s32 v3, v9;
	v17 =	vadd.s32 v4, v9  }
0x24b: {  	s11 =	sor.u32 s5, s8;
	s0 =	sor.u32 s0, s8;
	v18 =	vadd.s32 v5, v9;
	s14 =	sor.u32 s25, s8;
	[tilespmem:v8+s22+$0x0] =	vst.idx.msk $0xffff, v16;
	v8 =	vor.u32 v7, v17  }
0x24c: {  	s9 =	sadd.s32 $0x88, s1;
	s5 =	sor.u32 s16, s8;
	v9 =	vadd.s32 v2, v9;
	v14 =	vor.u32 v7, v14;
	v16 =	vld [tilespmem:s14+$0x0];
	v8 =	vor.u32 v1, v8  }
0x24d: {  	v17 =	vmov s9;
	[tilespmem:v6+s22+$0x0] =	vst.idx.msk $0xffff, v15;
	v6 =	vor.u32 v7, v18;
	v7 =	vor.u32 v7, v9  }
0x24e: {  	v9 =	vor.u32 v1, v14;
	v14 =	vshll.u32 v17, $0x1;
	v15 =	vld [tilespmem:s0+$0x0];
	v6 =	vor.u32 v1, v6;
	[tilespmem:v10+s22+$0x0] =	vst.idx.msk $0xffff, v12  }
0x24f: {  	v10 =	vor.u32 s9, v0;
	v7 =	vor.u32 v1, v7;
	[tilespmem:v11+s22+$0x0] =	vst.idx.msk $0xffff, v13;
	v11 =	vand.u32 $0x7FFFFF00, v14;
	v12 =	vld [tilespmem:s5+$0x0]  }
0x250: {  	v10 =	vand.u32 $0x4F, v10;
	v13 =	vld [tilespmem:s11+$0x0];
	v14 =	vadd.s32 v3, v11;
	v17 =	vadd.s32 v4, v11  }
0x251: {  	v18 =	vadd.s32 v5, v11;
	[tilespmem:v8+s22+$0x0] =	vst.idx.msk $0xffff, v16;
	v8 =	vor.u32 v10, v17  }
0x252: {  	s8 =	sadd.s32 $0x90, s1;
	v11 =	vadd.s32 v2, v11;
	v14 =	vor.u32 v10, v14;
	v16 =	vld [tilespmem:s14+$0x10];
	v8 =	vor.u32 v1, v8  }
0x253: {  	v17 =	vmov s8;
	[tilespmem:v6+s22+$0x0] =	vst.idx.msk $0xffff, v15;
	v6 =	vor.u32 v10, v18;
	v10 =	vor.u32 v10, v11  }
0x254: {  	v11 =	vor.u32 v1, v14;
	v14 =	vshll.u32 v17, $0x1;
	v15 =	vld [tilespmem:s0+$0x10];
	v6 =	vor.u32 v1, v6;
	[tilespmem:v7+s22+$0x0] =	vst.idx.msk $0xffff, v12  }
0x255: {  	v7 =	vor.u32 s8, v0;
	v10 =	vor.u32 v1, v10;
	[tilespmem:v9+s22+$0x0] =	vst.idx.msk $0xffff, v13;
	v9 =	vand.u32 $0x7FFFFF00, v14;
	v12 =	vld [tilespmem:s5+$0x10]  }
0x256: {  	v7 =	vand.u32 $0x57, v7;
	v13 =	vld [tilespmem:s11+$0x10];
	v14 =	vadd.s32 v3, v9;
	v17 =	vadd.s32 v4, v9  }
0x257: {  	v18 =	vadd.s32 v5, v9;
	[tilespmem:v8+s22+$0x0] =	vst.idx.msk $0xffff, v16;
	v8 =	vor.u32 v7, v17  }
0x258: {  	s8 =	sadd.s32 $0x98, s1;
	v9 =	vadd.s32 v2, v9;
	v14 =	vor.u32 v7, v14;
	v16 =	vld [tilespmem:s14+$0x20];
	v8 =	vor.u32 v1, v8  }
0x259: {  	v17 =	vmov s8;
	[tilespmem:v6+s22+$0x0] =	vst.idx.msk $0xffff, v15;
	v6 =	vor.u32 v7, v18;
	v7 =	vor.u32 v7, v9  }
0x25a: {  	v9 =	vor.u32 v1, v14;
	v14 =	vshll.u32 v17, $0x1;
	v15 =	vld [tilespmem:s0+$0x20];
	v6 =	vor.u32 v1, v6;
	[tilespmem:v10+s22+$0x0] =	vst.idx.msk $0xffff, v12  }
0x25b: {  	v10 =	vor.u32 s8, v0;
	v7 =	vor.u32 v1, v7;
	[tilespmem:v11+s22+$0x0] =	vst.idx.msk $0xffff, v13;
	v11 =	vand.u32 $0x7FFFFF00, v14;
	v12 =	vld [tilespmem:s5+$0x20]  }
0x25c: {  	v10 =	vand.u32 $0x5F, v10;
	v13 =	vld [tilespmem:s11+$0x20];
	v14 =	vadd.s32 v3, v11;
	v17 =	vadd.s32 v4, v11  }
0x25d: {  	v18 =	vadd.s32 v5, v11;
	[tilespmem:v8+s22+$0x0] =	vst.idx.msk $0xffff, v16;
	v8 =	vor.u32 v10, v17  }
0x25e: {  	s8 =	sadd.s32 $0xA0, s1;
	v11 =	vadd.s32 v2, v11;
	v14 =	vor.u32 v10, v14;
	v16 =	vld [tilespmem:s14+$0x30];
	v8 =	vor.u32 v1, v8  }
0x25f: {  	v17 =	vmov s8;
	[tilespmem:v6+s22+$0x0] =	vst.idx.msk $0xffff, v15;
	v6 =	vor.u32 v10, v18;
	v10 =	vor.u32 v10, v11  }
0x260: {  	v11 =	vor.u32 v1, v14;
	v14 =	vshll.u32 v17, $0x1;
	v15 =	vld [tilespmem:s0+$0x30];
	v6 =	vor.u32 v1, v6;
	[tilespmem:v7+s22+$0x0] =	vst.idx.msk $0xffff, v12  }
0x261: {  	v7 =	vor.u32 s8, v0;
	v10 =	vor.u32 v1, v10;
	[tilespmem:v9+s22+$0x0] =	vst.idx.msk $0xffff, v13;
	v9 =	vand.u32 $0x7FFFFF00, v14;
	v12 =	vld [tilespmem:s5+$0x30]  }
0x262: {  	v7 =	vand.u32 $0x67, v7;
	v13 =	vld [tilespmem:s11+$0x30];
	v14 =	vadd.s32 v3, v9;
	v17 =	vadd.s32 v4, v9  }
0x263: {  	v18 =	vadd.s32 v5, v9;
	[tilespmem:v8+s22+$0x0] =	vst.idx.msk $0xffff, v16;
	v8 =	vor.u32 v7, v17  }
0x264: {  	s8 =	sadd.s32 $0xA8, s1;
	v9 =	vadd.s32 v2, v9;
	v14 =	vor.u32 v7, v14;
	v16 =	vld [tilespmem:s14+$0x40];
	v8 =	vor.u32 v1, v8  }
0x265: {  	v17 =	vmov s8;
	[tilespmem:v6+s22+$0x0] =	vst.idx.msk $0xffff, v15;
	v6 =	vor.u32 v7, v18;
	v7 =	vor.u32 v7, v9  }
0x266: {  	v9 =	vor.u32 v1, v14;
	v14 =	vshll.u32 v17, $0x1;
	v15 =	vld [tilespmem:s0+$0x40];
	v6 =	vor.u32 v1, v6;
	[tilespmem:v10+s22+$0x0] =	vst.idx.msk $0xffff, v12  }
0x267: {  	v10 =	vor.u32 s8, v0;
	v7 =	vor.u32 v1, v7;
	[tilespmem:v11+s22+$0x0] =	vst.idx.msk $0xffff, v13;
	v11 =	vand.u32 $0x7FFFFF00, v14;
	v12 =	vld [tilespmem:s5+$0x40]  }
0x268: {  	v10 =	vand.u32 $0x6F, v10;
	v13 =	vld [tilespmem:s11+$0x40];
	v14 =	vadd.s32 v3, v11;
	v17 =	vadd.s32 v4, v11  }
0x269: {  	v18 =	vadd.s32 v5, v11;
	[tilespmem:v8+s22+$0x0] =	vst.idx.msk $0xffff, v16;
	v8 =	vor.u32 v10, v17  }
0x26a: {  	s8 =	sadd.s32 $0xB0, s1;
	v11 =	vadd.s32 v2, v11;
	v14 =	vor.u32 v10, v14;
	v16 =	vld [tilespmem:s14+$0x50];
	v8 =	vor.u32 v1, v8  }
0x26b: {  	v17 =	vmov s8;
	[tilespmem:v6+s22+$0x0] =	vst.idx.msk $0xffff, v15;
	v6 =	vor.u32 v10, v18;
	v10 =	vor.u32 v10, v11  }
0x26c: {  	v14 =	vor.u32 v1, v14;
	v11 =	vshll.u32 v17, $0x1;
	v15 =	vld [tilespmem:s0+$0x50];
	v6 =	vor.u32 v1, v6;
	[tilespmem:v7+s22+$0x0] =	vst.idx.msk $0xffff, v12  }
0x26d: {  	v7 =	vor.u32 s8, v0;
	[tilespmem:v9+s22+$0x0] =	vst.idx.msk $0xffff, v13;
	v9 =	vand.u32 $0x7FFFFF00, v11;
	v12 =	vld [tilespmem:s5+$0x50];
	v13 =	vor.u32 v1, v10  }
0x26e: {  	v7 =	vand.u32 $0x77, v7;
	v17 =	vld [tilespmem:s11+$0x50];
	v10 =	vadd.s32 v3, v9;
	v11 =	vadd.s32 v4, v9  }
0x26f: {  	v18 =	vadd.s32 v5, v9;
	[tilespmem:v8+s22+$0x0] =	vst.idx.msk $0xffff, v16;
	v8 =	vor.u32 v7, v11  }
0x270: {  	s1 =	sadd.s32 $0xB8, s1;
	v9 =	vadd.s32 v2, v9;
	v10 =	vor.u32 v7, v10;
	v16 =	vld [tilespmem:s14+$0x60];
	v19 =	vor.u32 v1, v8  }
.Ltmp3:
0x271: {  	v11 =	vor.u32 v7, v18;
	v7 =	vor.u32 v7, v9;
	v8 =	vmov s1;
	[tilespmem:v6+s22+$0x0] =	vst.idx.msk $0xffff, v15;
	(pc) =	sbr.rel @p2 .LBB2_5-.Ltmp3, $4  }
0x272: {  	v11 =	vor.u32 v1, v11;
	v6 =	vor.u32 v1, v10;
	v8 =	vshll.u32 v8, $0x1;
	v10 =	vld [tilespmem:s0+$0x60];
	[tilespmem:v13+s22+$0x0] =	vst.idx.msk $0xffff, v12  }
0x273: {  	v7 =	vor.u32 v1, v7;
	v12 =	vor.u32 s1, v0;
	v13 =	vand.u32 $0x7FFFFF00, v8;
	[tilespmem:v14+s22+$0x0] =	vst.idx.msk $0xffff, v17;
	v8 =	vld [tilespmem:s5+$0x60]  }
0x274: {  	v12 =	vand.u32 $0x7F, v12;
	v14 =	vadd.s32 v3, v13;
	v4 =	vadd.s32 v4, v13;
	v9 =	vld [tilespmem:s11+$0x60]  }
0x275: {  	v3 =	vadd.s32 v5, v13;
	v4 =	vor.u32 v12, v4;
	[tilespmem:v19+s22+$0x0] =	vst.idx.msk $0xffff, v16  }
0x276: {  	_ =	sdelay $0x2  }
0x277: {  	v4 =	vor.u32 v1, v4  }
0x278: {  	v63 =	vld [tilespmem:s14+$0x70];
	v3 =	vor.u32 v12, v3;
	v2 =	vadd.s32 v2, v13;
	[tilespmem:v11+s22+$0x0] =	vst.idx.msk $0xffff, v10  }
0x279: {  	v3 =	vor.u32 v1, v3;
	v2 =	vor.u32 v12, v2;
	v11 =	vld [tilespmem:s0+$0x70];
	[tilespmem:v7+s22+$0x0] =	vst.idx.msk $0xffff, v8  }
0x27a: {  	v5 =	vor.u32 v12, v14;
	s0 =	sadd.s32 @!p1 $0x30, s29;
	v2 =	vor.u32 v1, v2;
	[tilespmem:v6+s22+$0x0] =	vst.idx.msk $0xffff, v9;
	v7 =	vld [tilespmem:s5+$0x70]  }
0x27b: {  	v5 =	vor.u32 v1, v5;
	s0 =	sand.u32 @!p1 $0xFFFFE, s0;
	v6 =	vld [tilespmem:s11+$0x70]  }
0x27c: {  	s0 =	smul.u32 @!p1 $0x3000, s0  }
0x27d: {  	[tilespmem:v4+s22+$0x0] =	vst.idx.msk $0xffff, v63  }
0x27e: {  	s0 =	sadd.s32 @!p1 s6, s0;
	[tilespmem:v3+s22+$0x0] =	vst.idx.msk $0xffff, v11  }
0x27f: {  	s1 =	simm.s32 @!p1 $0xC00;
	s8 =	simm.s32 @!p1 $0x1800;
	s0 =	sshrl.u32 @!p1 s0, $0x3;
	[tilespmem:v2+s22+$0x0] =	vst.idx.msk $0xffff, v7  }
0x280: {  	s28 =	sadd.s32 $0x1, s28;
	s5 =	simm.s32 @!p1 $0x3000;
	s0 =	sadd.s32 @!p1 s2, s0;
	[tilespmem:v5+s22+$0x0] =	vst.idx.msk $0xffff, v6  }
0x281: {  	[tilespmem:s8], [sflag:$0x2] =	stream.strided.gather @!p1 [hbm4b:s0+s1], $0x1800, s5, s1, $0x38;
	[tilespmem:$0x7800] =	vst v63  }
0x282: {  	p1 =	sne.s32 s28, $0x6  }
.Ltmp4:
0x283: {  	_ = 	snop;
	(pc) =	sbr.rel @p1 .LBB2_2-.Ltmp4, $4  }
0x284: {  	s31 =	sadd.s32 s13, s30  }
0x285: {  	s0 =	sshrl.u32 s31, $0x3  }
0x286: {  	s0 =	sadd.s32 s3, s0  }
0x287: {  	[hbm4b:s0+s19] =	stream.strided.scatter [tilespmem:s22], [sflag:$0x5], $0x1800, s20, s19, $0x38;
	[tilespmem:$0x7800] =	vst v63  }
0x288: {  	_ =	swait.ge [sflag:s23], $0x1800  }
.Ltmp5:
0x289: {  	[sflag:s23] =	ssyncset.done $0x0;
	(pc) =	sbr.rel @p0 .LBB2_11-.Ltmp5, $4  }
0x28a: {  	s0 =	simm.s32 $0x5;
	[sflag:s23] =	ssyncadd.s32 $0xFFFFE800  }
0x28b: {  	_ =	swait.ge [sflag:s0], $0x1800  }
0x28c: {  	[sflag:s0] =	ssyncset.done $0x0  }
0x28d: {  	[sflag:s0] =	ssyncadd.s32 $0xFFFFE800  }
0x28e: {  	s28 =	simm.s32 $0x0  }
0x28f: {  	s0 =	simm.s32 $0x0;
	s8 =	sand.u32 $0x4, s28  }
0x290: {  	s1 =	smul.u32 $0xC0, s0;
	v2 =	vmov s8;
	s5 =	sor.u32 $0x3, s8;
	s10 =	sor.u32 $0x1, s8  }
0x291: {  	s11 =	sor.u32 $0x2, s8;
	v2 =	vmul.u32 $0x300, v2;
	v3 =	vmov s5;
	v4 =	vmov s10  }
0x292: {  	s0 =	smul.u32 $0x3000, s0;
	v5 =	vmov s11;
	v6 =	vmov s1;
	v3 =	vmul.u32 $0x300, v3  }
0x293: {  	s9 =	simm.s32 $0x3;
	s24 =	sor.u32 $0x8, s1;
	v4 =	vmul.u32 $0x300, v4;
	v7 =	vmul.u32 $0x300, v5;
	v5 =	vor.u32 s1, v0  }
0x294: {  	_ =	swait.ge [sflag:s9], $0x1800;
	s0 =	sshra.s32 s0, $0x2;
	v6 =	vshll.u32 v6, $0x1;
	v12 =	vmov s24;
	v3 =	vbroadcast v3, $0x0  }
0x295: {  	[sflag:s9] =	ssyncset.done $0x0;
	s16 =	sshll.u32 s5, $0x7;
	s12 =	sadd.s32 $0x3000, s0;
	v8 =	vand.u32 $0x47, v5;
	v6 =	vand.u32 $0x100, v6;
	v5 =	vbroadcast v2, $0x0  }
0x296: {  	[sflag:s9] =	ssyncadd.s32 $0xFFFFE800;
	s9 =	sor.u32 s16, s12;
	v4 =	vbroadcast v4, $0x0;
	v8 =	vor.u32 v1, v8;
	v9 =	vadd.s32 v3, v6  }
0x297: {  	s25 =	sshll.u32 s10, $0x7;
	v12 =	vshll.u32 v12, $0x1;
	v2 =	vbroadcast v7, $0x0;
	v10 =	vld [tilespmem:s9+$0x0];
	v9 =	vor.u32 v9, v8  }
0x298: {  	s5 =	sshll.u32 s11, $0x7;
	s15 =	sor.u32 s25, s12;
	v12 =	vand.u32 $0x7FFFFF00, v12;
	v7 =	vadd.s32 v4, v6  }
0x299: {  	s11 =	sshll.u32 s8, $0x7;
	s14 =	sor.u32 s5, s12;
	v13 =	vld [tilespmem:s15+$0x0];
	v11 =	vor.u32 v5, v8;
	v7 =	vor.u32 v7, v8;
	v8 =	vor.u32 v2, v8  }
0x29a: {  	s10 =	sor.u32 s11, s12;
	v14 =	vld [tilespmem:s14+$0x0];
	v11 =	vor.u32 v6, v11;
	v6 =	vor.u32 v6, v8;
	v8 =	vor.u32 s24, v0  }
0x29b: {  	v17 =	vld [tilespmem:s10+$0x0];
	v15 =	vadd.s32 v5, v12;
	v16 =	vadd.s32 v3, v12;
	v8 =	vand.u32 $0x4F, v8  }
0x29c: {  	v18 =	vadd.s32 v4, v12;
	[tilespmem:v9+s18+$0x0] =	vst.idx.msk $0xffff, v10;
	v9 =	vor.u32 v8, v16  }
0x29d: {  	s12 =	sor.u32 $0x10, s1;
	v12 =	vadd.s32 v2, v12;
	v10 =	vor.u32 v8, v15;
	v15 =	vld [tilespmem:s9+$0x10];
	v9 =	vor.u32 v1, v9  }
0x29e: {  	v44 =	vmov s12;
	v18 =	vor.u32 v8, v18;
	v8 =	vor.u32 v8, v12;
	[tilespmem:v7+s18+$0x0] =	vst.idx.msk $0xffff, v13  }
0x29f: {  	v12 =	vor.u32 v1, v18;
	v7 =	vor.u32 v1, v10;
	v10 =	vshll.u32 v44, $0x1;
	v13 =	vld [tilespmem:s15+$0x10];
	[tilespmem:v6+s18+$0x0] =	vst.idx.msk $0xffff, v14  }
0x2a0: {  	[tilespmem:v11+s18+$0x0] =	vst.idx.msk $0xffff, v17;
	v6 =	vor.u32 s12, v0;
	v8 =	vor.u32 v1, v8;
	v10 =	vand.u32 $0x7FFFFF00, v10;
	v11 =	vld [tilespmem:s14+$0x10]  }
0x2a1: {  	v17 =	vld [tilespmem:s10+$0x10];
	v6 =	vand.u32 $0x57, v6;
	v14 =	vadd.s32 v5, v10;
	v45 =	vadd.s32 v3, v10  }
0x2a2: {  	v46 =	vadd.s32 v4, v10;
	[tilespmem:v9+s18+$0x0] =	vst.idx.msk $0xffff, v15;
	v9 =	vor.u32 v6, v45  }
0x2a3: {  	s24 =	sor.u32 $0x18, s1;
	v10 =	vadd.s32 v2, v10;
	v14 =	vor.u32 v6, v14;
	v15 =	vld [tilespmem:s9+$0x20];
	v9 =	vor.u32 v1, v9  }
0x2a4: {  	v47 =	vmov s24;
	v18 =	vor.u32 v6, v46;
	v6 =	vor.u32 v6, v10;
	[tilespmem:v12+s18+$0x0] =	vst.idx.msk $0xffff, v13  }
0x2a5: {  	v10 =	vor.u32 v1, v14;
	v12 =	vshll.u32 v47, $0x1;
	v13 =	vor.u32 v1, v18;
	v14 =	vld [tilespmem:s15+$0x20];
	[tilespmem:v8+s18+$0x0] =	vst.idx.msk $0xffff, v11  }
0x2a6: {  	[tilespmem:v7+s18+$0x0] =	vst.idx.msk $0xffff, v17;
	v8 =	vor.u32 s24, v0;
	v11 =	vand.u32 $0x7FFFFF00, v12;
	v6 =	vor.u32 v1, v6;
	v7 =	vld [tilespmem:s14+$0x20]  }
0x2a7: {  	v17 =	vld [tilespmem:s10+$0x20];
	v8 =	vand.u32 $0x5F, v8;
	v12 =	vadd.s32 v5, v11;
	v48 =	vadd.s32 v3, v11  }
0x2a8: {  	v49 =	vadd.s32 v4, v11;
	[tilespmem:v9+s18+$0x0] =	vst.idx.msk $0xffff, v15;
	v9 =	vor.u32 v8, v48  }
0x2a9: {  	s29 =	sor.u32 $0x20, s1;
	v11 =	vadd.s32 v2, v11;
	v12 =	vor.u32 v8, v12;
	v15 =	vld [tilespmem:s9+$0x30];
	v9 =	vor.u32 v1, v9  }
0x2aa: {  	v50 =	vmov s29;
	v18 =	vor.u32 v8, v49;
	v8 =	vor.u32 v8, v11;
	[tilespmem:v13+s18+$0x0] =	vst.idx.msk $0xffff, v14  }
0x2ab: {  	v11 =	vor.u32 v1, v12;
	v12 =	vshll.u32 v50, $0x1;
	v13 =	vor.u32 v1, v18;
	v14 =	vld [tilespmem:s15+$0x30];
	[tilespmem:v6+s18+$0x0] =	vst.idx.msk $0xffff, v7  }
0x2ac: {  	[tilespmem:v10+s18+$0x0] =	vst.idx.msk $0xffff, v17;
	v6 =	vor.u32 s29, v0;
	v7 =	vand.u32 $0x7FFFFF00, v12;
	v8 =	vor.u32 v1, v8;
	v10 =	vld [tilespmem:s14+$0x30]  }
0x2ad: {  	v17 =	vld [tilespmem:s10+$0x30];
	v6 =	vand.u32 $0x67, v6;
	v12 =	vadd.s32 v5, v7;
	v51 =	vadd.s32 v3, v7  }
0x2ae: {  	v52 =	vadd.s32 v4, v7;
	[tilespmem:v9+s18+$0x0] =	vst.idx.msk $0xffff, v15;
	v9 =	vor.u32 v6, v51  }
0x2af: {  	s30 =	sor.u32 $0x28, s1;
	v7 =	vadd.s32 v2, v7;
	v12 =	vor.u32 v6, v12;
	v15 =	vld [tilespmem:s9+$0x40];
	v9 =	vor.u32 v1, v9  }
0x2b0: {  	v53 =	vmov s30;
	v18 =	vor.u32 v6, v52;
	v6 =	vor.u32 v6, v7;
	[tilespmem:v13+s18+$0x0] =	vst.idx.msk $0xffff, v14  }
0x2b1: {  	v7 =	vor.u32 v1, v12;
	v12 =	vshll.u32 v53, $0x1;
	v13 =	vor.u32 v1, v18;
	v14 =	vld [tilespmem:s15+$0x40];
	[tilespmem:v8+s18+$0x0] =	vst.idx.msk $0xffff, v10  }
0x2b2: {  	[tilespmem:v11+s18+$0x0] =	vst.idx.msk $0xffff, v17;
	v8 =	vor.u32 s30, v0;
	v10 =	vand.u32 $0x7FFFFF00, v12;
	v6 =	vor.u32 v1, v6;
	v11 =	vld [tilespmem:s14+$0x40]  }
0x2b3: {  	v17 =	vld [tilespmem:s10+$0x40];
	v8 =	vand.u32 $0x6F, v8;
	v12 =	vadd.s32 v5, v10;
	v54 =	vadd.s32 v3, v10  }
0x2b4: {  	v55 =	vadd.s32 v4, v10;
	[tilespmem:v9+s18+$0x0] =	vst.idx.msk $0xffff, v15;
	v9 =	vor.u32 v8, v54  }
0x2b5: {  	s31 =	sor.u32 $0x30, s1;
	v10 =	vadd.s32 v2, v10;
	v12 =	vor.u32 v8, v12;
	v15 =	vld [tilespmem:s9+$0x50];
	v9 =	vor.u32 v1, v9  }
0x2b6: {  	v56 =	vmov s31;
	v18 =	vor.u32 v8, v55;
	v8 =	vor.u32 v8, v10;
	[tilespmem:v13+s18+$0x0] =	vst.idx.msk $0xffff, v14  }
0x2b7: {  	v10 =	vor.u32 v1, v12;
	v12 =	vshll.u32 v56, $0x1;
	v13 =	vor.u32 v1, v18;
	v14 =	vld [tilespmem:s15+$0x50];
	[tilespmem:v6+s18+$0x0] =	vst.idx.msk $0xffff, v11  }
0x2b8: {  	[tilespmem:v7+s18+$0x0] =	vst.idx.msk $0xffff, v17;
	v6 =	vor.u32 s31, v0;
	v11 =	vand.u32 $0x7FFFFF00, v12;
	v8 =	vor.u32 v1, v8;
	v7 =	vld [tilespmem:s14+$0x50]  }
0x2b9: {  	v17 =	vld [tilespmem:s10+$0x50];
	v6 =	vand.u32 $0x77, v6;
	v12 =	vadd.s32 v5, v11;
	v57 =	vadd.s32 v3, v11  }
0x2ba: {  	v58 =	vadd.s32 v4, v11;
	[tilespmem:v9+s18+$0x0] =	vst.idx.msk $0xffff, v15;
	v9 =	vor.u32 v6, v57  }
0x2bb: {  	s12 =	sor.u32 $0x38, s1;
	v11 =	vadd.s32 v2, v11;
	v12 =	vor.u32 v6, v12;
	v15 =	vld [tilespmem:s9+$0x60];
	v9 =	vor.u32 v1, v9  }
0x2bc: {  	v59 =	vmov s12;
	v18 =	vor.u32 v6, v58;
	v6 =	vor.u32 v6, v11;
	[tilespmem:v13+s18+$0x0] =	vst.idx.msk $0xffff, v14  }
0x2bd: {  	v11 =	vor.u32 v1, v12;
	v12 =	vshll.u32 v59, $0x1;
	v13 =	vor.u32 v1, v18;
	v14 =	vld [tilespmem:s15+$0x60];
	[tilespmem:v8+s18+$0x0] =	vst.idx.msk $0xffff, v7  }
0x2be: {  	[tilespmem:v10+s18+$0x0] =	vst.idx.msk $0xffff, v17;
	v7 =	vor.u32 s12, v0;
	v8 =	vand.u32 $0x7FFFFF00, v12;
	v6 =	vor.u32 v1, v6;
	v10 =	vld [tilespmem:s14+$0x60]  }
0x2bf: {  	v17 =	vld [tilespmem:s10+$0x60];
	v7 =	vand.u32 $0x7F, v7;
	v12 =	vadd.s32 v5, v8;
	v60 =	vadd.s32 v3, v8  }
0x2c0: {  	v61 =	vadd.s32 v4, v8;
	[tilespmem:v9+s18+$0x0] =	vst.idx.msk $0xffff, v15;
	v9 =	vor.u32 v7, v60  }
0x2c1: {  	s24 =	sadd.s32 $0x40, s1;
	v8 =	vadd.s32 v2, v8;
	v12 =	vor.u32 v7, v12;
	v15 =	vld [tilespmem:s9+$0x70];
	v9 =	vor.u32 v1, v9  }
0x2c2: {  	v62 =	vmov s24;
	v18 =	vor.u32 v7, v61;
	v7 =	vor.u32 v7, v8;
	[tilespmem:v13+s18+$0x0] =	vst.idx.msk $0xffff, v14  }
0x2c3: {  	v8 =	vor.u32 v1, v12;
	v12 =	vshll.u32 v62, $0x1;
	v13 =	vor.u32 v1, v18;
	v14 =	vld [tilespmem:s15+$0x70];
	[tilespmem:v6+s18+$0x0] =	vst.idx.msk $0xffff, v10  }
0x2c4: {  	[tilespmem:v11+s18+$0x0] =	vst.idx.msk $0xffff, v17;
	v6 =	vor.u32 s24, v0;
	v10 =	vand.u32 $0x7FFFFF00, v12;
	v7 =	vor.u32 v1, v7;
	v11 =	vld [tilespmem:s14+$0x70]  }
0x2c5: {  	s29 =	sadd.s32 $0x3400, s0;
	v17 =	vld [tilespmem:s10+$0x70];
	v6 =	vand.u32 $0x47, v6;
	v12 =	vadd.s32 v5, v10;
	v63 =	vadd.s32 v3, v10  }
0x2c6: {  	s9 =	sor.u32 s16, s29;
	v21 =	vadd.s32 v4, v10;
	[tilespmem:v9+s18+$0x0] =	vst.idx.msk $0xffff, v15;
	v9 =	vor.u32 v6, v63  }
0x2c7: {  	s30 =	sadd.s32 $0x48, s1;
	v10 =	vadd.s32 v2, v10;
	v12 =	vor.u32 v6, v12;
	v15 =	vld [tilespmem:s9+$0x0];
	v9 =	vor.u32 v1, v9  }
0x2c8: {  	v22 =	vmov s30;
	s15 =	sor.u32 s25, s29;
	v18 =	vor.u32 v6, v21;
	v6 =	vor.u32 v6, v10;
	[tilespmem:v13+s18+$0x0] =	vst.idx.msk $0xffff, v14  }
0x2c9: {  	s10 =	sor.u32 s5, s29;
	v10 =	vor.u32 v1, v12;
	v12 =	vshll.u32 v22, $0x1;
	v13 =	vor.u32 v1, v18;
	v14 =	vld [tilespmem:s15+$0x0];
	[tilespmem:v7+s18+$0x0] =	vst.idx.msk $0xffff, v11  }
0x2ca: {  	s14 =	sor.u32 s11, s29;
	[tilespmem:v8+s18+$0x0] =	vst.idx.msk $0xffff, v17;
	v7 =	vor.u32 s30, v0;
	v11 =	vand.u32 $0x7FFFFF00, v12;
	v6 =	vor.u32 v1, v6;
	v8 =	vld [tilespmem:s10+$0x0]  }
0x2cb: {  	v17 =	vld [tilespmem:s14+$0x0];
	v7 =	vand.u32 $0x4F, v7;
	v12 =	vadd.s32 v5, v11;
	v23 =	vadd.s32 v3, v11  }
0x2cc: {  	v24 =	vadd.s32 v4, v11;
	[tilespmem:v9+s18+$0x0] =	vst.idx.msk $0xffff, v15;
	v9 =	vor.u32 v7, v23  }
0x2cd: {  	s31 =	sadd.s32 $0x50, s1;
	v11 =	vadd.s32 v2, v11;
	v12 =	vor.u32 v7, v12;
	v15 =	vld [tilespmem:s9+$0x10];
	v9 =	vor.u32 v1, v9  }
0x2ce: {  	v25 =	vmov s31;
	v18 =	vor.u32 v7, v24;
	v7 =	vor.u32 v7, v11;
	[tilespmem:v13+s18+$0x0] =	vst.idx.msk $0xffff, v14  }
0x2cf: {  	v11 =	vor.u32 v1, v12;
	v12 =	vshll.u32 v25, $0x1;
	v13 =	vor.u32 v1, v18;
	v14 =	vld [tilespmem:s15+$0x10];
	[tilespmem:v6+s18+$0x0] =	vst.idx.msk $0xffff, v8  }
0x2d0: {  	[tilespmem:v10+s18+$0x0] =	vst.idx.msk $0xffff, v17;
	v6 =	vor.u32 s31, v0;
	v8 =	vand.u32 $0x7FFFFF00, v12;
	v7 =	vor.u32 v1, v7;
	v10 =	vld [tilespmem:s10+$0x10]  }
0x2d1: {  	v17 =	vld [tilespmem:s14+$0x10];
	v6 =	vand.u32 $0x57, v6;
	v12 =	vadd.s32 v5, v8;
	v26 =	vadd.s32 v3, v8  }
0x2d2: {  	v27 =	vadd.s32 v4, v8;
	[tilespmem:v9+s18+$0x0] =	vst.idx.msk $0xffff, v15;
	v9 =	vor.u32 v6, v26  }
0x2d3: {  	s12 =	sadd.s32 $0x58, s1;
	v8 =	vadd.s32 v2, v8;
	v12 =	vor.u32 v6, v12;
	v15 =	vld [tilespmem:s9+$0x20];
	v9 =	vor.u32 v1, v9  }
0x2d4: {  	v28 =	vmov s12;
	v18 =	vor.u32 v6, v27;
	v6 =	vor.u32 v6, v8;
	[tilespmem:v13+s18+$0x0] =	vst.idx.msk $0xffff, v14  }
0x2d5: {  	v8 =	vor.u32 v1, v12;
	v12 =	vshll.u32 v28, $0x1;
	v13 =	vor.u32 v1, v18;
	v14 =	vld [tilespmem:s15+$0x20];
	[tilespmem:v7+s18+$0x0] =	vst.idx.msk $0xffff, v10  }
0x2d6: {  	[tilespmem:v11+s18+$0x0] =	vst.idx.msk $0xffff, v17;
	v7 =	vor.u32 s12, v0;
	v10 =	vand.u32 $0x7FFFFF00, v12;
	v6 =	vor.u32 v1, v6;
	v11 =	vld [tilespmem:s10+$0x20]  }
0x2d7: {  	v17 =	vld [tilespmem:s14+$0x20];
	v7 =	vand.u32 $0x5F, v7;
	v12 =	vadd.s32 v5, v10;
	v29 =	vadd.s32 v3, v10  }
0x2d8: {  	v30 =	vadd.s32 v4, v10;
	[tilespmem:v9+s18+$0x0] =	vst.idx.msk $0xffff, v15;
	v9 =	vor.u32 v7, v29  }
0x2d9: {  	s24 =	sadd.s32 $0x60, s1;
	v10 =	vadd.s32 v2, v10;
	v12 =	vor.u32 v7, v12;
	v15 =	vld [tilespmem:s9+$0x30];
	v9 =	vor.u32 v1, v9  }
0x2da: {  	v31 =	vmov s24;
	v18 =	vor.u32 v7, v30;
	v7 =	vor.u32 v7, v10;
	[tilespmem:v13+s18+$0x0] =	vst.idx.msk $0xffff, v14  }
0x2db: {  	v10 =	vor.u32 v1, v12;
	v12 =	vshll.u32 v31, $0x1;
	v13 =	vor.u32 v1, v18;
	v14 =	vld [tilespmem:s15+$0x30];
	[tilespmem:v6+s18+$0x0] =	vst.idx.msk $0xffff, v11  }
0x2dc: {  	[tilespmem:v8+s18+$0x0] =	vst.idx.msk $0xffff, v17;
	v6 =	vor.u32 s24, v0;
	v11 =	vand.u32 $0x7FFFFF00, v12;
	v7 =	vor.u32 v1, v7;
	v8 =	vld [tilespmem:s10+$0x30]  }
0x2dd: {  	v17 =	vld [tilespmem:s14+$0x30];
	v6 =	vand.u32 $0x67, v6;
	v12 =	vadd.s32 v5, v11;
	v32 =	vadd.s32 v3, v11  }
0x2de: {  	v33 =	vadd.s32 v4, v11;
	[tilespmem:v9+s18+$0x0] =	vst.idx.msk $0xffff, v15;
	v9 =	vor.u32 v6, v32  }
0x2df: {  	s29 =	sadd.s32 $0x68, s1;
	v11 =	vadd.s32 v2, v11;
	v12 =	vor.u32 v6, v12;
	v15 =	vld [tilespmem:s9+$0x40];
	v9 =	vor.u32 v1, v9  }
0x2e0: {  	v34 =	vmov s29;
	v18 =	vor.u32 v6, v33;
	v6 =	vor.u32 v6, v11;
	[tilespmem:v13+s18+$0x0] =	vst.idx.msk $0xffff, v14  }
0x2e1: {  	v11 =	vor.u32 v1, v12;
	v12 =	vshll.u32 v34, $0x1;
	v13 =	vor.u32 v1, v18;
	v14 =	vld [tilespmem:s15+$0x40];
	[tilespmem:v7+s18+$0x0] =	vst.idx.msk $0xffff, v8  }
0x2e2: {  	[tilespmem:v10+s18+$0x0] =	vst.idx.msk $0xffff, v17;
	v7 =	vor.u32 s29, v0;
	v8 =	vand.u32 $0x7FFFFF00, v12;
	v6 =	vor.u32 v1, v6;
	v10 =	vld [tilespmem:s10+$0x40]  }
0x2e3: {  	v17 =	vld [tilespmem:s14+$0x40];
	v7 =	vand.u32 $0x6F, v7;
	v12 =	vadd.s32 v5, v8;
	v35 =	vadd.s32 v3, v8  }
0x2e4: {  	v36 =	vadd.s32 v4, v8;
	[tilespmem:v9+s18+$0x0] =	vst.idx.msk $0xffff, v15;
	v9 =	vor.u32 v7, v35  }
0x2e5: {  	s30 =	sadd.s32 $0x70, s1;
	v8 =	vadd.s32 v2, v8;
	v12 =	vor.u32 v7, v12;
	v15 =	vld [tilespmem:s9+$0x50];
	v9 =	vor.u32 v1, v9  }
0x2e6: {  	v37 =	vmov s30;
	v18 =	vor.u32 v7, v36;
	v7 =	vor.u32 v7, v8;
	[tilespmem:v13+s18+$0x0] =	vst.idx.msk $0xffff, v14  }
0x2e7: {  	v8 =	vor.u32 v1, v12;
	v12 =	vshll.u32 v37, $0x1;
	v13 =	vor.u32 v1, v18;
	v14 =	vld [tilespmem:s15+$0x50];
	[tilespmem:v6+s18+$0x0] =	vst.idx.msk $0xffff, v10  }
0x2e8: {  	[tilespmem:v11+s18+$0x0] =	vst.idx.msk $0xffff, v17;
	v6 =	vor.u32 s30, v0;
	v10 =	vand.u32 $0x7FFFFF00, v12;
	v7 =	vor.u32 v1, v7;
	v11 =	vld [tilespmem:s10+$0x50]  }
0x2e9: {  	v17 =	vld [tilespmem:s14+$0x50];
	v6 =	vand.u32 $0x77, v6;
	v12 =	vadd.s32 v5, v10;
	v38 =	vadd.s32 v3, v10  }
0x2ea: {  	v39 =	vadd.s32 v4, v10;
	[tilespmem:v9+s18+$0x0] =	vst.idx.msk $0xffff, v15;
	v9 =	vor.u32 v6, v38  }
0x2eb: {  	s31 =	sadd.s32 $0x78, s1;
	v10 =	vadd.s32 v2, v10;
	v12 =	vor.u32 v6, v12;
	v15 =	vld [tilespmem:s9+$0x60];
	v9 =	vor.u32 v1, v9  }
0x2ec: {  	v40 =	vmov s31;
	v18 =	vor.u32 v6, v39;
	v6 =	vor.u32 v6, v10;
	[tilespmem:v13+s18+$0x0] =	vst.idx.msk $0xffff, v14  }
0x2ed: {  	v10 =	vor.u32 v1, v12;
	v12 =	vshll.u32 v40, $0x1;
	v13 =	vor.u32 v1, v18;
	v14 =	vld [tilespmem:s15+$0x60];
	[tilespmem:v7+s18+$0x0] =	vst.idx.msk $0xffff, v11  }
0x2ee: {  	[tilespmem:v8+s18+$0x0] =	vst.idx.msk $0xffff, v17;
	v7 =	vor.u32 s31, v0;
	v11 =	vand.u32 $0x7FFFFF00, v12;
	v6 =	vor.u32 v1, v6;
	v8 =	vld [tilespmem:s10+$0x60]  }
0x2ef: {  	v17 =	vld [tilespmem:s14+$0x60];
	v7 =	vand.u32 $0x7F, v7;
	v12 =	vadd.s32 v5, v11;
	v41 =	vadd.s32 v3, v11  }
0x2f0: {  	v42 =	vadd.s32 v4, v11;
	[tilespmem:v9+s18+$0x0] =	vst.idx.msk $0xffff, v15;
	v9 =	vor.u32 v7, v41  }
0x2f1: {  	s12 =	sadd.s32 $0x80, s1;
	v11 =	vadd.s32 v2, v11;
	v12 =	vor.u32 v7, v12;
	v15 =	vld [tilespmem:s9+$0x70];
	v9 =	vor.u32 v1, v9  }
0x2f2: {  	v43 =	vmov s12;
	v18 =	vor.u32 v7, v42;
	v7 =	vor.u32 v7, v11;
	[tilespmem:v13+s18+$0x0] =	vst.idx.msk $0xffff, v14  }
0x2f3: {  	v11 =	vor.u32 v1, v12;
	v12 =	vshll.u32 v43, $0x1;
	v13 =	vor.u32 v1, v18;
	v14 =	vld [tilespmem:s15+$0x70];
	[tilespmem:v6+s18+$0x0] =	vst.idx.msk $0xffff, v8  }
0x2f4: {  	[tilespmem:v10+s18+$0x0] =	vst.idx.msk $0xffff, v17;
	v6 =	vor.u32 s12, v0;
	v8 =	vand.u32 $0x7FFFFF00, v12;
	v7 =	vor.u32 v1, v7;
	v10 =	vld [tilespmem:s10+$0x70]  }
0x2f5: {  	s15 =	sadd.s32 $0x3800, s0;
	v17 =	vld [tilespmem:s14+$0x70];
	v6 =	vand.u32 $0x47, v6;
	v12 =	vadd.s32 v5, v8;
	v44 =	vadd.s32 v3, v8  }
0x2f6: {  	v45 =	vadd.s32 v4, v8;
	s14 =	sor.u32 s16, s15;
	[tilespmem:v9+s18+$0x0] =	vst.idx.msk $0xffff, v15;
	v9 =	vor.u32 v6, v44  }
0x2f7: {  	s16 =	sadd.s32 $0x88, s1;
	v8 =	vadd.s32 v2, v8;
	v12 =	vor.u32 v6, v12;
	v15 =	vld [tilespmem:s14+$0x0];
	v9 =	vor.u32 v1, v9  }
0x2f8: {  	s0 =	sor.u32 s25, s15;
	v46 =	vmov s16;
	v18 =	vor.u32 v6, v45;
	v6 =	vor.u32 v6, v8;
	[tilespmem:v13+s18+$0x0] =	vst.idx.msk $0xffff, v14  }
0x2f9: {  	s5 =	sor.u32 s5, s15;
	v8 =	vor.u32 v1, v12;
	v12 =	vshll.u32 v46, $0x1;
	v13 =	vor.u32 v1, v18;
	v14 =	vld [tilespmem:s0+$0x0];
	[tilespmem:v7+s18+$0x0] =	vst.idx.msk $0xffff, v10  }
0x2fa: {  	s11 =	sor.u32 s11, s15;
	[tilespmem:v11+s18+$0x0] =	vst.idx.msk $0xffff, v17;
	v7 =	vor.u32 s16, v0;
	v10 =	vand.u32 $0x7FFFFF00, v12;
	v6 =	vor.u32 v1, v6;
	v11 =	vld [tilespmem:s5+$0x0]  }
0x2fb: {  	v17 =	vld [tilespmem:s11+$0x0];
	v7 =	vand.u32 $0x4F, v7;
	v12 =	vadd.s32 v5, v10;
	v47 =	vadd.s32 v3, v10  }
0x2fc: {  	v48 =	vadd.s32 v4, v10;
	[tilespmem:v9+s18+$0x0] =	vst.idx.msk $0xffff, v15;
	v9 =	vor.u32 v7, v47  }
0x2fd: {  	s24 =	sadd.s32 $0x90, s1;
	v10 =	vadd.s32 v2, v10;
	v12 =	vor.u32 v7, v12;
	v15 =	vld [tilespmem:s14+$0x10];
	v9 =	vor.u32 v1, v9  }
0x2fe: {  	v49 =	vmov s24;
	v18 =	vor.u32 v7, v48;
	v7 =	vor.u32 v7, v10;
	[tilespmem:v13+s18+$0x0] =	vst.idx.msk $0xffff, v14  }
0x2ff: {  	v10 =	vor.u32 v1, v12;
	v12 =	vshll.u32 v49, $0x1;
	v13 =	vor.u32 v1, v18;
	v14 =	vld [tilespmem:s0+$0x10];
	[tilespmem:v6+s18+$0x0] =	vst.idx.msk $0xffff, v11  }
0x300: {  	[tilespmem:v8+s18+$0x0] =	vst.idx.msk $0xffff, v17;
	v6 =	vor.u32 s24, v0;
	v11 =	vand.u32 $0x7FFFFF00, v12;
	v7 =	vor.u32 v1, v7;
	v8 =	vld [tilespmem:s5+$0x10]  }
0x301: {  	v17 =	vld [tilespmem:s11+$0x10];
	v6 =	vand.u32 $0x57, v6;
	v12 =	vadd.s32 v5, v11;
	v50 =	vadd.s32 v3, v11  }
0x302: {  	v51 =	vadd.s32 v4, v11;
	[tilespmem:v9+s18+$0x0] =	vst.idx.msk $0xffff, v15;
	v9 =	vor.u32 v6, v50  }
0x303: {  	s25 =	sadd.s32 $0x98, s1;
	v11 =	vadd.s32 v2, v11;
	v12 =	vor.u32 v6, v12;
	v15 =	vld [tilespmem:s14+$0x20];
	v9 =	vor.u32 v1, v9  }
0x304: {  	v52 =	vmov s25;
	v18 =	vor.u32 v6, v51;
	v6 =	vor.u32 v6, v11;
	[tilespmem:v13+s18+$0x0] =	vst.idx.msk $0xffff, v14  }
0x305: {  	v11 =	vor.u32 v1, v12;
	v12 =	vshll.u32 v52, $0x1;
	v13 =	vor.u32 v1, v18;
	v14 =	vld [tilespmem:s0+$0x20];
	[tilespmem:v7+s18+$0x0] =	vst.idx.msk $0xffff, v8  }
0x306: {  	[tilespmem:v10+s18+$0x0] =	vst.idx.msk $0xffff, v17;
	v7 =	vor.u32 s25, v0;
	v8 =	vand.u32 $0x7FFFFF00, v12;
	v6 =	vor.u32 v1, v6;
	v10 =	vld [tilespmem:s5+$0x20]  }
0x307: {  	v17 =	vld [tilespmem:s11+$0x20];
	v7 =	vand.u32 $0x5F, v7;
	v12 =	vadd.s32 v5, v8;
	v53 =	vadd.s32 v3, v8  }
0x308: {  	v54 =	vadd.s32 v4, v8;
	[tilespmem:v9+s18+$0x0] =	vst.idx.msk $0xffff, v15;
	v9 =	vor.u32 v7, v53  }
0x309: {  	s29 =	sadd.s32 $0xA0, s1;
	v8 =	vadd.s32 v2, v8;
	v12 =	vor.u32 v7, v12;
	v15 =	vld [tilespmem:s14+$0x30];
	v9 =	vor.u32 v1, v9  }
0x30a: {  	v55 =	vmov s29;
	v18 =	vor.u32 v7, v54;
	v7 =	vor.u32 v7, v8;
	[tilespmem:v13+s18+$0x0] =	vst.idx.msk $0xffff, v14  }
0x30b: {  	v8 =	vor.u32 v1, v12;
	v12 =	vshll.u32 v55, $0x1;
	v13 =	vor.u32 v1, v18;
	v14 =	vld [tilespmem:s0+$0x30];
	[tilespmem:v6+s18+$0x0] =	vst.idx.msk $0xffff, v10  }
0x30c: {  	[tilespmem:v11+s18+$0x0] =	vst.idx.msk $0xffff, v17;
	v6 =	vor.u32 s29, v0;
	v10 =	vand.u32 $0x7FFFFF00, v12;
	v7 =	vor.u32 v1, v7;
	v11 =	vld [tilespmem:s5+$0x30]  }
0x30d: {  	v17 =	vld [tilespmem:s11+$0x30];
	v6 =	vand.u32 $0x67, v6;
	v12 =	vadd.s32 v5, v10;
	v56 =	vadd.s32 v3, v10  }
0x30e: {  	v57 =	vadd.s32 v4, v10;
	[tilespmem:v9+s18+$0x0] =	vst.idx.msk $0xffff, v15;
	v9 =	vor.u32 v6, v56  }
0x30f: {  	s30 =	sadd.s32 $0xA8, s1;
	v10 =	vadd.s32 v2, v10;
	v12 =	vor.u32 v6, v12;
	v15 =	vld [tilespmem:s14+$0x40];
	v9 =	vor.u32 v1, v9  }
0x310: {  	v58 =	vmov s30;
	v18 =	vor.u32 v6, v57;
	v6 =	vor.u32 v6, v10;
	[tilespmem:v13+s18+$0x0] =	vst.idx.msk $0xffff, v14  }
0x311: {  	v10 =	vor.u32 v1, v12;
	v12 =	vshll.u32 v58, $0x1;
	v13 =	vor.u32 v1, v18;
	v14 =	vld [tilespmem:s0+$0x40];
	[tilespmem:v7+s18+$0x0] =	vst.idx.msk $0xffff, v11  }
0x312: {  	[tilespmem:v8+s18+$0x0] =	vst.idx.msk $0xffff, v17;
	v7 =	vor.u32 s30, v0;
	v11 =	vand.u32 $0x7FFFFF00, v12;
	v6 =	vor.u32 v1, v6;
	v8 =	vld [tilespmem:s5+$0x40]  }
0x313: {  	v17 =	vld [tilespmem:s11+$0x40];
	v7 =	vand.u32 $0x6F, v7;
	v12 =	vadd.s32 v5, v11;
	v59 =	vadd.s32 v3, v11  }
0x314: {  	v60 =	vadd.s32 v4, v11;
	[tilespmem:v9+s18+$0x0] =	vst.idx.msk $0xffff, v15;
	v9 =	vor.u32 v7, v59  }
0x315: {  	s31 =	sadd.s32 $0xB0, s1;
	v11 =	vadd.s32 v2, v11;
	v12 =	vor.u32 v7, v12;
	v15 =	vld [tilespmem:s14+$0x50];
	v9 =	vor.u32 v1, v9  }
0x316: {  	v61 =	vmov s31;
	v18 =	vor.u32 v7, v60;
	v12 =	vor.u32 v1, v12;
	[tilespmem:v13+s18+$0x0] =	vst.idx.msk $0xffff, v14  }
0x317: {  	v7 =	vor.u32 v7, v11;
	v11 =	vshll.u32 v61, $0x1;
	v13 =	vor.u32 v1, v18;
	v14 =	vld [tilespmem:s0+$0x50];
	[tilespmem:v6+s18+$0x0] =	vst.idx.msk $0xffff, v8  }
0x318: {  	[tilespmem:v10+s18+$0x0] =	vst.idx.msk $0xffff, v17;
	v6 =	vor.u32 s31, v0;
	v8 =	vand.u32 $0x7FFFFF00, v11;
	v7 =	vor.u32 v1, v7;
	v62 =	vld [tilespmem:s5+$0x50]  }
0x319: {  	v17 =	vld [tilespmem:s11+$0x50];
	v6 =	vand.u32 $0x77, v6;
	v10 =	vadd.s32 v5, v8;
	v11 =	vadd.s32 v3, v8  }
0x31a: {  	v63 =	vadd.s32 v4, v8;
	[tilespmem:v9+s18+$0x0] =	vst.idx.msk $0xffff, v15;
	v9 =	vor.u32 v6, v11  }
0x31b: {  	s1 =	sadd.s32 $0xB8, s1;
	v8 =	vadd.s32 v2, v8;
	v10 =	vor.u32 v6, v10;
	v15 =	vld [tilespmem:s14+$0x60];
	v19 =	vor.u32 v1, v9  }
0x31c: {  	v8 =	vor.u32 v6, v8;
	v11 =	vor.u32 v6, v63;
	[tilespmem:v13+s18+$0x0] =	vst.idx.msk $0xffff, v14;
	v9 =	vmov s1  }
0x31d: {  	v6 =	vor.u32 v1, v10;
	v11 =	vor.u32 v1, v11;
	v10 =	vld [tilespmem:s0+$0x60];
	[tilespmem:v7+s18+$0x0] =	vst.idx.msk $0xffff, v62;
	v9 =	vshll.u32 v9, $0x1  }
0x31e: {  	v14 =	vor.u32 s1, v0;
	[tilespmem:v12+s18+$0x0] =	vst.idx.msk $0xffff, v17;
	v7 =	vor.u32 v1, v8;
	v8 =	vld [tilespmem:s5+$0x60];
	v13 =	vand.u32 $0x7FFFFF00, v9  }
0x31f: {  	v12 =	vand.u32 $0x7F, v14;
	v9 =	vld [tilespmem:s11+$0x60];
	v14 =	vadd.s32 v5, v13;
	v5 =	vadd.s32 v3, v13  }
0x320: {  	v3 =	vadd.s32 v4, v13;
	v4 =	vor.u32 v12, v5;
	[tilespmem:v19+s18+$0x0] =	vst.idx.msk $0xffff, v15  }
.LBB2_9:
0x321: {  	s28 =	sadd.s32 $0x4, s28;
	v5 =	vor.u32 v12, v14;
	v2 =	vadd.s32 v2, v13;
	v13 =	vld [tilespmem:s14+$0x70];
	v4 =	vor.u32 v1, v4  }
0x322: {  	v3 =	vor.u32 v12, v3;
	s8 =	sand.u32 $0x4, s28;
	p1 =	slt.u32 s28, $0xC;
	[tilespmem:v11+s18+$0x0] =	vst.idx.msk $0xffff, v10;
	v10 =	vor.u32 v12, v2  }
0x323: {  	s9 =	sshrl.u32 s28, $0x3;
	v11 =	vor.u32 v1, v5;
	v14 =	vor.u32 v1, v3;
	v2 =	vmov s8;
	s10 =	sor.u32 $0x1, s8;
	s12 =	sor.u32 $0x3, s8;
	v12 =	vld [tilespmem:s0+$0x70];
	[tilespmem:v7+s18+$0x0] =	vst.idx.msk $0xffff, v8  }
0x324: {  	s1 =	smul.u32 $0xC0, s9;
	v2 =	vmul.u32 $0x300, v2;
	v3 =	vmov s10;
	s0 =	sshll.u32 s10, $0x7;
	s10 =	sor.u32 $0x2, s8;
	v5 =	vmov s12;
	[tilespmem:v6+s18+$0x0] =	vst.idx.msk $0xffff, v9;
	v6 =	vld [tilespmem:s5+$0x70]  }
0x325: {  	s5 =	sshll.u32 s8, $0x7;
	s8 =	smul.u32 $0x3000, s9;
	v7 =	vmul.u32 $0x300, v3;
	v8 =	vmov s10;
	s16 =	sshll.u32 s10, $0x7;
	v5 =	vmul.u32 $0x300, v5;
	v9 =	vld [tilespmem:s11+$0x70]  }
0x326: {  	v15 =	vmov s1;
	v3 =	vbroadcast v2, $0x0;
	v2 =	vmul.u32 $0x300, v8;
	[tilespmem:v4+s18+$0x0] =	vst.idx.msk $0xffff, v13  }
0x327: {  	s11 =	sshra.s32 s8, $0x2;
	v8 =	vor.u32 s1, v0;
	v13 =	vshll.u32 v15, $0x1;
	v4 =	vbroadcast v5, $0x0  }
0x328: {  	s25 =	sshll.u32 s12, $0x7;
	s8 =	sadd.s32 $0x3000, s11;
	v8 =	vand.u32 $0x47, v8;
	v13 =	vand.u32 $0x100, v13;
	v5 =	vbroadcast v7, $0x0;
	[tilespmem:v14+s18+$0x0] =	vst.idx.msk $0xffff, v12  }
0x329: {  	s14 =	sor.u32 s5, s8;
	v7 =	vor.u32 v1, v8;
	s9 =	sor.u32 s0, s8;
	v2 =	vbroadcast v2, $0x0;
	s10 =	sor.u32 s25, s8;
	v8 =	vadd.s32 v4, v13  }
0x32a: {  	s12 =	sor.u32 $0x8, s1;
	s15 =	sor.u32 s16, s8;
	v12 =	vor.u32 v3, v7;
	v14 =	vadd.s32 v5, v13;
	v15 =	vld [tilespmem:s10+$0x0];
	v8 =	vor.u32 v8, v7  }
0x32b: {  	v17 =	vmov s12;
	v14 =	vor.u32 v14, v7;
	v7 =	vor.u32 v2, v7;
	v16 =	vld [tilespmem:s14+$0x0];
	[tilespmem:v11+s18+$0x0] =	vst.idx.msk $0xffff, v9  }
0x32c: {  	v9 =	vor.u32 v13, v12;
	v11 =	vshll.u32 v17, $0x1;
	v7 =	vor.u32 v13, v7;
	v12 =	vld [tilespmem:s9+$0x0]  }
0x32d: {  	v10 =	vor.u32 v1, v10;
	v13 =	vor.u32 s12, v0;
	v11 =	vand.u32 $0x7FFFFF00, v11;
	v17 =	vld [tilespmem:s15+$0x0]  }
0x32e: {  	v13 =	vand.u32 $0x4F, v13;
	v18 =	vadd.s32 v3, v11;
	v19 =	vadd.s32 v4, v11  }
0x32f: {  	v20 =	vadd.s32 v5, v11;
	[tilespmem:v8+s18+$0x0] =	vst.idx.msk $0xffff, v15;
	v8 =	vor.u32 v13, v19  }
0x330: {  	s8 =	sor.u32 $0x10, s1;
	v11 =	vadd.s32 v2, v11;
	v15 =	vor.u32 v13, v18;
	v18 =	vld [tilespmem:s10+$0x10];
	v8 =	vor.u32 v1, v8  }
0x331: {  	v11 =	vor.u32 v13, v11;
	v19 =	vmov s8;
	[tilespmem:v14+s18+$0x0] =	vst.idx.msk $0xffff, v12;
	v12 =	vor.u32 v13, v20  }
0x332: {  	v13 =	vor.u32 v1, v15;
	v14 =	vshll.u32 v19, $0x1;
	v15 =	vld [tilespmem:s9+$0x10];
	v12 =	vor.u32 v1, v12;
	[tilespmem:v7+s18+$0x0] =	vst.idx.msk $0xffff, v17  }
0x333: {  	v11 =	vor.u32 v1, v11;
	v7 =	vor.u32 s8, v0;
	[tilespmem:v9+s18+$0x0] =	vst.idx.msk $0xffff, v16;
	v9 =	vand.u32 $0x7FFFFF00, v14;
	v14 =	vld [tilespmem:s15+$0x10]  }
0x334: {  	v7 =	vand.u32 $0x57, v7;
	v16 =	vld [tilespmem:s14+$0x10];
	v17 =	vadd.s32 v3, v9;
	v19 =	vadd.s32 v4, v9;
	[tilespmem:v10+s18+$0x0] =	vst.idx.msk $0xffff, v6  }
0x335: {  	v6 =	vadd.s32 v5, v9;
	[tilespmem:v8+s18+$0x0] =	vst.idx.msk $0xffff, v18;
	v8 =	vor.u32 v7, v19  }
0x336: {  	s8 =	sor.u32 $0x18, s1;
	v9 =	vadd.s32 v2, v9;
	v10 =	vor.u32 v7, v17;
	v17 =	vld [tilespmem:s10+$0x20];
	v8 =	vor.u32 v1, v8  }
0x337: {  	v18 =	vmov s8;
	v6 =	vor.u32 v7, v6;
	v7 =	vor.u32 v7, v9;
	[tilespmem:v12+s18+$0x0] =	vst.idx.msk $0xffff, v15  }
0x338: {  	v9 =	vor.u32 v1, v10;
	v10 =	vshll.u32 v18, $0x1;
	v6 =	vor.u32 v1, v6;
	v12 =	vld [tilespmem:s9+$0x20];
	[tilespmem:v11+s18+$0x0] =	vst.idx.msk $0xffff, v14  }
0x339: {  	v7 =	vor.u32 v1, v7;
	v10 =	vand.u32 $0x7FFFFF00, v10;
	v11 =	vor.u32 s8, v0;
	[tilespmem:v13+s18+$0x0] =	vst.idx.msk $0xffff, v16;
	v13 =	vld [tilespmem:s15+$0x20]  }
0x33a: {  	v15 =	vadd.s32 v3, v10;
	v11 =	vand.u32 $0x5F, v11;
	v16 =	vadd.s32 v4, v10;
	v14 =	vld [tilespmem:s14+$0x20]  }
0x33b: {  	v18 =	vadd.s32 v5, v10;
	[tilespmem:v8+s18+$0x0] =	vst.idx.msk $0xffff, v17;
	v8 =	vor.u32 v11, v16  }
0x33c: {  	s8 =	sor.u32 $0x20, s1;
	v10 =	vadd.s32 v2, v10;
	v15 =	vor.u32 v11, v15;
	v16 =	vld [tilespmem:s10+$0x30];
	v8 =	vor.u32 v1, v8  }
0x33d: {  	v10 =	vor.u32 v11, v10;
	v17 =	vmov s8;
	[tilespmem:v6+s18+$0x0] =	vst.idx.msk $0xffff, v12;
	v6 =	vor.u32 v11, v18  }
0x33e: {  	v11 =	vor.u32 v1, v15;
	v12 =	vshll.u32 v17, $0x1;
	v15 =	vld [tilespmem:s9+$0x30];
	v6 =	vor.u32 v1, v6;
	[tilespmem:v7+s18+$0x0] =	vst.idx.msk $0xffff, v13  }
0x33f: {  	v10 =	vor.u32 v1, v10;
	v7 =	vor.u32 s8, v0;
	[tilespmem:v9+s18+$0x0] =	vst.idx.msk $0xffff, v14;
	v9 =	vand.u32 $0x7FFFFF00, v12;
	v12 =	vld [tilespmem:s15+$0x30]  }
0x340: {  	v7 =	vand.u32 $0x67, v7;
	v13 =	vld [tilespmem:s14+$0x30];
	v14 =	vadd.s32 v3, v9;
	v17 =	vadd.s32 v4, v9  }
0x341: {  	v18 =	vadd.s32 v5, v9;
	[tilespmem:v8+s18+$0x0] =	vst.idx.msk $0xffff, v16;
	v8 =	vor.u32 v7, v17  }
0x342: {  	s8 =	sor.u32 $0x28, s1;
	v9 =	vadd.s32 v2, v9;
	v14 =	vor.u32 v7, v14;
	v16 =	vld [tilespmem:s10+$0x40];
	v8 =	vor.u32 v1, v8  }
0x343: {  	v17 =	vmov s8;
	[tilespmem:v6+s18+$0x0] =	vst.idx.msk $0xffff, v15;
	v6 =	vor.u32 v7, v18;
	v7 =	vor.u32 v7, v9  }
0x344: {  	v9 =	vor.u32 v1, v14;
	v14 =	vshll.u32 v17, $0x1;
	v15 =	vld [tilespmem:s9+$0x40];
	v6 =	vor.u32 v1, v6;
	[tilespmem:v10+s18+$0x0] =	vst.idx.msk $0xffff, v12  }
0x345: {  	v10 =	vor.u32 s8, v0;
	v7 =	vor.u32 v1, v7;
	[tilespmem:v11+s18+$0x0] =	vst.idx.msk $0xffff, v13;
	v11 =	vand.u32 $0x7FFFFF00, v14;
	v12 =	vld [tilespmem:s15+$0x40]  }
0x346: {  	v10 =	vand.u32 $0x6F, v10;
	v13 =	vld [tilespmem:s14+$0x40];
	v14 =	vadd.s32 v3, v11;
	v17 =	vadd.s32 v4, v11  }
0x347: {  	v18 =	vadd.s32 v5, v11;
	[tilespmem:v8+s18+$0x0] =	vst.idx.msk $0xffff, v16;
	v8 =	vor.u32 v10, v17  }
0x348: {  	s8 =	sor.u32 $0x30, s1;
	v11 =	vadd.s32 v2, v11;
	v14 =	vor.u32 v10, v14;
	v16 =	vld [tilespmem:s10+$0x50];
	v8 =	vor.u32 v1, v8  }
0x349: {  	v17 =	vmov s8;
	[tilespmem:v6+s18+$0x0] =	vst.idx.msk $0xffff, v15;
	v6 =	vor.u32 v10, v18;
	v10 =	vor.u32 v10, v11  }
0x34a: {  	v11 =	vor.u32 v1, v14;
	v14 =	vshll.u32 v17, $0x1;
	v15 =	vld [tilespmem:s9+$0x50];
	v6 =	vor.u32 v1, v6;
	[tilespmem:v7+s18+$0x0] =	vst.idx.msk $0xffff, v12  }
0x34b: {  	v7 =	vor.u32 s8, v0;
	v10 =	vor.u32 v1, v10;
	[tilespmem:v9+s18+$0x0] =	vst.idx.msk $0xffff, v13;
	v9 =	vand.u32 $0x7FFFFF00, v14;
	v12 =	vld [tilespmem:s15+$0x50]  }
0x34c: {  	v7 =	vand.u32 $0x77, v7;
	v13 =	vld [tilespmem:s14+$0x50];
	v14 =	vadd.s32 v3, v9;
	v17 =	vadd.s32 v4, v9  }
0x34d: {  	v18 =	vadd.s32 v5, v9;
	[tilespmem:v8+s18+$0x0] =	vst.idx.msk $0xffff, v16;
	v8 =	vor.u32 v7, v17  }
0x34e: {  	s8 =	sor.u32 $0x38, s1;
	v9 =	vadd.s32 v2, v9;
	v14 =	vor.u32 v7, v14;
	v16 =	vld [tilespmem:s10+$0x60];
	v8 =	vor.u32 v1, v8  }
0x34f: {  	v17 =	vmov s8;
	[tilespmem:v6+s18+$0x0] =	vst.idx.msk $0xffff, v15;
	v6 =	vor.u32 v7, v18;
	v7 =	vor.u32 v7, v9  }
0x350: {  	v9 =	vor.u32 v1, v14;
	v14 =	vshll.u32 v17, $0x1;
	v15 =	vld [tilespmem:s9+$0x60];
	v6 =	vor.u32 v1, v6;
	[tilespmem:v10+s18+$0x0] =	vst.idx.msk $0xffff, v12  }
0x351: {  	v10 =	vor.u32 s8, v0;
	v7 =	vor.u32 v1, v7;
	[tilespmem:v11+s18+$0x0] =	vst.idx.msk $0xffff, v13;
	v11 =	vand.u32 $0x7FFFFF00, v14;
	v12 =	vld [tilespmem:s15+$0x60]  }
0x352: {  	v10 =	vand.u32 $0x7F, v10;
	v13 =	vld [tilespmem:s14+$0x60];
	v14 =	vadd.s32 v3, v11;
	v17 =	vadd.s32 v4, v11  }
0x353: {  	v18 =	vadd.s32 v5, v11;
	[tilespmem:v8+s18+$0x0] =	vst.idx.msk $0xffff, v16;
	v8 =	vor.u32 v10, v17  }
0x354: {  	s8 =	sadd.s32 $0x40, s1;
	v11 =	vadd.s32 v2, v11;
	v14 =	vor.u32 v10, v14;
	v16 =	vld [tilespmem:s10+$0x70];
	v8 =	vor.u32 v1, v8  }
0x355: {  	v17 =	vmov s8;
	[tilespmem:v6+s18+$0x0] =	vst.idx.msk $0xffff, v15;
	v6 =	vor.u32 v10, v18;
	v10 =	vor.u32 v10, v11  }
0x356: {  	v11 =	vor.u32 v1, v14;
	v14 =	vshll.u32 v17, $0x1;
	v15 =	vld [tilespmem:s9+$0x70];
	v6 =	vor.u32 v1, v6;
	[tilespmem:v7+s18+$0x0] =	vst.idx.msk $0xffff, v12  }
0x357: {  	v7 =	vor.u32 s8, v0;
	v10 =	vor.u32 v1, v10;
	[tilespmem:v9+s18+$0x0] =	vst.idx.msk $0xffff, v13;
	v9 =	vand.u32 $0x7FFFFF00, v14;
	v12 =	vld [tilespmem:s15+$0x70]  }
0x358: {  	s8 =	sadd.s32 $0x3400, s11;
	v7 =	vand.u32 $0x47, v7;
	v13 =	vld [tilespmem:s14+$0x70];
	v14 =	vadd.s32 v3, v9;
	v17 =	vadd.s32 v4, v9  }
0x359: {  	s15 =	sor.u32 s0, s8;
	s10 =	sor.u32 s25, s8;
	s14 =	sor.u32 s5, s8;
	v18 =	vadd.s32 v5, v9;
	[tilespmem:v8+s18+$0x0] =	vst.idx.msk $0xffff, v16;
	v8 =	vor.u32 v7, v17  }
0x35a: {  	s12 =	sadd.s32 $0x48, s1;
	s9 =	sor.u32 s16, s8;
	v9 =	vadd.s32 v2, v9;
	v14 =	vor.u32 v7, v14;
	v16 =	vld [tilespmem:s10+$0x0];
	v8 =	vor.u32 v1, v8  }
0x35b: {  	v17 =	vmov s12;
	[tilespmem:v6+s18+$0x0] =	vst.idx.msk $0xffff, v15;
	v6 =	vor.u32 v7, v18;
	v7 =	vor.u32 v7, v9  }
0x35c: {  	v9 =	vor.u32 v1, v14;
	v14 =	vshll.u32 v17, $0x1;
	v15 =	vld [tilespmem:s15+$0x0];
	v6 =	vor.u32 v1, v6;
	[tilespmem:v10+s18+$0x0] =	vst.idx.msk $0xffff, v12  }
0x35d: {  	v10 =	vor.u32 s12, v0;
	v7 =	vor.u32 v1, v7;
	[tilespmem:v11+s18+$0x0] =	vst.idx.msk $0xffff, v13;
	v11 =	vand.u32 $0x7FFFFF00, v14;
	v12 =	vld [tilespmem:s9+$0x0]  }
0x35e: {  	v10 =	vand.u32 $0x4F, v10;
	v13 =	vld [tilespmem:s14+$0x0];
	v14 =	vadd.s32 v3, v11;
	v17 =	vadd.s32 v4, v11  }
0x35f: {  	v18 =	vadd.s32 v5, v11;
	[tilespmem:v8+s18+$0x0] =	vst.idx.msk $0xffff, v16;
	v8 =	vor.u32 v10, v17  }
0x360: {  	s8 =	sadd.s32 $0x50, s1;
	v11 =	vadd.s32 v2, v11;
	v14 =	vor.u32 v10, v14;
	v16 =	vld [tilespmem:s10+$0x10];
	v8 =	vor.u32 v1, v8  }
0x361: {  	v17 =	vmov s8;
	[tilespmem:v6+s18+$0x0] =	vst.idx.msk $0xffff, v15;
	v6 =	vor.u32 v10, v18;
	v10 =	vor.u32 v10, v11  }
0x362: {  	v11 =	vor.u32 v1, v14;
	v14 =	vshll.u32 v17, $0x1;
	v15 =	vld [tilespmem:s15+$0x10];
	v6 =	vor.u32 v1, v6;
	[tilespmem:v7+s18+$0x0] =	vst.idx.msk $0xffff, v12  }
0x363: {  	v7 =	vor.u32 s8, v0;
	v10 =	vor.u32 v1, v10;
	[tilespmem:v9+s18+$0x0] =	vst.idx.msk $0xffff, v13;
	v9 =	vand.u32 $0x7FFFFF00, v14;
	v12 =	vld [tilespmem:s9+$0x10]  }
0x364: {  	v7 =	vand.u32 $0x57, v7;
	v13 =	vld [tilespmem:s14+$0x10];
	v14 =	vadd.s32 v3, v9;
	v17 =	vadd.s32 v4, v9  }
0x365: {  	v18 =	vadd.s32 v5, v9;
	[tilespmem:v8+s18+$0x0] =	vst.idx.msk $0xffff, v16;
	v8 =	vor.u32 v7, v17  }
0x366: {  	s8 =	sadd.s32 $0x58, s1;
	v9 =	vadd.s32 v2, v9;
	v14 =	vor.u32 v7, v14;
	v16 =	vld [tilespmem:s10+$0x20];
	v8 =	vor.u32 v1, v8  }
0x367: {  	v17 =	vmov s8;
	[tilespmem:v6+s18+$0x0] =	vst.idx.msk $0xffff, v15;
	v6 =	vor.u32 v7, v18;
	v7 =	vor.u32 v7, v9  }
0x368: {  	v9 =	vor.u32 v1, v14;
	v14 =	vshll.u32 v17, $0x1;
	v15 =	vld [tilespmem:s15+$0x20];
	v6 =	vor.u32 v1, v6;
	[tilespmem:v10+s18+$0x0] =	vst.idx.msk $0xffff, v12  }
0x369: {  	v10 =	vor.u32 s8, v0;
	v7 =	vor.u32 v1, v7;
	[tilespmem:v11+s18+$0x0] =	vst.idx.msk $0xffff, v13;
	v11 =	vand.u32 $0x7FFFFF00, v14;
	v12 =	vld [tilespmem:s9+$0x20]  }
0x36a: {  	v10 =	vand.u32 $0x5F, v10;
	v13 =	vld [tilespmem:s14+$0x20];
	v14 =	vadd.s32 v3, v11;
	v17 =	vadd.s32 v4, v11  }
0x36b: {  	v18 =	vadd.s32 v5, v11;
	[tilespmem:v8+s18+$0x0] =	vst.idx.msk $0xffff, v16;
	v8 =	vor.u32 v10, v17  }
0x36c: {  	s8 =	sadd.s32 $0x60, s1;
	v11 =	vadd.s32 v2, v11;
	v14 =	vor.u32 v10, v14;
	v16 =	vld [tilespmem:s10+$0x30];
	v8 =	vor.u32 v1, v8  }
0x36d: {  	v17 =	vmov s8;
	[tilespmem:v6+s18+$0x0] =	vst.idx.msk $0xffff, v15;
	v6 =	vor.u32 v10, v18;
	v10 =	vor.u32 v10, v11  }
0x36e: {  	v11 =	vor.u32 v1, v14;
	v14 =	vshll.u32 v17, $0x1;
	v15 =	vld [tilespmem:s15+$0x30];
	v6 =	vor.u32 v1, v6;
	[tilespmem:v7+s18+$0x0] =	vst.idx.msk $0xffff, v12  }
0x36f: {  	v7 =	vor.u32 s8, v0;
	v10 =	vor.u32 v1, v10;
	[tilespmem:v9+s18+$0x0] =	vst.idx.msk $0xffff, v13;
	v9 =	vand.u32 $0x7FFFFF00, v14;
	v12 =	vld [tilespmem:s9+$0x30]  }
0x370: {  	v7 =	vand.u32 $0x67, v7;
	v13 =	vld [tilespmem:s14+$0x30];
	v14 =	vadd.s32 v3, v9;
	v17 =	vadd.s32 v4, v9  }
0x371: {  	v18 =	vadd.s32 v5, v9;
	[tilespmem:v8+s18+$0x0] =	vst.idx.msk $0xffff, v16;
	v8 =	vor.u32 v7, v17  }
0x372: {  	s8 =	sadd.s32 $0x68, s1;
	v9 =	vadd.s32 v2, v9;
	v14 =	vor.u32 v7, v14;
	v16 =	vld [tilespmem:s10+$0x40];
	v8 =	vor.u32 v1, v8  }
0x373: {  	v17 =	vmov s8;
	[tilespmem:v6+s18+$0x0] =	vst.idx.msk $0xffff, v15;
	v6 =	vor.u32 v7, v18;
	v7 =	vor.u32 v7, v9  }
0x374: {  	v9 =	vor.u32 v1, v14;
	v14 =	vshll.u32 v17, $0x1;
	v15 =	vld [tilespmem:s15+$0x40];
	v6 =	vor.u32 v1, v6;
	[tilespmem:v10+s18+$0x0] =	vst.idx.msk $0xffff, v12  }
0x375: {  	v10 =	vor.u32 s8, v0;
	v7 =	vor.u32 v1, v7;
	[tilespmem:v11+s18+$0x0] =	vst.idx.msk $0xffff, v13;
	v11 =	vand.u32 $0x7FFFFF00, v14;
	v12 =	vld [tilespmem:s9+$0x40]  }
0x376: {  	v10 =	vand.u32 $0x6F, v10;
	v13 =	vld [tilespmem:s14+$0x40];
	v14 =	vadd.s32 v3, v11;
	v17 =	vadd.s32 v4, v11  }
0x377: {  	v18 =	vadd.s32 v5, v11;
	[tilespmem:v8+s18+$0x0] =	vst.idx.msk $0xffff, v16;
	v8 =	vor.u32 v10, v17  }
0x378: {  	s8 =	sadd.s32 $0x70, s1;
	v11 =	vadd.s32 v2, v11;
	v14 =	vor.u32 v10, v14;
	v16 =	vld [tilespmem:s10+$0x50];
	v8 =	vor.u32 v1, v8  }
0x379: {  	v17 =	vmov s8;
	[tilespmem:v6+s18+$0x0] =	vst.idx.msk $0xffff, v15;
	v6 =	vor.u32 v10, v18;
	v10 =	vor.u32 v10, v11  }
0x37a: {  	v11 =	vor.u32 v1, v14;
	v14 =	vshll.u32 v17, $0x1;
	v15 =	vld [tilespmem:s15+$0x50];
	v6 =	vor.u32 v1, v6;
	[tilespmem:v7+s18+$0x0] =	vst.idx.msk $0xffff, v12  }
0x37b: {  	v7 =	vor.u32 s8, v0;
	v10 =	vor.u32 v1, v10;
	[tilespmem:v9+s18+$0x0] =	vst.idx.msk $0xffff, v13;
	v9 =	vand.u32 $0x7FFFFF00, v14;
	v12 =	vld [tilespmem:s9+$0x50]  }
0x37c: {  	v7 =	vand.u32 $0x77, v7;
	v13 =	vld [tilespmem:s14+$0x50];
	v14 =	vadd.s32 v3, v9;
	v17 =	vadd.s32 v4, v9  }
0x37d: {  	v18 =	vadd.s32 v5, v9;
	[tilespmem:v8+s18+$0x0] =	vst.idx.msk $0xffff, v16;
	v8 =	vor.u32 v7, v17  }
0x37e: {  	s8 =	sadd.s32 $0x78, s1;
	v9 =	vadd.s32 v2, v9;
	v14 =	vor.u32 v7, v14;
	v16 =	vld [tilespmem:s10+$0x60];
	v8 =	vor.u32 v1, v8  }
0x37f: {  	v17 =	vmov s8;
	[tilespmem:v6+s18+$0x0] =	vst.idx.msk $0xffff, v15;
	v6 =	vor.u32 v7, v18;
	v7 =	vor.u32 v7, v9  }
0x380: {  	v9 =	vor.u32 v1, v14;
	v14 =	vshll.u32 v17, $0x1;
	v15 =	vld [tilespmem:s15+$0x60];
	v6 =	vor.u32 v1, v6;
	[tilespmem:v10+s18+$0x0] =	vst.idx.msk $0xffff, v12  }
0x381: {  	v10 =	vor.u32 s8, v0;
	v7 =	vor.u32 v1, v7;
	[tilespmem:v11+s18+$0x0] =	vst.idx.msk $0xffff, v13;
	v11 =	vand.u32 $0x7FFFFF00, v14;
	v12 =	vld [tilespmem:s9+$0x60]  }
0x382: {  	v10 =	vand.u32 $0x7F, v10;
	v13 =	vld [tilespmem:s14+$0x60];
	v14 =	vadd.s32 v3, v11;
	v17 =	vadd.s32 v4, v11  }
0x383: {  	v18 =	vadd.s32 v5, v11;
	[tilespmem:v8+s18+$0x0] =	vst.idx.msk $0xffff, v16;
	v8 =	vor.u32 v10, v17  }
0x384: {  	s8 =	sadd.s32 $0x80, s1;
	v11 =	vadd.s32 v2, v11;
	v14 =	vor.u32 v10, v14;
	v16 =	vld [tilespmem:s10+$0x70];
	v8 =	vor.u32 v1, v8  }
0x385: {  	v17 =	vmov s8;
	[tilespmem:v6+s18+$0x0] =	vst.idx.msk $0xffff, v15;
	v6 =	vor.u32 v10, v18;
	v10 =	vor.u32 v10, v11  }
0x386: {  	v11 =	vor.u32 v1, v14;
	v14 =	vshll.u32 v17, $0x1;
	v15 =	vld [tilespmem:s15+$0x70];
	v6 =	vor.u32 v1, v6;
	[tilespmem:v7+s18+$0x0] =	vst.idx.msk $0xffff, v12  }
0x387: {  	v7 =	vor.u32 s8, v0;
	v10 =	vor.u32 v1, v10;
	[tilespmem:v9+s18+$0x0] =	vst.idx.msk $0xffff, v13;
	v9 =	vand.u32 $0x7FFFFF00, v14;
	v12 =	vld [tilespmem:s9+$0x70]  }
0x388: {  	s8 =	sadd.s32 $0x3800, s11;
	v7 =	vand.u32 $0x47, v7;
	v13 =	vld [tilespmem:s14+$0x70];
	v14 =	vadd.s32 v3, v9;
	v17 =	vadd.s32 v4, v9  }
0x389: {  	s11 =	sor.u32 s5, s8;
	s0 =	sor.u32 s0, s8;
	v18 =	vadd.s32 v5, v9;
	s14 =	sor.u32 s25, s8;
	[tilespmem:v8+s18+$0x0] =	vst.idx.msk $0xffff, v16;
	v8 =	vor.u32 v7, v17  }
0x38a: {  	s9 =	sadd.s32 $0x88, s1;
	s5 =	sor.u32 s16, s8;
	v9 =	vadd.s32 v2, v9;
	v14 =	vor.u32 v7, v14;
	v16 =	vld [tilespmem:s14+$0x0];
	v8 =	vor.u32 v1, v8  }
0x38b: {  	v17 =	vmov s9;
	[tilespmem:v6+s18+$0x0] =	vst.idx.msk $0xffff, v15;
	v6 =	vor.u32 v7, v18;
	v7 =	vor.u32 v7, v9  }
0x38c: {  	v9 =	vor.u32 v1, v14;
	v14 =	vshll.u32 v17, $0x1;
	v15 =	vld [tilespmem:s0+$0x0];
	v6 =	vor.u32 v1, v6;
	[tilespmem:v10+s18+$0x0] =	vst.idx.msk $0xffff, v12  }
0x38d: {  	v10 =	vor.u32 s9, v0;
	v7 =	vor.u32 v1, v7;
	[tilespmem:v11+s18+$0x0] =	vst.idx.msk $0xffff, v13;
	v11 =	vand.u32 $0x7FFFFF00, v14;
	v12 =	vld [tilespmem:s5+$0x0]  }
0x38e: {  	v10 =	vand.u32 $0x4F, v10;
	v13 =	vld [tilespmem:s11+$0x0];
	v14 =	vadd.s32 v3, v11;
	v17 =	vadd.s32 v4, v11  }
0x38f: {  	v18 =	vadd.s32 v5, v11;
	[tilespmem:v8+s18+$0x0] =	vst.idx.msk $0xffff, v16;
	v8 =	vor.u32 v10, v17  }
0x390: {  	s8 =	sadd.s32 $0x90, s1;
	v11 =	vadd.s32 v2, v11;
	v14 =	vor.u32 v10, v14;
	v16 =	vld [tilespmem:s14+$0x10];
	v8 =	vor.u32 v1, v8  }
0x391: {  	v17 =	vmov s8;
	[tilespmem:v6+s18+$0x0] =	vst.idx.msk $0xffff, v15;
	v6 =	vor.u32 v10, v18;
	v10 =	vor.u32 v10, v11  }
0x392: {  	v11 =	vor.u32 v1, v14;
	v14 =	vshll.u32 v17, $0x1;
	v15 =	vld [tilespmem:s0+$0x10];
	v6 =	vor.u32 v1, v6;
	[tilespmem:v7+s18+$0x0] =	vst.idx.msk $0xffff, v12  }
0x393: {  	v7 =	vor.u32 s8, v0;
	v10 =	vor.u32 v1, v10;
	[tilespmem:v9+s18+$0x0] =	vst.idx.msk $0xffff, v13;
	v9 =	vand.u32 $0x7FFFFF00, v14;
	v12 =	vld [tilespmem:s5+$0x10]  }
0x394: {  	v7 =	vand.u32 $0x57, v7;
	v13 =	vld [tilespmem:s11+$0x10];
	v14 =	vadd.s32 v3, v9;
	v17 =	vadd.s32 v4, v9  }
0x395: {  	v18 =	vadd.s32 v5, v9;
	[tilespmem:v8+s18+$0x0] =	vst.idx.msk $0xffff, v16;
	v8 =	vor.u32 v7, v17  }
0x396: {  	s8 =	sadd.s32 $0x98, s1;
	v9 =	vadd.s32 v2, v9;
	v14 =	vor.u32 v7, v14;
	v16 =	vld [tilespmem:s14+$0x20];
	v8 =	vor.u32 v1, v8  }
0x397: {  	v17 =	vmov s8;
	[tilespmem:v6+s18+$0x0] =	vst.idx.msk $0xffff, v15;
	v6 =	vor.u32 v7, v18;
	v7 =	vor.u32 v7, v9  }
0x398: {  	v9 =	vor.u32 v1, v14;
	v14 =	vshll.u32 v17, $0x1;
	v15 =	vld [tilespmem:s0+$0x20];
	v6 =	vor.u32 v1, v6;
	[tilespmem:v10+s18+$0x0] =	vst.idx.msk $0xffff, v12  }
0x399: {  	v10 =	vor.u32 s8, v0;
	v7 =	vor.u32 v1, v7;
	[tilespmem:v11+s18+$0x0] =	vst.idx.msk $0xffff, v13;
	v11 =	vand.u32 $0x7FFFFF00, v14;
	v12 =	vld [tilespmem:s5+$0x20]  }
0x39a: {  	v10 =	vand.u32 $0x5F, v10;
	v13 =	vld [tilespmem:s11+$0x20];
	v14 =	vadd.s32 v3, v11;
	v17 =	vadd.s32 v4, v11  }
0x39b: {  	v18 =	vadd.s32 v5, v11;
	[tilespmem:v8+s18+$0x0] =	vst.idx.msk $0xffff, v16;
	v8 =	vor.u32 v10, v17  }
0x39c: {  	s8 =	sadd.s32 $0xA0, s1;
	v11 =	vadd.s32 v2, v11;
	v14 =	vor.u32 v10, v14;
	v16 =	vld [tilespmem:s14+$0x30];
	v8 =	vor.u32 v1, v8  }
0x39d: {  	v17 =	vmov s8;
	[tilespmem:v6+s18+$0x0] =	vst.idx.msk $0xffff, v15;
	v6 =	vor.u32 v10, v18;
	v10 =	vor.u32 v10, v11  }
0x39e: {  	v11 =	vor.u32 v1, v14;
	v14 =	vshll.u32 v17, $0x1;
	v15 =	vld [tilespmem:s0+$0x30];
	v6 =	vor.u32 v1, v6;
	[tilespmem:v7+s18+$0x0] =	vst.idx.msk $0xffff, v12  }
0x39f: {  	v7 =	vor.u32 s8, v0;
	v10 =	vor.u32 v1, v10;
	[tilespmem:v9+s18+$0x0] =	vst.idx.msk $0xffff, v13;
	v9 =	vand.u32 $0x7FFFFF00, v14;
	v12 =	vld [tilespmem:s5+$0x30]  }
0x3a0: {  	v7 =	vand.u32 $0x67, v7;
	v13 =	vld [tilespmem:s11+$0x30];
	v14 =	vadd.s32 v3, v9;
	v17 =	vadd.s32 v4, v9  }
0x3a1: {  	v18 =	vadd.s32 v5, v9;
	[tilespmem:v8+s18+$0x0] =	vst.idx.msk $0xffff, v16;
	v8 =	vor.u32 v7, v17  }
0x3a2: {  	s8 =	sadd.s32 $0xA8, s1;
	v9 =	vadd.s32 v2, v9;
	v14 =	vor.u32 v7, v14;
	v16 =	vld [tilespmem:s14+$0x40];
	v8 =	vor.u32 v1, v8  }
0x3a3: {  	v17 =	vmov s8;
	[tilespmem:v6+s18+$0x0] =	vst.idx.msk $0xffff, v15;
	v6 =	vor.u32 v7, v18;
	v7 =	vor.u32 v7, v9  }
0x3a4: {  	v9 =	vor.u32 v1, v14;
	v14 =	vshll.u32 v17, $0x1;
	v15 =	vld [tilespmem:s0+$0x40];
	v6 =	vor.u32 v1, v6;
	[tilespmem:v10+s18+$0x0] =	vst.idx.msk $0xffff, v12  }
0x3a5: {  	v10 =	vor.u32 s8, v0;
	v7 =	vor.u32 v1, v7;
	[tilespmem:v11+s18+$0x0] =	vst.idx.msk $0xffff, v13;
	v11 =	vand.u32 $0x7FFFFF00, v14;
	v12 =	vld [tilespmem:s5+$0x40]  }
0x3a6: {  	v10 =	vand.u32 $0x6F, v10;
	v13 =	vld [tilespmem:s11+$0x40];
	v14 =	vadd.s32 v3, v11;
	v17 =	vadd.s32 v4, v11  }
0x3a7: {  	v18 =	vadd.s32 v5, v11;
	[tilespmem:v8+s18+$0x0] =	vst.idx.msk $0xffff, v16;
	v8 =	vor.u32 v10, v17  }
0x3a8: {  	s8 =	sadd.s32 $0xB0, s1;
	v11 =	vadd.s32 v2, v11;
	v14 =	vor.u32 v10, v14;
	v16 =	vld [tilespmem:s14+$0x50];
	v8 =	vor.u32 v1, v8  }
0x3a9: {  	v17 =	vmov s8;
	[tilespmem:v6+s18+$0x0] =	vst.idx.msk $0xffff, v15;
	v6 =	vor.u32 v10, v18;
	v10 =	vor.u32 v10, v11  }
0x3aa: {  	v14 =	vor.u32 v1, v14;
	v11 =	vshll.u32 v17, $0x1;
	v15 =	vld [tilespmem:s0+$0x50];
	v6 =	vor.u32 v1, v6;
	[tilespmem:v7+s18+$0x0] =	vst.idx.msk $0xffff, v12  }
0x3ab: {  	v7 =	vor.u32 s8, v0;
	[tilespmem:v9+s18+$0x0] =	vst.idx.msk $0xffff, v13;
	v9 =	vand.u32 $0x7FFFFF00, v11;
	v12 =	vld [tilespmem:s5+$0x50];
	v13 =	vor.u32 v1, v10  }
0x3ac: {  	v7 =	vand.u32 $0x77, v7;
	v17 =	vld [tilespmem:s11+$0x50];
	v10 =	vadd.s32 v3, v9;
	v11 =	vadd.s32 v4, v9  }
0x3ad: {  	v18 =	vadd.s32 v5, v9;
	[tilespmem:v8+s18+$0x0] =	vst.idx.msk $0xffff, v16;
	v8 =	vor.u32 v7, v11  }
0x3ae: {  	s1 =	sadd.s32 $0xB8, s1;
	v9 =	vadd.s32 v2, v9;
	v10 =	vor.u32 v7, v10;
	v16 =	vld [tilespmem:s14+$0x60];
	v19 =	vor.u32 v1, v8  }
.Ltmp6:
0x3af: {  	v11 =	vor.u32 v7, v18;
	v7 =	vor.u32 v7, v9;
	v8 =	vmov s1;
	[tilespmem:v6+s18+$0x0] =	vst.idx.msk $0xffff, v15;
	(pc) =	sbr.rel @p1 .LBB2_9-.Ltmp6, $4  }
0x3b0: {  	v11 =	vor.u32 v1, v11;
	v6 =	vor.u32 v1, v10;
	v8 =	vshll.u32 v8, $0x1;
	v10 =	vld [tilespmem:s0+$0x60];
	[tilespmem:v13+s18+$0x0] =	vst.idx.msk $0xffff, v12  }
0x3b1: {  	v7 =	vor.u32 v1, v7;
	v12 =	vor.u32 s1, v0;
	v13 =	vand.u32 $0x7FFFFF00, v8;
	[tilespmem:v14+s18+$0x0] =	vst.idx.msk $0xffff, v17;
	v8 =	vld [tilespmem:s5+$0x60]  }
0x3b2: {  	v12 =	vand.u32 $0x7F, v12;
	v14 =	vadd.s32 v3, v13;
	v4 =	vadd.s32 v4, v13;
	v9 =	vld [tilespmem:s11+$0x60]  }
0x3b3: {  	v3 =	vadd.s32 v5, v13;
	v4 =	vor.u32 v12, v4;
	[tilespmem:v19+s18+$0x0] =	vst.idx.msk $0xffff, v16  }
0x3b4: {  	_ =	sdelay $0x2  }
0x3b5: {  	v4 =	vor.u32 v1, v4  }
0x3b6: {  	v63 =	vld [tilespmem:s14+$0x70];
	v3 =	vor.u32 v12, v3;
	v2 =	vadd.s32 v2, v13;
	[tilespmem:v11+s18+$0x0] =	vst.idx.msk $0xffff, v10  }
0x3b7: {  	v3 =	vor.u32 v1, v3;
	v2 =	vor.u32 v12, v2;
	v11 =	vld [tilespmem:s0+$0x70];
	[tilespmem:v7+s18+$0x0] =	vst.idx.msk $0xffff, v8  }
0x3b8: {  	v5 =	vor.u32 v12, v14;
	v2 =	vor.u32 v1, v2;
	[tilespmem:v6+s18+$0x0] =	vst.idx.msk $0xffff, v9;
	v7 =	vld [tilespmem:s5+$0x70]  }
0x3b9: {  	v5 =	vor.u32 v1, v5;
	v6 =	vld [tilespmem:s11+$0x70];
	_ =	sdelay $0x1  }
0x3ba: {  	[tilespmem:v4+s18+$0x0] =	vst.idx.msk $0xffff, v63  }
0x3bb: {  	[tilespmem:v3+s18+$0x0] =	vst.idx.msk $0xffff, v11  }
0x3bc: {  	[tilespmem:v2+s18+$0x0] =	vst.idx.msk $0xffff, v7  }
0x3bd: {  	[tilespmem:v5+s18+$0x0] =	vst.idx.msk $0xffff, v6  }
.Ltmp7:
0x3be: {  	s31 =	rddreg [dreg:$0x6];
	(pc) =	sbr.rel .LBB2_11-.Ltmp7, $4  }
0x3bf: {  	[hbm4b:s31+s19] =	stream.strided.scatter [tilespmem:s18], [sflag:$0x4], $0x1800, s20, s19, $0x38;
	[tilespmem:$0x7800] =	vst v63  }
0x3c0: {  	_ =	swait.ge [sflag:s23], $0x1800  }
0x3c1: {  	[sflag:s23] =	ssyncset.done $0x0  }
0x3c2: {  	[sflag:s23] =	ssyncadd.s32 $0xFFFFE800  }
.LBB2_12:
0x3c3: {  	_ =	sfence.sel $0x180000  }
0x3c4: {  	[bflag:$0x0] =	sbarrier.arrive $0xFFFF  }
0x3c5: {  	_ =	strace $0x90000047  }
0x3c6: {  	s0 =	stileid.u32;
	[bflag:$0x2] =	sbarrier.arrive $0xFFFF  }
0x3c7: {  	p0 =	sne.s32 s0, $0x0;
	s0 =	rddreg [dreg:$0x2]  }
0x3c8: {  	s0 =	sadd.s32 @!p0 $0x100000, s0  }
0x3c9: {  	[sflag:s0] =	ssyncadd.tile.s32 @!p0 $0x1;
	_ =	shalt  }
.Lfunc_end2:
_tile_overlayer_lowered:
.L_overlay_start_2:
0x3ca: {  	(tag) =	ssettag $0x2  }
0x3cb: {  	s0 =	rddreg [dreg:$0x0];
	s2 =	stileid.u32  }
0x3cc: {  	s1 =	rddreg [dreg:$0x1];
	p0 =	sne.s32 s2, $0x0  }
0x3cd: {  	s3 =	rddreg [dreg:$0x2];
	[bflag:$0x3] =	sbarrier.arrive $0xFFFF;
	s2 =	simm.s32 @!p0 $0x1C06  }
0x3ce: {  	[timem:s3], [sflag:s2] =	dma.local @!p0 [hbm:s0], s1  }
0x3cf: {  	s0 =	simm.s32 @!p0 $0x6  }
0x3d0: {  	_ =	swait.ge @!p0 [sflag:s0], s1  }
0x3d1: {  	s1 =	ssub.s32 @!p0 $0x0, s1;
	[sflag:s0] =	ssyncset.done @!p0 $0x0  }
0x3d2: {  	[sflag:s0] =	ssyncadd.s32 @!p0 s1  }
0x3d3: {  	[bflag:$0x3] =	sbarrier.arrive $0xFFFF  }
0x3d4: {  	_ =	shalt  }

</sc_bundles>
